<compile_context>
chip_gen: v7x
topology: tpu7x:2x2x1
jax: 0.10.2.dev20260603
libtpu: 0.0.44.dev20260713+nightly
codegen_flags: <defaults>
</compile_context>

<pallas_src>
import functools

import jax
import jax.numpy as jnp
from jax import lax
from jax.experimental import pallas as pl
from jax.experimental.pallas import tpu as pltpu
from jax.experimental.pallas import tpu_sc as plsc

_V = 10242
_KN = 9
_KS = 9
_BS = 8
_C = 32
_BC = _BS * _C
_VB = 512
_VPAD = 10752
_NT = 3
_VT = _VPAD // _NT
_NB = _VT // _VB
_NC = 2
_NS = 16
_NW = _NC * _NS
_ROWS = _KN * _VT
_PER_W = _ROWS // _NW
_CH = 168
_NCH = _PER_W // _CH


def _sc_gather(table, idx_flat):
    mesh = plsc.VectorSubcoreMesh(core_axis_name="c", subcore_axis_name="s")

    @functools.partial(
        pl.kernel,
        mesh=mesh,
        out_type=jax.ShapeDtypeStruct((_ROWS, _BC // 2), jnp.int32),
        scratch_types=[
            pltpu.VMEM((_PER_W,), jnp.int32),
            pltpu.VMEM((_CH, _BC // 2), jnp.int32),
            pltpu.VMEM((_CH, _BC // 2), jnp.int32),
            pltpu.VMEM_SHARED((_V, _BC // 2), jnp.int32),
            pltpu.SemaphoreType.DMA,
            pltpu.SemaphoreType.DMA,
            pltpu.SemaphoreType.DMA,
            pltpu.SemaphoreType.DMA,
        ],
    )
    def gather_kernel(table_hbm, idx_hbm, out_hbm,
                      idx_all, r0, r1, tbl_s, sg0, sg1, ss0, ss1):
        sid = lax.axis_index("s")
        wid = sid * _NC + lax.axis_index("c")
        wbase = wid * _PER_W
        pltpu.sync_copy(table_hbm.at[pl.ds(sid * 640, 640)],
                        tbl_s.at[pl.ds(sid * 640, 640)])

        @pl.when(sid == 0)
        def _():
            pltpu.sync_copy(table_hbm.at[pl.ds(10240, 2)],
                            tbl_s.at[pl.ds(10240, 2)])

        pltpu.sync_copy(idx_hbm.at[pl.ds(wbase, _PER_W)], idx_all)
        plsc.subcore_barrier()
        rows, sg, ss = (r0, r1), (sg0, sg1), (ss0, ss1)
        scatters = [None, None]
        for i in range(_NCH):
            b = i % 2
            if scatters[b] is not None:
                scatters[b].wait()
            g = pltpu.async_copy(
                tbl_s.at[idx_all.at[pl.ds(i * _CH, _CH)]], rows[b], sg[b])
            g.wait()
            scatters[b] = pltpu.async_copy(
                rows[b], out_hbm.at[pl.ds(wbase + i * _CH, _CH)], ss[b])
        for b in range(2):
            if scatters[b] is not None:
                scatters[b].wait()

    return gather_kernel(table, idx_flat)


def _tc_body(g_ref, itp_ref, w3_ref, ones_ref, bias_ref, out_ref):
    gf = []
    for k in range(_KN):
        gi = g_ref[k]
        lo = lax.bitcast_convert_type(gi << 16, jnp.float32)
        hi = lax.bitcast_convert_type(gi & jnp.int32(-65536), jnp.float32)
        gf.append(jnp.concatenate([lo, hi], axis=1))
    nzf = (gf[0] != 0.0).astype(jnp.float32)
    for k in range(1, _KN):
        nzf += (gf[k] != 0.0).astype(jnp.float32)
    cnt = jnp.dot(nzf, ones_ref[...], preferred_element_type=jnp.float32)
    acc = jnp.zeros((_VB, _BC), jnp.float32)
    for s in range(_KS):
        xs = gf[0] * itp_ref[:, s:s + 1]
        for k in range(1, _KN):
            xs = xs + gf[k] * itp_ref[:, k * _KS + s:k * _KS + s + 1]
        acc = acc + jnp.dot(xs, w3_ref[s], preferred_element_type=jnp.float32)
    acc = acc + bias_ref[0][None, :]
    out_ref[...] = jnp.where(cnt > 0.0, acc, 0.0)


def _tc_compute(g, itp_r, w3, ones_bd, bias_bc):
    return pl.pallas_call(
        _tc_body,
        grid=(_NB,),
        in_specs=[
            pl.BlockSpec((_KN, _VB, _BC // 2), lambda i: (0, i, 0)),
            pl.BlockSpec((_VB, _KN * _KS), lambda i: (i, 0)),
            pl.BlockSpec((_KS, _BC, _BC), lambda i: (0, 0, 0)),
            pl.BlockSpec((_BC, _BC), lambda i: (0, 0)),
            pl.BlockSpec((1, _BC), lambda i: (0, 0)),
        ],
        out_specs=pl.BlockSpec((_VB, _BC), lambda i: (i, 0)),
        out_shape=jax.ShapeDtypeStruct((_VT, _BC), jnp.float32),
    )(g, itp_r, w3, ones_bd, bias_bc)


def kernel(tensor, index, itp_mat, conv_weight, conv_bias):
    bs, c, v_num = tensor.shape
    tbl = jnp.transpose(tensor, (2, 0, 1)).reshape(v_num, bs * c)
    d16 = lax.bitcast_convert_type(tbl.astype(jnp.bfloat16), jnp.uint16)
    w_lo = d16[:, :_BC // 2].astype(jnp.uint32)
    w_hi = d16[:, _BC // 2:].astype(jnp.uint32)
    table = lax.bitcast_convert_type(w_lo | (w_hi << 16), jnp.int32)
    idx_km = jnp.transpose(index.astype(jnp.int32), (1, 0))
    pad_v = _VPAD - v_num
    idx_ts = [
        idx_km[:, :_VT].reshape(-1),
        idx_km[:, _VT:2 * _VT].reshape(-1),
        jnp.pad(idx_km[:, 2 * _VT:], ((0, 0), (0, pad_v))).reshape(-1),
    ]
    itp_ts = [
        itp_mat[:_VT].reshape(_VT, _KN * _KS),
        itp_mat[_VT:2 * _VT].reshape(_VT, _KN * _KS),
        jnp.pad(itp_mat[2 * _VT:],
                ((0, pad_v), (0, 0), (0, 0))).reshape(_VT, _KN * _KS),
    ]

    w = conv_weight[:, :, 0, :]
    eye8 = jnp.eye(_BS, dtype=jnp.float32)
    w3 = jnp.einsum("ocs,de->sdceo", w, eye8).reshape(_KS, _BC, _BC)
    ones_bd = jnp.kron(eye8, jnp.ones((_C, _C), jnp.float32))
    bias_bc = jnp.tile(conv_bias, _BS).reshape(1, _BC)

    out = jnp.zeros((_VPAD, _BC), jnp.float32)
    for t in range(_NT):
        g_t = _sc_gather(table, idx_ts[t]).reshape(_KN, _VT, _BC // 2)
        o_t = _tc_compute(g_t, itp_ts[t], w3, ones_bd, bias_bc)
        out = lax.dynamic_update_slice(out, o_t, (t * _VT, 0))
    return jnp.transpose(out[:v_num], (1, 0)).reshape(bs, c, v_num)

# --- scband reference (transcript-rebuilt; emitter-appended) ---
"""Pipeline reference for scband-sparse-sphere-conv-31731218383017 (READ-ONLY COPY).

The authoritative reference and input builder live on the scoring server;
editing this copy changes nothing except your own understanding.
"""

import jax, jax.numpy as jnp
import numpy as np

V_NUM = 10242
KN = 9
KS = 9
BS = 8
C = 32

def setup_inputs(seed: int = 0) -> dict:
    key = jax.random.key(seed)
    k1, k2, k3, k4, k5 = jax.random.split(key, 5)
    tensor = jax.random.normal(k1, (BS, C, V_NUM), dtype=jnp.float32)
    index = jax.random.randint(k2, (V_NUM, KN), 0, V_NUM)
    itp_mat = jax.random.uniform(k3, (V_NUM, KN, KS), dtype=jnp.float32)
    conv_weight = jax.random.normal(k4, (C, C, 1, KS), dtype=jnp.float32) * 0.05
    conv_bias = jax.random.normal(k5, (C,), dtype=jnp.float32) * 0.05
    return {"tensor": tensor, "index": index, "itp_mat": itp_mat,
            "conv_weight": conv_weight, "conv_bias": conv_bias}

def _compute_select_index(t_np, bs, V):
    # mirrors sparse_prepare: keep columns whose per-column min or max over (C, K) is nonzero
    mn = t_np.min(axis=0).min(axis=1)
    mx = t_np.max(axis=0).max(axis=1)
    sel3 = np.union1d(np.where(mn != 0)[0], np.where(mx != 0)[0])
    # select_index = intersect1d(arange(V), arange(v_num[level-stride+1])) = arange(V) for stride=1
    base = (np.arange(bs) * V).repeat(V)
    sel12 = np.tile(np.arange(V), bs) + base
    return np.intersect1d(sel3, sel12)

def reference(tensor, index, itp_mat, conv_weight, conv_bias):
    bs, c, V = tensor.shape
    # interpolate(): gather neighbor ring
    t = jnp.transpose(tensor, (2, 0, 1))          # (V, bs, C)
    t = t[index]                                  # (V, KN, bs, C)
    t = jnp.transpose(t, (3, 2, 0, 1))            # (C, bs, V, KN)
    t = t.reshape(c, bs * V, -1)                  # (C, bs*V, KN)
    # sparse_prepare (data-dependent selection, expressed as a fixed-shape mask)
    mn = t.min(axis=0).min(axis=1)
    mx = t.max(axis=0).max(axis=1)
    select_mask = (mn != 0) | (mx != 0)           # (bs*V,)
    itp = jnp.tile(itp_mat, (bs, 1, 1))           # (bs*V, KN, KS)
    # Interploate.apply: batched matmul (chunked in torch only for memory; same math)
    out = jnp.matmul(t[:, :, None, :], itp)       # (C, bs*V, 1, KS)
    x = out[:, :, 0, :]                           # (C, bs*V, KS)
    # Conv2d(C, C, (1, KS)) on (1, C, S, KS) -> (1, C_out, S, 1)
    y = jnp.einsum('csk,ock->os', x, conv_weight[:, :, 0, :]) + conv_bias[:, None]  # (C_out, bs*V)
    # sparse_reset: scatter back then trim to v_num3 (= V for stride=1)
    full = jnp.where(select_mask[None, :], y, jnp.zeros_like(y))
    full = full.reshape(y.shape[0], bs, V)
    full = full[:, :, :V]
    return jnp.transpose(full, (1, 0, 2))         # (bs, C_out, V)

if __name__ == "__main__":
    import jax
    _d = setup_inputs()
    print(jax.jit(kernel)(*tuple(_d.values())))

</pallas_src>

<mosaic_0001>
#map = affine_map<(d0, d1) -> (0, 0)>
#map1 = affine_map<(d0, d1) -> (0)>
module attributes {stable_mosaic.version = 14 : i64} {
  func.func @gather_kernel(%arg0: i32, %arg1: i32, %arg2: memref<10242x128xi32, #tpu.memory_space<hbm>>, %arg3: memref<32256xi32, #tpu.memory_space<hbm>>, %arg4: memref<32256x128xi32, #tpu.memory_space<hbm>>, %arg5: memref<1008xi32, #tpu.memory_space<vmem>>, %arg6: memref<168x128xi32, #tpu.memory_space<vmem>>, %arg7: memref<168x128xi32, #tpu.memory_space<vmem>>, %arg8: memref<10242x128xi32, #tpu.memory_space<vmem_shared>>, %arg9: memref<!tpu.dma_semaphore, #tpu.memory_space<semaphore_mem>>, %arg10: memref<!tpu.dma_semaphore, #tpu.memory_space<semaphore_mem>>, %arg11: memref<!tpu.dma_semaphore, #tpu.memory_space<semaphore_mem>>, %arg12: memref<!tpu.dma_semaphore, #tpu.memory_space<semaphore_mem>>) attributes {dimension_semantics = [#tpu.dimension_semantics<core_parallel>, #tpu.dimension_semantics<subcore_parallel>], iteration_bounds = array<i64: 2, 16>, scalar_prefetch = 0 : i64, scratch_operands = 8 : i64, tpu.core_type = #tpu.core_type<sc_vector_subcore>, window_params = [{transform_indices = #map}, {transform_indices = #map1}, {transform_indices = #map}]} {
    %mul3A = arith.constant 2 : i32
    %mul3A_0 = arith.muli %arg1, %mul3A : i32
    %add3A = arith.addi %mul3A_0, %arg0 : i32
    %mul3A_1 = arith.constant 1008 : i32
    %mul3A_2 = arith.muli %add3A, %mul3A_1 : i32
    %mul3A_3 = arith.constant 640 : i32
    %mul3A_4 = arith.muli %arg1, %mul3A_3 : i32
    %mul3A_5 = arith.constant 640 : i32
    %mul3A_6 = arith.muli %arg1, %mul3A_5 : i32
    "tpu.region"() ({
      %run_scoped3A = tpu.sem_alloc : memref<!tpu.dma_semaphore, #tpu.memory_space<semaphore_mem>>
      %dma_start3A_127 = arith.constant 0 : i32
      %dma_start3A_128 = tpu.memref_slice %arg8[%mul3A_6, %dma_start3A_127] : memref<10242x128xi32, #tpu.memory_space<vmem_shared>> -> memref<640x128xi32, #tpu.memory_space<vmem_shared>>
      %dma_start3A_129 = arith.constant 0 : i32
      %dma_start3A_130 = tpu.memref_slice %arg2[%mul3A_4, %dma_start3A_129] : memref<10242x128xi32, #tpu.memory_space<hbm>> -> memref<640x128xi32, #tpu.memory_space<hbm>>
      tpu.enqueue_dma source(%dma_start3A_130 : memref<640x128xi32, #tpu.memory_space<hbm>>) target(%dma_start3A_128 : memref<640x128xi32, #tpu.memory_space<vmem_shared>>) target_semaphore(%run_scoped3A : memref<!tpu.dma_semaphore, #tpu.memory_space<semaphore_mem>>)
      %dma_wait3A_131 = arith.constant 0 : i32
      %dma_wait3A_132 = tpu.memref_slice %arg8[%mul3A_6, %dma_wait3A_131] : memref<10242x128xi32, #tpu.memory_space<vmem_shared>> -> memref<640x128xi32, #tpu.memory_space<vmem_shared>>
      %dma_wait3A_133 = arith.constant 0 : i32
      %dma_wait3A_134 = tpu.memref_slice %arg2[%mul3A_4, %dma_wait3A_133] : memref<10242x128xi32, #tpu.memory_space<hbm>> -> memref<640x128xi32, #tpu.memory_space<hbm>>
      tpu.wait_dma2 semaphore(%run_scoped3A : memref<!tpu.dma_semaphore, #tpu.memory_space<semaphore_mem>>) src(%dma_wait3A_134 : memref<640x128xi32, #tpu.memory_space<hbm>>) dst(%dma_wait3A_132 : memref<640x128xi32, #tpu.memory_space<vmem_shared>>)
      tpu.yield
    }) : () -> ()
    %eq3A = arith.constant 0 : i32
    %eq3A_7 = arith.cmpi eq, %arg1, %eq3A : i32
    %convert_element_type3A = arith.extui %eq3A_7 : i1 to i32
    %cond3A = arith.constant 0 : i32
    %cond3A_8 = arith.cmpi ne, %convert_element_type3A, %cond3A : i32
    scf.if %cond3A_8 {
      "tpu.region"() ({
        %run_scoped3A = tpu.sem_alloc : memref<!tpu.dma_semaphore, #tpu.memory_space<semaphore_mem>>
        %dma_start3A_127 = arith.constant 10240 : i32
        %dma_start3A_128 = arith.constant 0 : i32
        %dma_start3A_129 = tpu.memref_slice %arg8[%dma_start3A_127, %dma_start3A_128] : memref<10242x128xi32, #tpu.memory_space<vmem_shared>> -> memref<2x128xi32, #tpu.memory_space<vmem_shared>>
        %dma_start3A_130 = arith.constant 10240 : i32
        %dma_start3A_131 = arith.constant 0 : i32
        %dma_start3A_132 = tpu.memref_slice %arg2[%dma_start3A_130, %dma_start3A_131] : memref<10242x128xi32, #tpu.memory_space<hbm>> -> memref<2x128xi32, #tpu.memory_space<hbm>>
        tpu.enqueue_dma source(%dma_start3A_132 : memref<2x128xi32, #tpu.memory_space<hbm>>) target(%dma_start3A_129 : memref<2x128xi32, #tpu.memory_space<vmem_shared>>) target_semaphore(%run_scoped3A : memref<!tpu.dma_semaphore, #tpu.memory_space<semaphore_mem>>)
        %dma_wait3A_133 = arith.constant 10240 : i32
        %dma_wait3A_134 = arith.constant 0 : i32
        %dma_wait3A_135 = tpu.memref_slice %arg8[%dma_wait3A_133, %dma_wait3A_134] : memref<10242x128xi32, #tpu.memory_space<vmem_shared>> -> memref<2x128xi32, #tpu.memory_space<vmem_shared>>
        %dma_wait3A_136 = arith.constant 10240 : i32
        %dma_wait3A_137 = arith.constant 0 : i32
        %dma_wait3A_138 = tpu.memref_slice %arg2[%dma_wait3A_136, %dma_wait3A_137] : memref<10242x128xi32, #tpu.memory_space<hbm>> -> memref<2x128xi32, #tpu.memory_space<hbm>>
        tpu.wait_dma2 semaphore(%run_scoped3A : memref<!tpu.dma_semaphore, #tpu.memory_space<semaphore_mem>>) src(%dma_wait3A_138 : memref<2x128xi32, #tpu.memory_space<hbm>>) dst(%dma_wait3A_135 : memref<2x128xi32, #tpu.memory_space<vmem_shared>>)
        tpu.yield
      }) : () -> ()
    } else {
    }
    "tpu.region"() ({
      %run_scoped3A = tpu.sem_alloc : memref<!tpu.dma_semaphore, #tpu.memory_space<semaphore_mem>>
      %dma_start3A_127 = tpu.memref_slice %arg3[%mul3A_2] : memref<32256xi32, #tpu.memory_space<hbm>> -> memref<1008xi32, #tpu.memory_space<hbm>>
      %dma_start3A_128 = tpu.memref_slice %arg3[%mul3A_2] : memref<32256xi32, #tpu.memory_space<hbm>> -> memref<1008xi32, #tpu.memory_space<hbm>>
      tpu.enqueue_dma source(%dma_start3A_128 : memref<1008xi32, #tpu.memory_space<hbm>>) target(%arg5 : memref<1008xi32, #tpu.memory_space<vmem>>) target_semaphore(%run_scoped3A : memref<!tpu.dma_semaphore, #tpu.memory_space<semaphore_mem>>)
      %dma_wait3A_129 = tpu.memref_slice %arg3[%mul3A_2] : memref<32256xi32, #tpu.memory_space<hbm>> -> memref<1008xi32, #tpu.memory_space<hbm>>
      %dma_wait3A_130 = tpu.memref_slice %arg3[%mul3A_2] : memref<32256xi32, #tpu.memory_space<hbm>> -> memref<1008xi32, #tpu.memory_space<hbm>>
      tpu.wait_dma2 semaphore(%run_scoped3A : memref<!tpu.dma_semaphore, #tpu.memory_space<semaphore_mem>>) src(%dma_wait3A_130 : memref<1008xi32, #tpu.memory_space<hbm>>) dst(%arg5 : memref<1008xi32, #tpu.memory_space<vmem>>)
      tpu.yield
    }) : () -> ()
    %barrier3A = arith.constant 0 : index
    tpu.barrier barrier_id(%barrier3A)
    %dma_start3A = arith.constant 0 : i32
    %dma_start3A_9 = tpu.memref_slice %arg5[%dma_start3A] : memref<1008xi32, #tpu.memory_space<vmem>> -> memref<168xi32, #tpu.memory_space<vmem>>
    %dma_start3A_10 = arith.constant 0 : i32
    %dma_start3A_11 = arith.constant 0 : i32
    %dma_start3A_12 = tpu.memref_slice %arg8[%dma_start3A_10, %dma_start3A_11] : memref<10242x128xi32, #tpu.memory_space<vmem_shared>> -> memref<10242x128xi32, #tpu.memory_space<vmem_shared>>
    tpu.enqueue_indirect_dma source(%dma_start3A_12 : memref<10242x128xi32, #tpu.memory_space<vmem_shared>>) target(%arg6 : memref<168x128xi32, #tpu.memory_space<vmem>>) offsets(%dma_start3A_9 : memref<168xi32, #tpu.memory_space<vmem>>) semaphore(%arg9 : memref<!tpu.dma_semaphore, #tpu.memory_space<semaphore_mem>>)
    %dma_wait3A = arith.constant 0 : i32
    %dma_wait3A_13 = tpu.memref_slice %arg5[%dma_wait3A] : memref<1008xi32, #tpu.memory_space<vmem>> -> memref<168xi32, #tpu.memory_space<vmem>>
    %dma_wait3A_14 = arith.constant 0 : i32
    %dma_wait3A_15 = arith.constant 0 : i32
    %dma_wait3A_16 = tpu.memref_slice %arg8[%dma_wait3A_14, %dma_wait3A_15] : memref<10242x128xi32, #tpu.memory_space<vmem_shared>> -> memref<10242x128xi32, #tpu.memory_space<vmem_shared>>
    tpu.wait_indirect_dma semaphore(%arg9 : memref<!tpu.dma_semaphore, #tpu.memory_space<semaphore_mem>>) src(%dma_wait3A_16 : memref<10242x128xi32, #tpu.memory_space<vmem_shared>>) dst(%arg6 : memref<168x128xi32, #tpu.memory_space<vmem>>)
    %add3A_17 = arith.constant 0 : i32
    %add3A_18 = arith.addi %mul3A_2, %add3A_17 : i32
    %dma_start3A_19 = arith.constant 0 : i32
    %dma_start3A_20 = tpu.memref_slice %arg4[%add3A_18, %dma_start3A_19] : memref<32256x128xi32, #tpu.memory_space<hbm>> -> memref<168x128xi32, #tpu.memory_space<hbm>>
    %dma_start3A_21 = arith.constant 0 : i32
    %dma_start3A_22 = tpu.memref_slice %arg4[%add3A_18, %dma_start3A_21] : memref<32256x128xi32, #tpu.memory_space<hbm>> -> memref<168x128xi32, #tpu.memory_space<hbm>>
    tpu.enqueue_dma source(%arg6 : memref<168x128xi32, #tpu.memory_space<vmem>>) target(%dma_start3A_22 : memref<168x128xi32, #tpu.memory_space<hbm>>) target_semaphore(%arg11 : memref<!tpu.dma_semaphore, #tpu.memory_space<semaphore_mem>>)
    %dma_start3A_23 = arith.constant 168 : i32
    %dma_start3A_24 = tpu.memref_slice %arg5[%dma_start3A_23] : memref<1008xi32, #tpu.memory_space<vmem>> -> memref<168xi32, #tpu.memory_space<vmem>>
    %dma_start3A_25 = arith.constant 0 : i32
    %dma_start3A_26 = arith.constant 0 : i32
    %dma_start3A_27 = tpu.memref_slice %arg8[%dma_start3A_25, %dma_start3A_26] : memref<10242x128xi32, #tpu.memory_space<vmem_shared>> -> memref<10242x128xi32, #tpu.memory_space<vmem_shared>>
    tpu.enqueue_indirect_dma source(%dma_start3A_27 : memref<10242x128xi32, #tpu.memory_space<vmem_shared>>) target(%arg7 : memref<168x128xi32, #tpu.memory_space<vmem>>) offsets(%dma_start3A_24 : memref<168xi32, #tpu.memory_space<vmem>>) semaphore(%arg10 : memref<!tpu.dma_semaphore, #tpu.memory_space<semaphore_mem>>)
    %dma_wait3A_28 = arith.constant 168 : i32
    %dma_wait3A_29 = tpu.memref_slice %arg5[%dma_wait3A_28] : memref<1008xi32, #tpu.memory_space<vmem>> -> memref<168xi32, #tpu.memory_space<vmem>>
    %dma_wait3A_30 = arith.constant 0 : i32
    %dma_wait3A_31 = arith.constant 0 : i32
    %dma_wait3A_32 = tpu.memref_slice %arg8[%dma_wait3A_30, %dma_wait3A_31] : memref<10242x128xi32, #tpu.memory_space<vmem_shared>> -> memref<10242x128xi32, #tpu.memory_space<vmem_shared>>
    tpu.wait_indirect_dma semaphore(%arg10 : memref<!tpu.dma_semaphore, #tpu.memory_space<semaphore_mem>>) src(%dma_wait3A_32 : memref<10242x128xi32, #tpu.memory_space<vmem_shared>>) dst(%arg7 : memref<168x128xi32, #tpu.memory_space<vmem>>)
    %add3A_33 = arith.constant 168 : i32
    %add3A_34 = arith.addi %mul3A_2, %add3A_33 : i32
    %dma_start3A_35 = arith.constant 0 : i32
    %dma_start3A_36 = tpu.memref_slice %arg4[%add3A_34, %dma_start3A_35] : memref<32256x128xi32, #tpu.memory_space<hbm>> -> memref<168x128xi32, #tpu.memory_space<hbm>>
    %dma_start3A_37 = arith.constant 0 : i32
    %dma_start3A_38 = tpu.memref_slice %arg4[%add3A_34, %dma_start3A_37] : memref<32256x128xi32, #tpu.memory_space<hbm>> -> memref<168x128xi32, #tpu.memory_space<hbm>>
    tpu.enqueue_dma source(%arg7 : memref<168x128xi32, #tpu.memory_space<vmem>>) target(%dma_start3A_38 : memref<168x128xi32, #tpu.memory_space<hbm>>) target_semaphore(%arg12 : memref<!tpu.dma_semaphore, #tpu.memory_space<semaphore_mem>>)
    %dma_wait3A_39 = arith.constant 0 : i32
    %dma_wait3A_40 = tpu.memref_slice %arg4[%add3A_18, %dma_wait3A_39] : memref<32256x128xi32, #tpu.memory_space<hbm>> -> memref<168x128xi32, #tpu.memory_space<hbm>>
    %dma_wait3A_41 = arith.constant 0 : i32
    %dma_wait3A_42 = tpu.memref_slice %arg4[%add3A_18, %dma_wait3A_41] : memref<32256x128xi32, #tpu.memory_space<hbm>> -> memref<168x128xi32, #tpu.memory_space<hbm>>
    tpu.wait_dma2 semaphore(%arg11 : memref<!tpu.dma_semaphore, #tpu.memory_space<semaphore_mem>>) src(%arg6 : memref<168x128xi32, #tpu.memory_space<vmem>>) dst(%dma_wait3A_42 : memref<168x128xi32, #tpu.memory_space<hbm>>)
    %dma_start3A_43 = arith.constant 336 : i32
    %dma_start3A_44 = tpu.memref_slice %arg5[%dma_start3A_43] : memref<1008xi32, #tpu.memory_space<vmem>> -> memref<168xi32, #tpu.memory_space<vmem>>
    %dma_start3A_45 = arith.constant 0 : i32
    %dma_start3A_46 = arith.constant 0 : i32
    %dma_start3A_47 = tpu.memref_slice %arg8[%dma_start3A_45, %dma_start3A_46] : memref<10242x128xi32, #tpu.memory_space<vmem_shared>> -> memref<10242x128xi32, #tpu.memory_space<vmem_shared>>
    tpu.enqueue_indirect_dma source(%dma_start3A_47 : memref<10242x128xi32, #tpu.memory_space<vmem_shared>>) target(%arg6 : memref<168x128xi32, #tpu.memory_space<vmem>>) offsets(%dma_start3A_44 : memref<168xi32, #tpu.memory_space<vmem>>) semaphore(%arg9 : memref<!tpu.dma_semaphore, #tpu.memory_space<semaphore_mem>>)
    %dma_wait3A_48 = arith.constant 336 : i32
    %dma_wait3A_49 = tpu.memref_slice %arg5[%dma_wait3A_48] : memref<1008xi32, #tpu.memory_space<vmem>> -> memref<168xi32, #tpu.memory_space<vmem>>
    %dma_wait3A_50 = arith.constant 0 : i32
    %dma_wait3A_51 = arith.constant 0 : i32
    %dma_wait3A_52 = tpu.memref_slice %arg8[%dma_wait3A_50, %dma_wait3A_51] : memref<10242x128xi32, #tpu.memory_space<vmem_shared>> -> memref<10242x128xi32, #tpu.memory_space<vmem_shared>>
    tpu.wait_indirect_dma semaphore(%arg9 : memref<!tpu.dma_semaphore, #tpu.memory_space<semaphore_mem>>) src(%dma_wait3A_52 : memref<10242x128xi32, #tpu.memory_space<vmem_shared>>) dst(%arg6 : memref<168x128xi32, #tpu.memory_space<vmem>>)
    %add3A_53 = arith.constant 336 : i32
    %add3A_54 = arith.addi %mul3A_2, %add3A_53 : i32
    %dma_start3A_55 = arith.constant 0 : i32
    %dma_start3A_56 = tpu.memref_slice %arg4[%add3A_54, %dma_start3A_55] : memref<32256x128xi32, #tpu.memory_space<hbm>> -> memref<168x128xi32, #tpu.memory_space<hbm>>
    %dma_start3A_57 = arith.constant 0 : i32
    %dma_start3A_58 = tpu.memref_slice %arg4[%add3A_54, %dma_start3A_57] : memref<32256x128xi32, #tpu.memory_space<hbm>> -> memref<168x128xi32, #tpu.memory_space<hbm>>
    tpu.enqueue_dma source(%arg6 : memref<168x128xi32, #tpu.memory_space<vmem>>) target(%dma_start3A_58 : memref<168x128xi32, #tpu.memory_space<hbm>>) target_semaphore(%arg11 : memref<!tpu.dma_semaphore, #tpu.memory_space<semaphore_mem>>)
    %dma_wait3A_59 = arith.constant 0 : i32
    %dma_wait3A_60 = tpu.memref_slice %arg4[%add3A_34, %dma_wait3A_59] : memref<32256x128xi32, #tpu.memory_space<hbm>> -> memref<168x128xi32, #tpu.memory_space<hbm>>
    %dma_wait3A_61 = arith.constant 0 : i32
    %dma_wait3A_62 = tpu.memref_slice %arg4[%add3A_34, %dma_wait3A_61] : memref<32256x128xi32, #tpu.memory_space<hbm>> -> memref<168x128xi32, #tpu.memory_space<hbm>>
    tpu.wait_dma2 semaphore(%arg12 : memref<!tpu.dma_semaphore, #tpu.memory_space<semaphore_mem>>) src(%arg7 : memref<168x128xi32, #tpu.memory_space<vmem>>) dst(%dma_wait3A_62 : memref<168x128xi32, #tpu.memory_space<hbm>>)
    %dma_start3A_63 = arith.constant 504 : i32
    %dma_start3A_64 = tpu.memref_slice %arg5[%dma_start3A_63] : memref<1008xi32, #tpu.memory_space<vmem>> -> memref<168xi32, #tpu.memory_space<vmem>>
    %dma_start3A_65 = arith.constant 0 : i32
    %dma_start3A_66 = arith.constant 0 : i32
    %dma_start3A_67 = tpu.memref_slice %arg8[%dma_start3A_65, %dma_start3A_66] : memref<10242x128xi32, #tpu.memory_space<vmem_shared>> -> memref<10242x128xi32, #tpu.memory_space<vmem_shared>>
    tpu.enqueue_indirect_dma source(%dma_start3A_67 : memref<10242x128xi32, #tpu.memory_space<vmem_shared>>) target(%arg7 : memref<168x128xi32, #tpu.memory_space<vmem>>) offsets(%dma_start3A_64 : memref<168xi32, #tpu.memory_space<vmem>>) semaphore(%arg10 : memref<!tpu.dma_semaphore, #tpu.memory_space<semaphore_mem>>)
    %dma_wait3A_68 = arith.constant 504 : i32
    %dma_wait3A_69 = tpu.memref_slice %arg5[%dma_wait3A_68] : memref<1008xi32, #tpu.memory_space<vmem>> -> memref<168xi32, #tpu.memory_space<vmem>>
    %dma_wait3A_70 = arith.constant 0 : i32
    %dma_wait3A_71 = arith.constant 0 : i32
    %dma_wait3A_72 = tpu.memref_slice %arg8[%dma_wait3A_70, %dma_wait3A_71] : memref<10242x128xi32, #tpu.memory_space<vmem_shared>> -> memref<10242x128xi32, #tpu.memory_space<vmem_shared>>
    tpu.wait_indirect_dma semaphore(%arg10 : memref<!tpu.dma_semaphore, #tpu.memory_space<semaphore_mem>>) src(%dma_wait3A_72 : memref<10242x128xi32, #tpu.memory_space<vmem_shared>>) dst(%arg7 : memref<168x128xi32, #tpu.memory_space<vmem>>)
    %add3A_73 = arith.constant 504 : i32
    %add3A_74 = arith.addi %mul3A_2, %add3A_73 : i32
    %dma_start3A_75 = arith.constant 0 : i32
    %dma_start3A_76 = tpu.memref_slice %arg4[%add3A_74, %dma_start3A_75] : memref<32256x128xi32, #tpu.memory_space<hbm>> -> memref<168x128xi32, #tpu.memory_space<hbm>>
    %dma_start3A_77 = arith.constant 0 : i32
    %dma_start3A_78 = tpu.memref_slice %arg4[%add3A_74, %dma_start3A_77] : memref<32256x128xi32, #tpu.memory_space<hbm>> -> memref<168x128xi32, #tpu.memory_space<hbm>>
    tpu.enqueue_dma source(%arg7 : memref<168x128xi32, #tpu.memory_space<vmem>>) target(%dma_start3A_78 : memref<168x128xi32, #tpu.memory_space<hbm>>) target_semaphore(%arg12 : memref<!tpu.dma_semaphore, #tpu.memory_space<semaphore_mem>>)
    %dma_wait3A_79 = arith.constant 0 : i32
    %dma_wait3A_80 = tpu.memref_slice %arg4[%add3A_54, %dma_wait3A_79] : memref<32256x128xi32, #tpu.memory_space<hbm>> -> memref<168x128xi32, #tpu.memory_space<hbm>>
    %dma_wait3A_81 = arith.constant 0 : i32
    %dma_wait3A_82 = tpu.memref_slice %arg4[%add3A_54, %dma_wait3A_81] : memref<32256x128xi32, #tpu.memory_space<hbm>> -> memref<168x128xi32, #tpu.memory_space<hbm>>
    tpu.wait_dma2 semaphore(%arg11 : memref<!tpu.dma_semaphore, #tpu.memory_space<semaphore_mem>>) src(%arg6 : memref<168x128xi32, #tpu.memory_space<vmem>>) dst(%dma_wait3A_82 : memref<168x128xi32, #tpu.memory_space<hbm>>)
    %dma_start3A_83 = arith.constant 672 : i32
    %dma_start3A_84 = tpu.memref_slice %arg5[%dma_start3A_83] : memref<1008xi32, #tpu.memory_space<vmem>> -> memref<168xi32, #tpu.memory_space<vmem>>
    %dma_start3A_85 = arith.constant 0 : i32
    %dma_start3A_86 = arith.constant 0 : i32
    %dma_start3A_87 = tpu.memref_slice %arg8[%dma_start3A_85, %dma_start3A_86] : memref<10242x128xi32, #tpu.memory_space<vmem_shared>> -> memref<10242x128xi32, #tpu.memory_space<vmem_shared>>
    tpu.enqueue_indirect_dma source(%dma_start3A_87 : memref<10242x128xi32, #tpu.memory_space<vmem_shared>>) target(%arg6 : memref<168x128xi32, #tpu.memory_space<vmem>>) offsets(%dma_start3A_84 : memref<168xi32, #tpu.memory_space<vmem>>) semaphore(%arg9 : memref<!tpu.dma_semaphore, #tpu.memory_space<semaphore_mem>>)
    %dma_wait3A_88 = arith.constant 672 : i32
    %dma_wait3A_89 = tpu.memref_slice %arg5[%dma_wait3A_88] : memref<1008xi32, #tpu.memory_space<vmem>> -> memref<168xi32, #tpu.memory_space<vmem>>
    %dma_wait3A_90 = arith.constant 0 : i32
    %dma_wait3A_91 = arith.constant 0 : i32
    %dma_wait3A_92 = tpu.memref_slice %arg8[%dma_wait3A_90, %dma_wait3A_91] : memref<10242x128xi32, #tpu.memory_space<vmem_shared>> -> memref<10242x128xi32, #tpu.memory_space<vmem_shared>>
    tpu.wait_indirect_dma semaphore(%arg9 : memref<!tpu.dma_semaphore, #tpu.memory_space<semaphore_mem>>) src(%dma_wait3A_92 : memref<10242x128xi32, #tpu.memory_space<vmem_shared>>) dst(%arg6 : memref<168x128xi32, #tpu.memory_space<vmem>>)
    %add3A_93 = arith.constant 672 : i32
    %add3A_94 = arith.addi %mul3A_2, %add3A_93 : i32
    %dma_start3A_95 = arith.constant 0 : i32
    %dma_start3A_96 = tpu.memref_slice %arg4[%add3A_94, %dma_start3A_95] : memref<32256x128xi32, #tpu.memory_space<hbm>> -> memref<168x128xi32, #tpu.memory_space<hbm>>
    %dma_start3A_97 = arith.constant 0 : i32
    %dma_start3A_98 = tpu.memref_slice %arg4[%add3A_94, %dma_start3A_97] : memref<32256x128xi32, #tpu.memory_space<hbm>> -> memref<168x128xi32, #tpu.memory_space<hbm>>
    tpu.enqueue_dma source(%arg6 : memref<168x128xi32, #tpu.memory_space<vmem>>) target(%dma_start3A_98 : memref<168x128xi32, #tpu.memory_space<hbm>>) target_semaphore(%arg11 : memref<!tpu.dma_semaphore, #tpu.memory_space<semaphore_mem>>)
    %dma_wait3A_99 = arith.constant 0 : i32
    %dma_wait3A_100 = tpu.memref_slice %arg4[%add3A_74, %dma_wait3A_99] : memref<32256x128xi32, #tpu.memory_space<hbm>> -> memref<168x128xi32, #tpu.memory_space<hbm>>
    %dma_wait3A_101 = arith.constant 0 : i32
    %dma_wait3A_102 = tpu.memref_slice %arg4[%add3A_74, %dma_wait3A_101] : memref<32256x128xi32, #tpu.memory_space<hbm>> -> memref<168x128xi32, #tpu.memory_space<hbm>>
    tpu.wait_dma2 semaphore(%arg12 : memref<!tpu.dma_semaphore, #tpu.memory_space<semaphore_mem>>) src(%arg7 : memref<168x128xi32, #tpu.memory_space<vmem>>) dst(%dma_wait3A_102 : memref<168x128xi32, #tpu.memory_space<hbm>>)
    %dma_start3A_103 = arith.constant 840 : i32
    %dma_start3A_104 = tpu.memref_slice %arg5[%dma_start3A_103] : memref<1008xi32, #tpu.memory_space<vmem>> -> memref<168xi32, #tpu.memory_space<vmem>>
    %dma_start3A_105 = arith.constant 0 : i32
    %dma_start3A_106 = arith.constant 0 : i32
    %dma_start3A_107 = tpu.memref_slice %arg8[%dma_start3A_105, %dma_start3A_106] : memref<10242x128xi32, #tpu.memory_space<vmem_shared>> -> memref<10242x128xi32, #tpu.memory_space<vmem_shared>>
    tpu.enqueue_indirect_dma source(%dma_start3A_107 : memref<10242x128xi32, #tpu.memory_space<vmem_shared>>) target(%arg7 : memref<168x128xi32, #tpu.memory_space<vmem>>) offsets(%dma_start3A_104 : memref<168xi32, #tpu.memory_space<vmem>>) semaphore(%arg10 : memref<!tpu.dma_semaphore, #tpu.memory_space<semaphore_mem>>)
    %dma_wait3A_108 = arith.constant 840 : i32
    %dma_wait3A_109 = tpu.memref_slice %arg5[%dma_wait3A_108] : memref<1008xi32, #tpu.memory_space<vmem>> -> memref<168xi32, #tpu.memory_space<vmem>>
    %dma_wait3A_110 = arith.constant 0 : i32
    %dma_wait3A_111 = arith.constant 0 : i32
    %dma_wait3A_112 = tpu.memref_slice %arg8[%dma_wait3A_110, %dma_wait3A_111] : memref<10242x128xi32, #tpu.memory_space<vmem_shared>> -> memref<10242x128xi32, #tpu.memory_space<vmem_shared>>
    tpu.wait_indirect_dma semaphore(%arg10 : memref<!tpu.dma_semaphore, #tpu.memory_space<semaphore_mem>>) src(%dma_wait3A_112 : memref<10242x128xi32, #tpu.memory_space<vmem_shared>>) dst(%arg7 : memref<168x128xi32, #tpu.memory_space<vmem>>)
    %add3A_113 = arith.constant 840 : i32
    %add3A_114 = arith.addi %mul3A_2, %add3A_113 : i32
    %dma_start3A_115 = arith.constant 0 : i32
    %dma_start3A_116 = tpu.memref_slice %arg4[%add3A_114, %dma_start3A_115] : memref<32256x128xi32, #tpu.memory_space<hbm>> -> memref<168x128xi32, #tpu.memory_space<hbm>>
    %dma_start3A_117 = arith.constant 0 : i32
    %dma_start3A_118 = tpu.memref_slice %arg4[%add3A_114, %dma_start3A_117] : memref<32256x128xi32, #tpu.memory_space<hbm>> -> memref<168x128xi32, #tpu.memory_space<hbm>>
    tpu.enqueue_dma source(%arg7 : memref<168x128xi32, #tpu.memory_space<vmem>>) target(%dma_start3A_118 : memref<168x128xi32, #tpu.memory_space<hbm>>) target_semaphore(%arg12 : memref<!tpu.dma_semaphore, #tpu.memory_space<semaphore_mem>>)
    %dma_wait3A_119 = arith.constant 0 : i32
    %dma_wait3A_120 = tpu.memref_slice %arg4[%add3A_94, %dma_wait3A_119] : memref<32256x128xi32, #tpu.memory_space<hbm>> -> memref<168x128xi32, #tpu.memory_space<hbm>>
    %dma_wait3A_121 = arith.constant 0 : i32
    %dma_wait3A_122 = tpu.memref_slice %arg4[%add3A_94, %dma_wait3A_121] : memref<32256x128xi32, #tpu.memory_space<hbm>> -> memref<168x128xi32, #tpu.memory_space<hbm>>
    tpu.wait_dma2 semaphore(%arg11 : memref<!tpu.dma_semaphore, #tpu.memory_space<semaphore_mem>>) src(%arg6 : memref<168x128xi32, #tpu.memory_space<vmem>>) dst(%dma_wait3A_122 : memref<168x128xi32, #tpu.memory_space<hbm>>)
    %dma_wait3A_123 = arith.constant 0 : i32
    %dma_wait3A_124 = tpu.memref_slice %arg4[%add3A_114, %dma_wait3A_123] : memref<32256x128xi32, #tpu.memory_space<hbm>> -> memref<168x128xi32, #tpu.memory_space<hbm>>
    %dma_wait3A_125 = arith.constant 0 : i32
    %dma_wait3A_126 = tpu.memref_slice %arg4[%add3A_114, %dma_wait3A_125] : memref<32256x128xi32, #tpu.memory_space<hbm>> -> memref<168x128xi32, #tpu.memory_space<hbm>>
    tpu.wait_dma2 semaphore(%arg12 : memref<!tpu.dma_semaphore, #tpu.memory_space<semaphore_mem>>) src(%arg7 : memref<168x128xi32, #tpu.memory_space<vmem>>) dst(%dma_wait3A_126 : memref<168x128xi32, #tpu.memory_space<hbm>>)
    return
  }
}

#map = affine_map<(d0, d1) -> (0, 0)>
#map1 = affine_map<(d0, d1) -> (0)>
module attributes {stable_mosaic.version = 14 : i64} {
  func.func @gather_kernel(%arg0: i32, %arg1: i32, %arg2: memref<10242x128xi32, #tpu.memory_space<hbm>>, %arg3: memref<32256xi32, #tpu.memory_space<hbm>>, %arg4: memref<32256x128xi32, #tpu.memory_space<hbm>>, %arg5: memref<1008xi32, #tpu.memory_space<vmem>>, %arg6: memref<168x128xi32, #tpu.memory_space<vmem>>, %arg7: memref<168x128xi32, #tpu.memory_space<vmem>>, %arg8: memref<10242x128xi32, #tpu.memory_space<vmem_shared>>, %arg9: memref<!tpu.dma_semaphore, #tpu.memory_space<semaphore_mem>>, %arg10: memref<!tpu.dma_semaphore, #tpu.memory_space<semaphore_mem>>, %arg11: memref<!tpu.dma_semaphore, #tpu.memory_space<semaphore_mem>>, %arg12: memref<!tpu.dma_semaphore, #tpu.memory_space<semaphore_mem>>) attributes {dimension_semantics = [#tpu.dimension_semantics<core_parallel>, #tpu.dimension_semantics<subcore_parallel>], iteration_bounds = array<i64: 2, 16>, scalar_prefetch = 0 : i64, scratch_operands = 8 : i64, tpu.core_type = #tpu.core_type<sc_vector_subcore>, window_params = [{transform_indices = #map}, {transform_indices = #map1}, {transform_indices = #map}]} {
    %mul3A = arith.constant 2 : i32
    %mul3A_0 = arith.muli %arg1, %mul3A : i32
    %add3A = arith.addi %mul3A_0, %arg0 : i32
    %mul3A_1 = arith.constant 1008 : i32
    %mul3A_2 = arith.muli %add3A, %mul3A_1 : i32
    %mul3A_3 = arith.constant 640 : i32
    %mul3A_4 = arith.muli %arg1, %mul3A_3 : i32
    %mul3A_5 = arith.constant 640 : i32
    %mul3A_6 = arith.muli %arg1, %mul3A_5 : i32
    "tpu.region"() ({
      %run_scoped3A = tpu.sem_alloc : memref<!tpu.dma_semaphore, #tpu.memory_space<semaphore_mem>>
      %dma_start3A_127 = arith.constant 0 : i32
      %dma_start3A_128 = tpu.memref_slice %arg8[%mul3A_6, %dma_start3A_127] : memref<10242x128xi32, #tpu.memory_space<vmem_shared>> -> memref<640x128xi32, #tpu.memory_space<vmem_shared>>
      %dma_start3A_129 = arith.constant 0 : i32
      %dma_start3A_130 = tpu.memref_slice %arg2[%mul3A_4, %dma_start3A_129] : memref<10242x128xi32, #tpu.memory_space<hbm>> -> memref<640x128xi32, #tpu.memory_space<hbm>>
      tpu.enqueue_dma source(%dma_start3A_130 : memref<640x128xi32, #tpu.memory_space<hbm>>) target(%dma_start3A_128 : memref<640x128xi32, #tpu.memory_space<vmem_shared>>) target_semaphore(%run_scoped3A : memref<!tpu.dma_semaphore, #tpu.memory_space<semaphore_mem>>)
      %dma_wait3A_131 = arith.constant 0 : i32
      %dma_wait3A_132 = tpu.memref_slice %arg8[%mul3A_6, %dma_wait3A_131] : memref<10242x128xi32, #tpu.memory_space<vmem_shared>> -> memref<640x128xi32, #tpu.memory_space<vmem_shared>>
      %dma_wait3A_133 = arith.constant 0 : i32
      %dma_wait3A_134 = tpu.memref_slice %arg2[%mul3A_4, %dma_wait3A_133] : memref<10242x128xi32, #tpu.memory_space<hbm>> -> memref<640x128xi32, #tpu.memory_space<hbm>>
      tpu.wait_dma2 semaphore(%run_scoped3A : memref<!tpu.dma_semaphore, #tpu.memory_space<semaphore_mem>>) src(%dma_wait3A_134 : memref<640x128xi32, #tpu.memory_space<hbm>>) dst(%dma_wait3A_132 : memref<640x128xi32, #tpu.memory_space<vmem_shared>>)
      tpu.yield
    }) : () -> ()
    %eq3A = arith.constant 0 : i32
    %eq3A_7 = arith.cmpi eq, %arg1, %eq3A : i32
    %convert_element_type3A = arith.extui %eq3A_7 : i1 to i32
    %cond3A = arith.constant 0 : i32
    %cond3A_8 = arith.cmpi ne, %convert_element_type3A, %cond3A : i32
    scf.if %cond3A_8 {
      "tpu.region"() ({
        %run_scoped3A = tpu.sem_alloc : memref<!tpu.dma_semaphore, #tpu.memory_space<semaphore_mem>>
        %dma_start3A_127 = arith.constant 10240 : i32
        %dma_start3A_128 = arith.constant 0 : i32
        %dma_start3A_129 = tpu.memref_slice %arg8[%dma_start3A_127, %dma_start3A_128] : memref<10242x128xi32, #tpu.memory_space<vmem_shared>> -> memref<2x128xi32, #tpu.memory_space<vmem_shared>>
        %dma_start3A_130 = arith.constant 10240 : i32
        %dma_start3A_131 = arith.constant 0 : i32
        %dma_start3A_132 = tpu.memref_slice %arg2[%dma_start3A_130, %dma_start3A_131] : memref<10242x128xi32, #tpu.memory_space<hbm>> -> memref<2x128xi32, #tpu.memory_space<hbm>>
        tpu.enqueue_dma source(%dma_start3A_132 : memref<2x128xi32, #tpu.memory_space<hbm>>) target(%dma_start3A_129 : memref<2x128xi32, #tpu.memory_space<vmem_shared>>) target_semaphore(%run_scoped3A : memref<!tpu.dma_semaphore, #tpu.memory_space<semaphore_mem>>)
        %dma_wait3A_133 = arith.constant 10240 : i32
        %dma_wait3A_134 = arith.constant 0 : i32
        %dma_wait3A_135 = tpu.memref_slice %arg8[%dma_wait3A_133, %dma_wait3A_134] : memref<10242x128xi32, #tpu.memory_space<vmem_shared>> -> memref<2x128xi32, #tpu.memory_space<vmem_shared>>
        %dma_wait3A_136 = arith.constant 10240 : i32
        %dma_wait3A_137 = arith.constant 0 : i32
        %dma_wait3A_138 = tpu.memref_slice %arg2[%dma_wait3A_136, %dma_wait3A_137] : memref<10242x128xi32, #tpu.memory_space<hbm>> -> memref<2x128xi32, #tpu.memory_space<hbm>>
        tpu.wait_dma2 semaphore(%run_scoped3A : memref<!tpu.dma_semaphore, #tpu.memory_space<semaphore_mem>>) src(%dma_wait3A_138 : memref<2x128xi32, #tpu.memory_space<hbm>>) dst(%dma_wait3A_135 : memref<2x128xi32, #tpu.memory_space<vmem_shared>>)
        tpu.yield
      }) : () -> ()
    } else {
    }
    "tpu.region"() ({
      %run_scoped3A = tpu.sem_alloc : memref<!tpu.dma_semaphore, #tpu.memory_space<semaphore_mem>>
      %dma_start3A_127 = tpu.memref_slice %arg3[%mul3A_2] : memref<32256xi32, #tpu.memory_space<hbm>> -> memref<1008xi32, #tpu.memory_space<hbm>>
      %dma_start3A_128 = tpu.memref_slice %arg3[%mul3A_2] : memref<32256xi32, #tpu.memory_space<hbm>> -> memref<1008xi32, #tpu.memory_space<hbm>>
      tpu.enqueue_dma source(%dma_start3A_128 : memref<1008xi32, #tpu.memory_space<hbm>>) target(%arg5 : memref<1008xi32, #tpu.memory_space<vmem>>) target_semaphore(%run_scoped3A : memref<!tpu.dma_semaphore, #tpu.memory_space<semaphore_mem>>)
      %dma_wait3A_129 = tpu.memref_slice %arg3[%mul3A_2] : memref<32256xi32, #tpu.memory_space<hbm>> -> memref<1008xi32, #tpu.memory_space<hbm>>
      %dma_wait3A_130 = tpu.memref_slice %arg3[%mul3A_2] : memref<32256xi32, #tpu.memory_space<hbm>> -> memref<1008xi32, #tpu.memory_space<hbm>>
      tpu.wait_dma2 semaphore(%run_scoped3A : memref<!tpu.dma_semaphore, #tpu.memory_space<semaphore_mem>>) src(%dma_wait3A_130 : memref<1008xi32, #tpu.memory_space<hbm>>) dst(%arg5 : memref<1008xi32, #tpu.memory_space<vmem>>)
      tpu.yield
    }) : () -> ()
    %barrier3A = arith.constant 0 : index
    tpu.barrier barrier_id(%barrier3A)
    %dma_start3A = arith.constant 0 : i32
    %dma_start3A_9 = tpu.memref_slice %arg5[%dma_start3A] : memref<1008xi32, #tpu.memory_space<vmem>> -> memref<168xi32, #tpu.memory_space<vmem>>
    %dma_start3A_10 = arith.constant 0 : i32
    %dma_start3A_11 = arith.constant 0 : i32
    %dma_start3A_12 = tpu.memref_slice %arg8[%dma_start3A_10, %dma_start3A_11] : memref<10242x128xi32, #tpu.memory_space<vmem_shared>> -> memref<10242x128xi32, #tpu.memory_space<vmem_shared>>
    tpu.enqueue_indirect_dma source(%dma_start3A_12 : memref<10242x128xi32, #tpu.memory_space<vmem_shared>>) target(%arg6 : memref<168x128xi32, #tpu.memory_space<vmem>>) offsets(%dma_start3A_9 : memref<168xi32, #tpu.memory_space<vmem>>) semaphore(%arg9 : memref<!tpu.dma_semaphore, #tpu.memory_space<semaphore_mem>>)
    %dma_wait3A = arith.constant 0 : i32
    %dma_wait3A_13 = tpu.memref_slice %arg5[%dma_wait3A] : memref<1008xi32, #tpu.memory_space<vmem>> -> memref<168xi32, #tpu.memory_space<vmem>>
    %dma_wait3A_14 = arith.constant 0 : i32
    %dma_wait3A_15 = arith.constant 0 : i32
    %dma_wait3A_16 = tpu.memref_slice %arg8[%dma_wait3A_14, %dma_wait3A_15] : memref<10242x128xi32, #tpu.memory_space<vmem_shared>> -> memref<10242x128xi32, #tpu.memory_space<vmem_shared>>
    tpu.wait_indirect_dma semaphore(%arg9 : memref<!tpu.dma_semaphore, #tpu.memory_space<semaphore_mem>>) src(%dma_wait3A_16 : memref<10242x128xi32, #tpu.memory_space<vmem_shared>>) dst(%arg6 : memref<168x128xi32, #tpu.memory_space<vmem>>)
    %add3A_17 = arith.constant 0 : i32
    %add3A_18 = arith.addi %mul3A_2, %add3A_17 : i32
    %dma_start3A_19 = arith.constant 0 : i32
    %dma_start3A_20 = tpu.memref_slice %arg4[%add3A_18, %dma_start3A_19] : memref<32256x128xi32, #tpu.memory_space<hbm>> -> memref<168x128xi32, #tpu.memory_space<hbm>>
    %dma_start3A_21 = arith.constant 0 : i32
    %dma_start3A_22 = tpu.memref_slice %arg4[%add3A_18, %dma_start3A_21] : memref<32256x128xi32, #tpu.memory_space<hbm>> -> memref<168x128xi32, #tpu.memory_space<hbm>>
    tpu.enqueue_dma source(%arg6 : memref<168x128xi32, #tpu.memory_space<vmem>>) target(%dma_start3A_22 : memref<168x128xi32, #tpu.memory_space<hbm>>) target_semaphore(%arg11 : memref<!tpu.dma_semaphore, #tpu.memory_space<semaphore_mem>>)
    %dma_start3A_23 = arith.constant 168 : i32
    %dma_start3A_24 = tpu.memref_slice %arg5[%dma_start3A_23] : memref<1008xi32, #tpu.memory_space<vmem>> -> memref<168xi32, #tpu.memory_space<vmem>>
    %dma_start3A_25 = arith.constant 0 : i32
    %dma_start3A_26 = arith.constant 0 : i32
    %dma_start3A_27 = tpu.memref_slice %arg8[%dma_start3A_25, %dma_start3A_26] : memref<10242x128xi32, #tpu.memory_space<vmem_shared>> -> memref<10242x128xi32, #tpu.memory_space<vmem_shared>>
    tpu.enqueue_indirect_dma source(%dma_start3A_27 : memref<10242x128xi32, #tpu.memory_space<vmem_shared>>) target(%arg7 : memref<168x128xi32, #tpu.memory_space<vmem>>) offsets(%dma_start3A_24 : memref<168xi32, #tpu.memory_space<vmem>>) semaphore(%arg10 : memref<!tpu.dma_semaphore, #tpu.memory_space<semaphore_mem>>)
    %dma_wait3A_28 = arith.constant 168 : i32
    %dma_wait3A_29 = tpu.memref_slice %arg5[%dma_wait3A_28] : memref<1008xi32, #tpu.memory_space<vmem>> -> memref<168xi32, #tpu.memory_space<vmem>>
    %dma_wait3A_30 = arith.constant 0 : i32
    %dma_wait3A_31 = arith.constant 0 : i32
    %dma_wait3A_32 = tpu.memref_slice %arg8[%dma_wait3A_30, %dma_wait3A_31] : memref<10242x128xi32, #tpu.memory_space<vmem_shared>> -> memref<10242x128xi32, #tpu.memory_space<vmem_shared>>
    tpu.wait_indirect_dma semaphore(%arg10 : memref<!tpu.dma_semaphore, #tpu.memory_space<semaphore_mem>>) src(%dma_wait3A_32 : memref<10242x128xi32, #tpu.memory_space<vmem_shared>>) dst(%arg7 : memref<168x128xi32, #tpu.memory_space<vmem>>)
    %add3A_33 = arith.constant 168 : i32
    %add3A_34 = arith.addi %mul3A_2, %add3A_33 : i32
    %dma_start3A_35 = arith.constant 0 : i32
    %dma_start3A_36 = tpu.memref_slice %arg4[%add3A_34, %dma_start3A_35] : memref<32256x128xi32, #tpu.memory_space<hbm>> -> memref<168x128xi32, #tpu.memory_space<hbm>>
    %dma_start3A_37 = arith.constant 0 : i32
    %dma_start3A_38 = tpu.memref_slice %arg4[%add3A_34, %dma_start3A_37] : memref<32256x128xi32, #tpu.memory_space<hbm>> -> memref<168x128xi32, #tpu.memory_space<hbm>>
    tpu.enqueue_dma source(%arg7 : memref<168x128xi32, #tpu.memory_space<vmem>>) target(%dma_start3A_38 : memref<168x128xi32, #tpu.memory_space<hbm>>) target_semaphore(%arg12 : memref<!tpu.dma_semaphore, #tpu.memory_space<semaphore_mem>>)
    %dma_wait3A_39 = arith.constant 0 : i32
    %dma_wait3A_40 = tpu.memref_slice %arg4[%add3A_18, %dma_wait3A_39] : memref<32256x128xi32, #tpu.memory_space<hbm>> -> memref<168x128xi32, #tpu.memory_space<hbm>>
    %dma_wait3A_41 = arith.constant 0 : i32
    %dma_wait3A_42 = tpu.memref_slice %arg4[%add3A_18, %dma_wait3A_41] : memref<32256x128xi32, #tpu.memory_space<hbm>> -> memref<168x128xi32, #tpu.memory_space<hbm>>
    tpu.wait_dma2 semaphore(%arg11 : memref<!tpu.dma_semaphore, #tpu.memory_space<semaphore_mem>>) src(%arg6 : memref<168x128xi32, #tpu.memory_space<vmem>>) dst(%dma_wait3A_42 : memref<168x128xi32, #tpu.memory_space<hbm>>)
    %dma_start3A_43 = arith.constant 336 : i32
    %dma_start3A_44 = tpu.memref_slice %arg5[%dma_start3A_43] : memref<1008xi32, #tpu.memory_space<vmem>> -> memref<168xi32, #tpu.memory_space<vmem>>
    %dma_start3A_45 = arith.constant 0 : i32
    %dma_start3A_46 = arith.constant 0 : i32
    %dma_start3A_47 = tpu.memref_slice %arg8[%dma_start3A_45, %dma_start3A_46] : memref<10242x128xi32, #tpu.memory_space<vmem_shared>> -> memref<10242x128xi32, #tpu.memory_space<vmem_shared>>
    tpu.enqueue_indirect_dma source(%dma_start3A_47 : memref<10242x128xi32, #tpu.memory_space<vmem_shared>>) target(%arg6 : memref<168x128xi32, #tpu.memory_space<vmem>>) offsets(%dma_start3A_44 : memref<168xi32, #tpu.memory_space<vmem>>) semaphore(%arg9 : memref<!tpu.dma_semaphore, #tpu.memory_space<semaphore_mem>>)
    %dma_wait3A_48 = arith.constant 336 : i32
    %dma_wait3A_49 = tpu.memref_slice %arg5[%dma_wait3A_48] : memref<1008xi32, #tpu.memory_space<vmem>> -> memref<168xi32, #tpu.memory_space<vmem>>
    %dma_wait3A_50 = arith.constant 0 : i32
    %dma_wait3A_51 = arith.constant 0 : i32
    %dma_wait3A_52 = tpu.memref_slice %arg8[%dma_wait3A_50, %dma_wait3A_51] : memref<10242x128xi32, #tpu.memory_space<vmem_shared>> -> memref<10242x128xi32, #tpu.memory_space<vmem_shared>>
    tpu.wait_indirect_dma semaphore(%arg9 : memref<!tpu.dma_semaphore, #tpu.memory_space<semaphore_mem>>) src(%dma_wait3A_52 : memref<10242x128xi32, #tpu.memory_space<vmem_shared>>) dst(%arg6 : memref<168x128xi32, #tpu.memory_space<vmem>>)
    %add3A_53 = arith.constant 336 : i32
    %add3A_54 = arith.addi %mul3A_2, %add3A_53 : i32
    %dma_start3A_55 = arith.constant 0 : i32
    %dma_start3A_56 = tpu.memref_slice %arg4[%add3A_54, %dma_start3A_55] : memref<32256x128xi32, #tpu.memory_space<hbm>> -> memref<168x128xi32, #tpu.memory_space<hbm>>
    %dma_start3A_57 = arith.constant 0 : i32
    %dma_start3A_58 = tpu.memref_slice %arg4[%add3A_54, %dma_start3A_57] : memref<32256x128xi32, #tpu.memory_space<hbm>> -> memref<168x128xi32, #tpu.memory_space<hbm>>
    tpu.enqueue_dma source(%arg6 : memref<168x128xi32, #tpu.memory_space<vmem>>) target(%dma_start3A_58 : memref<168x128xi32, #tpu.memory_space<hbm>>) target_semaphore(%arg11 : memref<!tpu.dma_semaphore, #tpu.memory_space<semaphore_mem>>)
    %dma_wait3A_59 = arith.constant 0 : i32
    %dma_wait3A_60 = tpu.memref_slice %arg4[%add3A_34, %dma_wait3A_59] : memref<32256x128xi32, #tpu.memory_space<hbm>> -> memref<168x128xi32, #tpu.memory_space<hbm>>
    %dma_wait3A_61 = arith.constant 0 : i32
    %dma_wait3A_62 = tpu.memref_slice %arg4[%add3A_34, %dma_wait3A_61] : memref<32256x128xi32, #tpu.memory_space<hbm>> -> memref<168x128xi32, #tpu.memory_space<hbm>>
    tpu.wait_dma2 semaphore(%arg12 : memref<!tpu.dma_semaphore, #tpu.memory_space<semaphore_mem>>) src(%arg7 : memref<168x128xi32, #tpu.memory_space<vmem>>) dst(%dma_wait3A_62 : memref<168x128xi32, #tpu.memory_space<hbm>>)
    %dma_start3A_63 = arith.constant 504 : i32
    %dma_start3A_64 = tpu.memref_slice %arg5[%dma_start3A_63] : memref<1008xi32, #tpu.memory_space<vmem>> -> memref<168xi32, #tpu.memory_space<vmem>>
    %dma_start3A_65 = arith.constant 0 : i32
    %dma_start3A_66 = arith.constant 0 : i32
    %dma_start3A_67 = tpu.memref_slice %arg8[%dma_start3A_65, %dma_start3A_66] : memref<10242x128xi32, #tpu.memory_space<vmem_shared>> -> memref<10242x128xi32, #tpu.memory_space<vmem_shared>>
    tpu.enqueue_indirect_dma source(%dma_start3A_67 : memref<10242x128xi32, #tpu.memory_space<vmem_shared>>) target(%arg7 : memref<168x128xi32, #tpu.memory_space<vmem>>) offsets(%dma_start3A_64 : memref<168xi32, #tpu.memory_space<vmem>>) semaphore(%arg10 : memref<!tpu.dma_semaphore, #tpu.memory_space<semaphore_mem>>)
    %dma_wait3A_68 = arith.constant 504 : i32
    %dma_wait3A_69 = tpu.memref_slice %arg5[%dma_wait3A_68] : memref<1008xi32, #tpu.memory_space<vmem>> -> memref<168xi32, #tpu.memory_space<vmem>>
    %dma_wait3A_70 = arith.constant 0 : i32
    %dma_wait3A_71 = arith.constant 0 : i32
    %dma_wait3A_72 = tpu.memref_slice %arg8[%dma_wait3A_70, %dma_wait3A_71] : memref<10242x128xi32, #tpu.memory_space<vmem_shared>> -> memref<10242x128xi32, #tpu.memory_space<vmem_shared>>
    tpu.wait_indirect_dma semaphore(%arg10 : memref<!tpu.dma_semaphore, #tpu.memory_space<semaphore_mem>>) src(%dma_wait3A_72 : memref<10242x128xi32, #tpu.memory_space<vmem_shared>>) dst(%arg7 : memref<168x128xi32, #tpu.memory_space<vmem>>)
    %add3A_73 = arith.constant 504 : i32
    %add3A_74 = arith.addi %mul3A_2, %add3A_73 : i32
    %dma_start3A_75 = arith.constant 0 : i32
    %dma_start3A_76 = tpu.memref_slice %arg4[%add3A_74, %dma_start3A_75] : memref<32256x128xi32, #tpu.memory_space<hbm>> -> memref<168x128xi32, #tpu.memory_space<hbm>>
    %dma_start3A_77 = arith.constant 0 : i32
    %dma_start3A_78 = tpu.memref_slice %arg4[%add3A_74, %dma_start3A_77] : memref<32256x128xi32, #tpu.memory_space<hbm>> -> memref<168x128xi32, #tpu.memory_space<hbm>>
    tpu.enqueue_dma source(%arg7 : memref<168x128xi32, #tpu.memory_space<vmem>>) target(%dma_start3A_78 : memref<168x128xi32, #tpu.memory_space<hbm>>) target_semaphore(%arg12 : memref<!tpu.dma_semaphore, #tpu.memory_space<semaphore_mem>>)
    %dma_wait3A_79 = arith.constant 0 : i32
    %dma_wait3A_80 = tpu.memref_slice %arg4[%add3A_54, %dma_wait3A_79] : memref<32256x128xi32, #tpu.memory_space<hbm>> -> memref<168x128xi32, #tpu.memory_space<hbm>>
    %dma_wait3A_81 = arith.constant 0 : i32
    %dma_wait3A_82 = tpu.memref_slice %arg4[%add3A_54, %dma_wait3A_81] : memref<32256x128xi32, #tpu.memory_space<hbm>> -> memref<168x128xi32, #tpu.memory_space<hbm>>
    tpu.wait_dma2 semaphore(%arg11 : memref<!tpu.dma_semaphore, #tpu.memory_space<semaphore_mem>>) src(%arg6 : memref<168x128xi32, #tpu.memory_space<vmem>>) dst(%dma_wait3A_82 : memref<168x128xi32, #tpu.memory_space<hbm>>)
    %dma_start3A_83 = arith.constant 672 : i32
    %dma_start3A_84 = tpu.memref_slice %arg5[%dma_start3A_83] : memref<1008xi32, #tpu.memory_space<vmem>> -> memref<168xi32, #tpu.memory_space<vmem>>
    %dma_start3A_85 = arith.constant 0 : i32
    %dma_start3A_86 = arith.constant 0 : i32
    %dma_start3A_87 = tpu.memref_slice %arg8[%dma_start3A_85, %dma_start3A_86] : memref<10242x128xi32, #tpu.memory_space<vmem_shared>> -> memref<10242x128xi32, #tpu.memory_space<vmem_shared>>
    tpu.enqueue_indirect_dma source(%dma_start3A_87 : memref<10242x128xi32, #tpu.memory_space<vmem_shared>>) target(%arg6 : memref<168x128xi32, #tpu.memory_space<vmem>>) offsets(%dma_start3A_84 : memref<168xi32, #tpu.memory_space<vmem>>) semaphore(%arg9 : memref<!tpu.dma_semaphore, #tpu.memory_space<semaphore_mem>>)
    %dma_wait3A_88 = arith.constant 672 : i32
    %dma_wait3A_89 = tpu.memref_slice %arg5[%dma_wait3A_88] : memref<1008xi32, #tpu.memory_space<vmem>> -> memref<168xi32, #tpu.memory_space<vmem>>
    %dma_wait3A_90 = arith.constant 0 : i32
    %dma_wait3A_91 = arith.constant 0 : i32
    %dma_wait3A_92 = tpu.memref_slice %arg8[%dma_wait3A_90, %dma_wait3A_91] : memref<10242x128xi32, #tpu.memory_space<vmem_shared>> -> memref<10242x128xi32, #tpu.memory_space<vmem_shared>>
    tpu.wait_indirect_dma semaphore(%arg9 : memref<!tpu.dma_semaphore, #tpu.memory_space<semaphore_mem>>) src(%dma_wait3A_92 : memref<10242x128xi32, #tpu.memory_space<vmem_shared>>) dst(%arg6 : memref<168x128xi32, #tpu.memory_space<vmem>>)
    %add3A_93 = arith.constant 672 : i32
    %add3A_94 = arith.addi %mul3A_2, %add3A_93 : i32
    %dma_start3A_95 = arith.constant 0 : i32
    %dma_start3A_96 = tpu.memref_slice %arg4[%add3A_94, %dma_start3A_95] : memref<32256x128xi32, #tpu.memory_space<hbm>> -> memref<168x128xi32, #tpu.memory_space<hbm>>
    %dma_start3A_97 = arith.constant 0 : i32
    %dma_start3A_98 = tpu.memref_slice %arg4[%add3A_94, %dma_start3A_97] : memref<32256x128xi32, #tpu.memory_space<hbm>> -> memref<168x128xi32, #tpu.memory_space<hbm>>
    tpu.enqueue_dma source(%arg6 : memref<168x128xi32, #tpu.memory_space<vmem>>) target(%dma_start3A_98 : memref<168x128xi32, #tpu.memory_space<hbm>>) target_semaphore(%arg11 : memref<!tpu.dma_semaphore, #tpu.memory_space<semaphore_mem>>)
    %dma_wait3A_99 = arith.constant 0 : i32
    %dma_wait3A_100 = tpu.memref_slice %arg4[%add3A_74, %dma_wait3A_99] : memref<32256x128xi32, #tpu.memory_space<hbm>> -> memref<168x128xi32, #tpu.memory_space<hbm>>
    %dma_wait3A_101 = arith.constant 0 : i32
    %dma_wait3A_102 = tpu.memref_slice %arg4[%add3A_74, %dma_wait3A_101] : memref<32256x128xi32, #tpu.memory_space<hbm>> -> memref<168x128xi32, #tpu.memory_space<hbm>>
    tpu.wait_dma2 semaphore(%arg12 : memref<!tpu.dma_semaphore, #tpu.memory_space<semaphore_mem>>) src(%arg7 : memref<168x128xi32, #tpu.memory_space<vmem>>) dst(%dma_wait3A_102 : memref<168x128xi32, #tpu.memory_space<hbm>>)
    %dma_start3A_103 = arith.constant 840 : i32
    %dma_start3A_104 = tpu.memref_slice %arg5[%dma_start3A_103] : memref<1008xi32, #tpu.memory_space<vmem>> -> memref<168xi32, #tpu.memory_space<vmem>>
    %dma_start3A_105 = arith.constant 0 : i32
    %dma_start3A_106 = arith.constant 0 : i32
    %dma_start3A_107 = tpu.memref_slice %arg8[%dma_start3A_105, %dma_start3A_106] : memref<10242x128xi32, #tpu.memory_space<vmem_shared>> -> memref<10242x128xi32, #tpu.memory_space<vmem_shared>>
    tpu.enqueue_indirect_dma source(%dma_start3A_107 : memref<10242x128xi32, #tpu.memory_space<vmem_shared>>) target(%arg7 : memref<168x128xi32, #tpu.memory_space<vmem>>) offsets(%dma_start3A_104 : memref<168xi32, #tpu.memory_space<vmem>>) semaphore(%arg10 : memref<!tpu.dma_semaphore, #tpu.memory_space<semaphore_mem>>)
    %dma_wait3A_108 = arith.constant 840 : i32
    %dma_wait3A_109 = tpu.memref_slice %arg5[%dma_wait3A_108] : memref<1008xi32, #tpu.memory_space<vmem>> -> memref<168xi32, #tpu.memory_space<vmem>>
    %dma_wait3A_110 = arith.constant 0 : i32
    %dma_wait3A_111 = arith.constant 0 : i32
    %dma_wait3A_112 = tpu.memref_slice %arg8[%dma_wait3A_110, %dma_wait3A_111] : memref<10242x128xi32, #tpu.memory_space<vmem_shared>> -> memref<10242x128xi32, #tpu.memory_space<vmem_shared>>
    tpu.wait_indirect_dma semaphore(%arg10 : memref<!tpu.dma_semaphore, #tpu.memory_space<semaphore_mem>>) src(%dma_wait3A_112 : memref<10242x128xi32, #tpu.memory_space<vmem_shared>>) dst(%arg7 : memref<168x128xi32, #tpu.memory_space<vmem>>)
    %add3A_113 = arith.constant 840 : i32
    %add3A_114 = arith.addi %mul3A_2, %add3A_113 : i32
    %dma_start3A_115 = arith.constant 0 : i32
    %dma_start3A_116 = tpu.memref_slice %arg4[%add3A_114, %dma_start3A_115] : memref<32256x128xi32, #tpu.memory_space<hbm>> -> memref<168x128xi32, #tpu.memory_space<hbm>>
    %dma_start3A_117 = arith.constant 0 : i32
    %dma_start3A_118 = tpu.memref_slice %arg4[%add3A_114, %dma_start3A_117] : memref<32256x128xi32, #tpu.memory_space<hbm>> -> memref<168x128xi32, #tpu.memory_space<hbm>>
    tpu.enqueue_dma source(%arg7 : memref<168x128xi32, #tpu.memory_space<vmem>>) target(%dma_start3A_118 : memref<168x128xi32, #tpu.memory_space<hbm>>) target_semaphore(%arg12 : memref<!tpu.dma_semaphore, #tpu.memory_space<semaphore_mem>>)
    %dma_wait3A_119 = arith.constant 0 : i32
    %dma_wait3A_120 = tpu.memref_slice %arg4[%add3A_94, %dma_wait3A_119] : memref<32256x128xi32, #tpu.memory_space<hbm>> -> memref<168x128xi32, #tpu.memory_space<hbm>>
    %dma_wait3A_121 = arith.constant 0 : i32
    %dma_wait3A_122 = tpu.memref_slice %arg4[%add3A_94, %dma_wait3A_121] : memref<32256x128xi32, #tpu.memory_space<hbm>> -> memref<168x128xi32, #tpu.memory_space<hbm>>
    tpu.wait_dma2 semaphore(%arg11 : memref<!tpu.dma_semaphore, #tpu.memory_space<semaphore_mem>>) src(%arg6 : memref<168x128xi32, #tpu.memory_space<vmem>>) dst(%dma_wait3A_122 : memref<168x128xi32, #tpu.memory_space<hbm>>)
    %dma_wait3A_123 = arith.constant 0 : i32
    %dma_wait3A_124 = tpu.memref_slice %arg4[%add3A_114, %dma_wait3A_123] : memref<32256x128xi32, #tpu.memory_space<hbm>> -> memref<168x128xi32, #tpu.memory_space<hbm>>
    %dma_wait3A_125 = arith.constant 0 : i32
    %dma_wait3A_126 = tpu.memref_slice %arg4[%add3A_114, %dma_wait3A_125] : memref<32256x128xi32, #tpu.memory_space<hbm>> -> memref<168x128xi32, #tpu.memory_space<hbm>>
    tpu.wait_dma2 semaphore(%arg12 : memref<!tpu.dma_semaphore, #tpu.memory_space<semaphore_mem>>) src(%arg7 : memref<168x128xi32, #tpu.memory_space<vmem>>) dst(%dma_wait3A_126 : memref<168x128xi32, #tpu.memory_space<hbm>>)
    return
  }
}

#map = affine_map<(d0, d1) -> (0, 0)>
#map1 = affine_map<(d0, d1) -> (0)>
module attributes {stable_mosaic.version = 14 : i64} {
  func.func @gather_kernel(%arg0: i32, %arg1: i32, %arg2: memref<10242x128xi32, #tpu.memory_space<hbm>>, %arg3: memref<32256xi32, #tpu.memory_space<hbm>>, %arg4: memref<32256x128xi32, #tpu.memory_space<hbm>>, %arg5: memref<1008xi32, #tpu.memory_space<vmem>>, %arg6: memref<168x128xi32, #tpu.memory_space<vmem>>, %arg7: memref<168x128xi32, #tpu.memory_space<vmem>>, %arg8: memref<10242x128xi32, #tpu.memory_space<vmem_shared>>, %arg9: memref<!tpu.dma_semaphore, #tpu.memory_space<semaphore_mem>>, %arg10: memref<!tpu.dma_semaphore, #tpu.memory_space<semaphore_mem>>, %arg11: memref<!tpu.dma_semaphore, #tpu.memory_space<semaphore_mem>>, %arg12: memref<!tpu.dma_semaphore, #tpu.memory_space<semaphore_mem>>) attributes {dimension_semantics = [#tpu.dimension_semantics<core_parallel>, #tpu.dimension_semantics<subcore_parallel>], iteration_bounds = array<i64: 2, 16>, scalar_prefetch = 0 : i64, scratch_operands = 8 : i64, tpu.core_type = #tpu.core_type<sc_vector_subcore>, window_params = [{transform_indices = #map}, {transform_indices = #map1}, {transform_indices = #map}]} {
    %mul3A = arith.constant 2 : i32
    %mul3A_0 = arith.muli %arg1, %mul3A : i32
    %add3A = arith.addi %mul3A_0, %arg0 : i32
    %mul3A_1 = arith.constant 1008 : i32
    %mul3A_2 = arith.muli %add3A, %mul3A_1 : i32
    %mul3A_3 = arith.constant 640 : i32
    %mul3A_4 = arith.muli %arg1, %mul3A_3 : i32
    %mul3A_5 = arith.constant 640 : i32
    %mul3A_6 = arith.muli %arg1, %mul3A_5 : i32
    "tpu.region"() ({
      %run_scoped3A = tpu.sem_alloc : memref<!tpu.dma_semaphore, #tpu.memory_space<semaphore_mem>>
      %dma_start3A_127 = arith.constant 0 : i32
      %dma_start3A_128 = tpu.memref_slice %arg8[%mul3A_6, %dma_start3A_127] : memref<10242x128xi32, #tpu.memory_space<vmem_shared>> -> memref<640x128xi32, #tpu.memory_space<vmem_shared>>
      %dma_start3A_129 = arith.constant 0 : i32
      %dma_start3A_130 = tpu.memref_slice %arg2[%mul3A_4, %dma_start3A_129] : memref<10242x128xi32, #tpu.memory_space<hbm>> -> memref<640x128xi32, #tpu.memory_space<hbm>>
      tpu.enqueue_dma source(%dma_start3A_130 : memref<640x128xi32, #tpu.memory_space<hbm>>) target(%dma_start3A_128 : memref<640x128xi32, #tpu.memory_space<vmem_shared>>) target_semaphore(%run_scoped3A : memref<!tpu.dma_semaphore, #tpu.memory_space<semaphore_mem>>)
      %dma_wait3A_131 = arith.constant 0 : i32
      %dma_wait3A_132 = tpu.memref_slice %arg8[%mul3A_6, %dma_wait3A_131] : memref<10242x128xi32, #tpu.memory_space<vmem_shared>> -> memref<640x128xi32, #tpu.memory_space<vmem_shared>>
      %dma_wait3A_133 = arith.constant 0 : i32
      %dma_wait3A_134 = tpu.memref_slice %arg2[%mul3A_4, %dma_wait3A_133] : memref<10242x128xi32, #tpu.memory_space<hbm>> -> memref<640x128xi32, #tpu.memory_space<hbm>>
      tpu.wait_dma2 semaphore(%run_scoped3A : memref<!tpu.dma_semaphore, #tpu.memory_space<semaphore_mem>>) src(%dma_wait3A_134 : memref<640x128xi32, #tpu.memory_space<hbm>>) dst(%dma_wait3A_132 : memref<640x128xi32, #tpu.memory_space<vmem_shared>>)
      tpu.yield
    }) : () -> ()
    %eq3A = arith.constant 0 : i32
    %eq3A_7 = arith.cmpi eq, %arg1, %eq3A : i32
    %convert_element_type3A = arith.extui %eq3A_7 : i1 to i32
    %cond3A = arith.constant 0 : i32
    %cond3A_8 = arith.cmpi ne, %convert_element_type3A, %cond3A : i32
    scf.if %cond3A_8 {
      "tpu.region"() ({
        %run_scoped3A = tpu.sem_alloc : memref<!tpu.dma_semaphore, #tpu.memory_space<semaphore_mem>>
        %dma_start3A_127 = arith.constant 10240 : i32
        %dma_start3A_128 = arith.constant 0 : i32
        %dma_start3A_129 = tpu.memref_slice %arg8[%dma_start3A_127, %dma_start3A_128] : memref<10242x128xi32, #tpu.memory_space<vmem_shared>> -> memref<2x128xi32, #tpu.memory_space<vmem_shared>>
        %dma_start3A_130 = arith.constant 10240 : i32
        %dma_start3A_131 = arith.constant 0 : i32
        %dma_start3A_132 = tpu.memref_slice %arg2[%dma_start3A_130, %dma_start3A_131] : memref<10242x128xi32, #tpu.memory_space<hbm>> -> memref<2x128xi32, #tpu.memory_space<hbm>>
        tpu.enqueue_dma source(%dma_start3A_132 : memref<2x128xi32, #tpu.memory_space<hbm>>) target(%dma_start3A_129 : memref<2x128xi32, #tpu.memory_space<vmem_shared>>) target_semaphore(%run_scoped3A : memref<!tpu.dma_semaphore, #tpu.memory_space<semaphore_mem>>)
        %dma_wait3A_133 = arith.constant 10240 : i32
        %dma_wait3A_134 = arith.constant 0 : i32
        %dma_wait3A_135 = tpu.memref_slice %arg8[%dma_wait3A_133, %dma_wait3A_134] : memref<10242x128xi32, #tpu.memory_space<vmem_shared>> -> memref<2x128xi32, #tpu.memory_space<vmem_shared>>
        %dma_wait3A_136 = arith.constant 10240 : i32
        %dma_wait3A_137 = arith.constant 0 : i32
        %dma_wait3A_138 = tpu.memref_slice %arg2[%dma_wait3A_136, %dma_wait3A_137] : memref<10242x128xi32, #tpu.memory_space<hbm>> -> memref<2x128xi32, #tpu.memory_space<hbm>>
        tpu.wait_dma2 semaphore(%run_scoped3A : memref<!tpu.dma_semaphore, #tpu.memory_space<semaphore_mem>>) src(%dma_wait3A_138 : memref<2x128xi32, #tpu.memory_space<hbm>>) dst(%dma_wait3A_135 : memref<2x128xi32, #tpu.memory_space<vmem_shared>>)
        tpu.yield
      }) : () -> ()
    } else {
    }
    "tpu.region"() ({
      %run_scoped3A = tpu.sem_alloc : memref<!tpu.dma_semaphore, #tpu.memory_space<semaphore_mem>>
      %dma_start3A_127 = tpu.memref_slice %arg3[%mul3A_2] : memref<32256xi32, #tpu.memory_space<hbm>> -> memref<1008xi32, #tpu.memory_space<hbm>>
      %dma_start3A_128 = tpu.memref_slice %arg3[%mul3A_2] : memref<32256xi32, #tpu.memory_space<hbm>> -> memref<1008xi32, #tpu.memory_space<hbm>>
      tpu.enqueue_dma source(%dma_start3A_128 : memref<1008xi32, #tpu.memory_space<hbm>>) target(%arg5 : memref<1008xi32, #tpu.memory_space<vmem>>) target_semaphore(%run_scoped3A : memref<!tpu.dma_semaphore, #tpu.memory_space<semaphore_mem>>)
      %dma_wait3A_129 = tpu.memref_slice %arg3[%mul3A_2] : memref<32256xi32, #tpu.memory_space<hbm>> -> memref<1008xi32, #tpu.memory_space<hbm>>
      %dma_wait3A_130 = tpu.memref_slice %arg3[%mul3A_2] : memref<32256xi32, #tpu.memory_space<hbm>> -> memref<1008xi32, #tpu.memory_space<hbm>>
      tpu.wait_dma2 semaphore(%run_scoped3A : memref<!tpu.dma_semaphore, #tpu.memory_space<semaphore_mem>>) src(%dma_wait3A_130 : memref<1008xi32, #tpu.memory_space<hbm>>) dst(%arg5 : memref<1008xi32, #tpu.memory_space<vmem>>)
      tpu.yield
    }) : () -> ()
    %barrier3A = arith.constant 0 : index
    tpu.barrier barrier_id(%barrier3A)
    %dma_start3A = arith.constant 0 : i32
    %dma_start3A_9 = tpu.memref_slice %arg5[%dma_start3A] : memref<1008xi32, #tpu.memory_space<vmem>> -> memref<168xi32, #tpu.memory_space<vmem>>
    %dma_start3A_10 = arith.constant 0 : i32
    %dma_start3A_11 = arith.constant 0 : i32
    %dma_start3A_12 = tpu.memref_slice %arg8[%dma_start3A_10, %dma_start3A_11] : memref<10242x128xi32, #tpu.memory_space<vmem_shared>> -> memref<10242x128xi32, #tpu.memory_space<vmem_shared>>
    tpu.enqueue_indirect_dma source(%dma_start3A_12 : memref<10242x128xi32, #tpu.memory_space<vmem_shared>>) target(%arg6 : memref<168x128xi32, #tpu.memory_space<vmem>>) offsets(%dma_start3A_9 : memref<168xi32, #tpu.memory_space<vmem>>) semaphore(%arg9 : memref<!tpu.dma_semaphore, #tpu.memory_space<semaphore_mem>>)
    %dma_wait3A = arith.constant 0 : i32
    %dma_wait3A_13 = tpu.memref_slice %arg5[%dma_wait3A] : memref<1008xi32, #tpu.memory_space<vmem>> -> memref<168xi32, #tpu.memory_space<vmem>>
    %dma_wait3A_14 = arith.constant 0 : i32
    %dma_wait3A_15 = arith.constant 0 : i32
    %dma_wait3A_16 = tpu.memref_slice %arg8[%dma_wait3A_14, %dma_wait3A_15] : memref<10242x128xi32, #tpu.memory_space<vmem_shared>> -> memref<10242x128xi32, #tpu.memory_space<vmem_shared>>
    tpu.wait_indirect_dma semaphore(%arg9 : memref<!tpu.dma_semaphore, #tpu.memory_space<semaphore_mem>>) src(%dma_wait3A_16 : memref<10242x128xi32, #tpu.memory_space<vmem_shared>>) dst(%arg6 : memref<168x128xi32, #tpu.memory_space<vmem>>)
    %add3A_17 = arith.constant 0 : i32
    %add3A_18 = arith.addi %mul3A_2, %add3A_17 : i32
    %dma_start3A_19 = arith.constant 0 : i32
    %dma_start3A_20 = tpu.memref_slice %arg4[%add3A_18, %dma_start3A_19] : memref<32256x128xi32, #tpu.memory_space<hbm>> -> memref<168x128xi32, #tpu.memory_space<hbm>>
    %dma_start3A_21 = arith.constant 0 : i32
    %dma_start3A_22 = tpu.memref_slice %arg4[%add3A_18, %dma_start3A_21] : memref<32256x128xi32, #tpu.memory_space<hbm>> -> memref<168x128xi32, #tpu.memory_space<hbm>>
    tpu.enqueue_dma source(%arg6 : memref<168x128xi32, #tpu.memory_space<vmem>>) target(%dma_start3A_22 : memref<168x128xi32, #tpu.memory_space<hbm>>) target_semaphore(%arg11 : memref<!tpu.dma_semaphore, #tpu.memory_space<semaphore_mem>>)
    %dma_start3A_23 = arith.constant 168 : i32
    %dma_start3A_24 = tpu.memref_slice %arg5[%dma_start3A_23] : memref<1008xi32, #tpu.memory_space<vmem>> -> memref<168xi32, #tpu.memory_space<vmem>>
    %dma_start3A_25 = arith.constant 0 : i32
    %dma_start3A_26 = arith.constant 0 : i32
    %dma_start3A_27 = tpu.memref_slice %arg8[%dma_start3A_25, %dma_start3A_26] : memref<10242x128xi32, #tpu.memory_space<vmem_shared>> -> memref<10242x128xi32, #tpu.memory_space<vmem_shared>>
    tpu.enqueue_indirect_dma source(%dma_start3A_27 : memref<10242x128xi32, #tpu.memory_space<vmem_shared>>) target(%arg7 : memref<168x128xi32, #tpu.memory_space<vmem>>) offsets(%dma_start3A_24 : memref<168xi32, #tpu.memory_space<vmem>>) semaphore(%arg10 : memref<!tpu.dma_semaphore, #tpu.memory_space<semaphore_mem>>)
    %dma_wait3A_28 = arith.constant 168 : i32
    %dma_wait3A_29 = tpu.memref_slice %arg5[%dma_wait3A_28] : memref<1008xi32, #tpu.memory_space<vmem>> -> memref<168xi32, #tpu.memory_space<vmem>>
    %dma_wait3A_30 = arith.constant 0 : i32
    %dma_wait3A_31 = arith.constant 0 : i32
    %dma_wait3A_32 = tpu.memref_slice %arg8[%dma_wait3A_30, %dma_wait3A_31] : memref<10242x128xi32, #tpu.memory_space<vmem_shared>> -> memref<10242x128xi32, #tpu.memory_space<vmem_shared>>
    tpu.wait_indirect_dma semaphore(%arg10 : memref<!tpu.dma_semaphore, #tpu.memory_space<semaphore_mem>>) src(%dma_wait3A_32 : memref<10242x128xi32, #tpu.memory_space<vmem_shared>>) dst(%arg7 : memref<168x128xi32, #tpu.memory_space<vmem>>)
    %add3A_33 = arith.constant 168 : i32
    %add3A_34 = arith.addi %mul3A_2, %add3A_33 : i32
    %dma_start3A_35 = arith.constant 0 : i32
    %dma_start3A_36 = tpu.memref_slice %arg4[%add3A_34, %dma_start3A_35] : memref<32256x128xi32, #tpu.memory_space<hbm>> -> memref<168x128xi32, #tpu.memory_space<hbm>>
    %dma_start3A_37 = arith.constant 0 : i32
    %dma_start3A_38 = tpu.memref_slice %arg4[%add3A_34, %dma_start3A_37] : memref<32256x128xi32, #tpu.memory_space<hbm>> -> memref<168x128xi32, #tpu.memory_space<hbm>>
    tpu.enqueue_dma source(%arg7 : memref<168x128xi32, #tpu.memory_space<vmem>>) target(%dma_start3A_38 : memref<168x128xi32, #tpu.memory_space<hbm>>) target_semaphore(%arg12 : memref<!tpu.dma_semaphore, #tpu.memory_space<semaphore_mem>>)
    %dma_wait3A_39 = arith.constant 0 : i32
    %dma_wait3A_40 = tpu.memref_slice %arg4[%add3A_18, %dma_wait3A_39] : memref<32256x128xi32, #tpu.memory_space<hbm>> -> memref<168x128xi32, #tpu.memory_space<hbm>>
    %dma_wait3A_41 = arith.constant 0 : i32
    %dma_wait3A_42 = tpu.memref_slice %arg4[%add3A_18, %dma_wait3A_41] : memref<32256x128xi32, #tpu.memory_space<hbm>> -> memref<168x128xi32, #tpu.memory_space<hbm>>
    tpu.wait_dma2 semaphore(%arg11 : memref<!tpu.dma_semaphore, #tpu.memory_space<semaphore_mem>>) src(%arg6 : memref<168x128xi32, #tpu.memory_space<vmem>>) dst(%dma_wait3A_42 : memref<168x128xi32, #tpu.memory_space<hbm>>)
    %dma_start3A_43 = arith.constant 336 : i32
    %dma_start3A_44 = tpu.memref_slice %arg5[%dma_start3A_43] : memref<1008xi32, #tpu.memory_space<vmem>> -> memref<168xi32, #tpu.memory_space<vmem>>
    %dma_start3A_45 = arith.constant 0 : i32
    %dma_start3A_46 = arith.constant 0 : i32
    %dma_start3A_47 = tpu.memref_slice %arg8[%dma_start3A_45, %dma_start3A_46] : memref<10242x128xi32, #tpu.memory_space<vmem_shared>> -> memref<10242x128xi32, #tpu.memory_space<vmem_shared>>
    tpu.enqueue_indirect_dma source(%dma_start3A_47 : memref<10242x128xi32, #tpu.memory_space<vmem_shared>>) target(%arg6 : memref<168x128xi32, #tpu.memory_space<vmem>>) offsets(%dma_start3A_44 : memref<168xi32, #tpu.memory_space<vmem>>) semaphore(%arg9 : memref<!tpu.dma_semaphore, #tpu.memory_space<semaphore_mem>>)
    %dma_wait3A_48 = arith.constant 336 : i32
    %dma_wait3A_49 = tpu.memref_slice %arg5[%dma_wait3A_48] : memref<1008xi32, #tpu.memory_space<vmem>> -> memref<168xi32, #tpu.memory_space<vmem>>
    %dma_wait3A_50 = arith.constant 0 : i32
    %dma_wait3A_51 = arith.constant 0 : i32
    %dma_wait3A_52 = tpu.memref_slice %arg8[%dma_wait3A_50, %dma_wait3A_51] : memref<10242x128xi32, #tpu.memory_space<vmem_shared>> -> memref<10242x128xi32, #tpu.memory_space<vmem_shared>>
    tpu.wait_indirect_dma semaphore(%arg9 : memref<!tpu.dma_semaphore, #tpu.memory_space<semaphore_mem>>) src(%dma_wait3A_52 : memref<10242x128xi32, #tpu.memory_space<vmem_shared>>) dst(%arg6 : memref<168x128xi32, #tpu.memory_space<vmem>>)
    %add3A_53 = arith.constant 336 : i32
    %add3A_54 = arith.addi %mul3A_2, %add3A_53 : i32
    %dma_start3A_55 = arith.constant 0 : i32
    %dma_start3A_56 = tpu.memref_slice %arg4[%add3A_54, %dma_start3A_55] : memref<32256x128xi32, #tpu.memory_space<hbm>> -> memref<168x128xi32, #tpu.memory_space<hbm>>
    %dma_start3A_57 = arith.constant 0 : i32
    %dma_start3A_58 = tpu.memref_slice %arg4[%add3A_54, %dma_start3A_57] : memref<32256x128xi32, #tpu.memory_space<hbm>> -> memref<168x128xi32, #tpu.memory_space<hbm>>
    tpu.enqueue_dma source(%arg6 : memref<168x128xi32, #tpu.memory_space<vmem>>) target(%dma_start3A_58 : memref<168x128xi32, #tpu.memory_space<hbm>>) target_semaphore(%arg11 : memref<!tpu.dma_semaphore, #tpu.memory_space<semaphore_mem>>)
    %dma_wait3A_59 = arith.constant 0 : i32
    %dma_wait3A_60 = tpu.memref_slice %arg4[%add3A_34, %dma_wait3A_59] : memref<32256x128xi32, #tpu.memory_space<hbm>> -> memref<168x128xi32, #tpu.memory_space<hbm>>
    %dma_wait3A_61 = arith.constant 0 : i32
    %dma_wait3A_62 = tpu.memref_slice %arg4[%add3A_34, %dma_wait3A_61] : memref<32256x128xi32, #tpu.memory_space<hbm>> -> memref<168x128xi32, #tpu.memory_space<hbm>>
    tpu.wait_dma2 semaphore(%arg12 : memref<!tpu.dma_semaphore, #tpu.memory_space<semaphore_mem>>) src(%arg7 : memref<168x128xi32, #tpu.memory_space<vmem>>) dst(%dma_wait3A_62 : memref<168x128xi32, #tpu.memory_space<hbm>>)
    %dma_start3A_63 = arith.constant 504 : i32
    %dma_start3A_64 = tpu.memref_slice %arg5[%dma_start3A_63] : memref<1008xi32, #tpu.memory_space<vmem>> -> memref<168xi32, #tpu.memory_space<vmem>>
    %dma_start3A_65 = arith.constant 0 : i32
    %dma_start3A_66 = arith.constant 0 : i32
    %dma_start3A_67 = tpu.memref_slice %arg8[%dma_start3A_65, %dma_start3A_66] : memref<10242x128xi32, #tpu.memory_space<vmem_shared>> -> memref<10242x128xi32, #tpu.memory_space<vmem_shared>>
    tpu.enqueue_indirect_dma source(%dma_start3A_67 : memref<10242x128xi32, #tpu.memory_space<vmem_shared>>) target(%arg7 : memref<168x128xi32, #tpu.memory_space<vmem>>) offsets(%dma_start3A_64 : memref<168xi32, #tpu.memory_space<vmem>>) semaphore(%arg10 : memref<!tpu.dma_semaphore, #tpu.memory_space<semaphore_mem>>)
    %dma_wait3A_68 = arith.constant 504 : i32
    %dma_wait3A_69 = tpu.memref_slice %arg5[%dma_wait3A_68] : memref<1008xi32, #tpu.memory_space<vmem>> -> memref<168xi32, #tpu.memory_space<vmem>>
    %dma_wait3A_70 = arith.constant 0 : i32
    %dma_wait3A_71 = arith.constant 0 : i32
    %dma_wait3A_72 = tpu.memref_slice %arg8[%dma_wait3A_70, %dma_wait3A_71] : memref<10242x128xi32, #tpu.memory_space<vmem_shared>> -> memref<10242x128xi32, #tpu.memory_space<vmem_shared>>
    tpu.wait_indirect_dma semaphore(%arg10 : memref<!tpu.dma_semaphore, #tpu.memory_space<semaphore_mem>>) src(%dma_wait3A_72 : memref<10242x128xi32, #tpu.memory_space<vmem_shared>>) dst(%arg7 : memref<168x128xi32, #tpu.memory_space<vmem>>)
    %add3A_73 = arith.constant 504 : i32
    %add3A_74 = arith.addi %mul3A_2, %add3A_73 : i32
    %dma_start3A_75 = arith.constant 0 : i32
    %dma_start3A_76 = tpu.memref_slice %arg4[%add3A_74, %dma_start3A_75] : memref<32256x128xi32, #tpu.memory_space<hbm>> -> memref<168x128xi32, #tpu.memory_space<hbm>>
    %dma_start3A_77 = arith.constant 0 : i32
    %dma_start3A_78 = tpu.memref_slice %arg4[%add3A_74, %dma_start3A_77] : memref<32256x128xi32, #tpu.memory_space<hbm>> -> memref<168x128xi32, #tpu.memory_space<hbm>>
    tpu.enqueue_dma source(%arg7 : memref<168x128xi32, #tpu.memory_space<vmem>>) target(%dma_start3A_78 : memref<168x128xi32, #tpu.memory_space<hbm>>) target_semaphore(%arg12 : memref<!tpu.dma_semaphore, #tpu.memory_space<semaphore_mem>>)
    %dma_wait3A_79 = arith.constant 0 : i32
    %dma_wait3A_80 = tpu.memref_slice %arg4[%add3A_54, %dma_wait3A_79] : memref<32256x128xi32, #tpu.memory_space<hbm>> -> memref<168x128xi32, #tpu.memory_space<hbm>>
    %dma_wait3A_81 = arith.constant 0 : i32
    %dma_wait3A_82 = tpu.memref_slice %arg4[%add3A_54, %dma_wait3A_81] : memref<32256x128xi32, #tpu.memory_space<hbm>> -> memref<168x128xi32, #tpu.memory_space<hbm>>
    tpu.wait_dma2 semaphore(%arg11 : memref<!tpu.dma_semaphore, #tpu.memory_space<semaphore_mem>>) src(%arg6 : memref<168x128xi32, #tpu.memory_space<vmem>>) dst(%dma_wait3A_82 : memref<168x128xi32, #tpu.memory_space<hbm>>)
    %dma_start3A_83 = arith.constant 672 : i32
    %dma_start3A_84 = tpu.memref_slice %arg5[%dma_start3A_83] : memref<1008xi32, #tpu.memory_space<vmem>> -> memref<168xi32, #tpu.memory_space<vmem>>
    %dma_start3A_85 = arith.constant 0 : i32
    %dma_start3A_86 = arith.constant 0 : i32
    %dma_start3A_87 = tpu.memref_slice %arg8[%dma_start3A_85, %dma_start3A_86] : memref<10242x128xi32, #tpu.memory_space<vmem_shared>> -> memref<10242x128xi32, #tpu.memory_space<vmem_shared>>
    tpu.enqueue_indirect_dma source(%dma_start3A_87 : memref<10242x128xi32, #tpu.memory_space<vmem_shared>>) target(%arg6 : memref<168x128xi32, #tpu.memory_space<vmem>>) offsets(%dma_start3A_84 : memref<168xi32, #tpu.memory_space<vmem>>) semaphore(%arg9 : memref<!tpu.dma_semaphore, #tpu.memory_space<semaphore_mem>>)
    %dma_wait3A_88 = arith.constant 672 : i32
    %dma_wait3A_89 = tpu.memref_slice %arg5[%dma_wait3A_88] : memref<1008xi32, #tpu.memory_space<vmem>> -> memref<168xi32, #tpu.memory_space<vmem>>
    %dma_wait3A_90 = arith.constant 0 : i32
    %dma_wait3A_91 = arith.constant 0 : i32
    %dma_wait3A_92 = tpu.memref_slice %arg8[%dma_wait3A_90, %dma_wait3A_91] : memref<10242x128xi32, #tpu.memory_space<vmem_shared>> -> memref<10242x128xi32, #tpu.memory_space<vmem_shared>>
    tpu.wait_indirect_dma semaphore(%arg9 : memref<!tpu.dma_semaphore, #tpu.memory_space<semaphore_mem>>) src(%dma_wait3A_92 : memref<10242x128xi32, #tpu.memory_space<vmem_shared>>) dst(%arg6 : memref<168x128xi32, #tpu.memory_space<vmem>>)
    %add3A_93 = arith.constant 672 : i32
    %add3A_94 = arith.addi %mul3A_2, %add3A_93 : i32
    %dma_start3A_95 = arith.constant 0 : i32
    %dma_start3A_96 = tpu.memref_slice %arg4[%add3A_94, %dma_start3A_95] : memref<32256x128xi32, #tpu.memory_space<hbm>> -> memref<168x128xi32, #tpu.memory_space<hbm>>
    %dma_start3A_97 = arith.constant 0 : i32
    %dma_start3A_98 = tpu.memref_slice %arg4[%add3A_94, %dma_start3A_97] : memref<32256x128xi32, #tpu.memory_space<hbm>> -> memref<168x128xi32, #tpu.memory_space<hbm>>
    tpu.enqueue_dma source(%arg6 : memref<168x128xi32, #tpu.memory_space<vmem>>) target(%dma_start3A_98 : memref<168x128xi32, #tpu.memory_space<hbm>>) target_semaphore(%arg11 : memref<!tpu.dma_semaphore, #tpu.memory_space<semaphore_mem>>)
    %dma_wait3A_99 = arith.constant 0 : i32
    %dma_wait3A_100 = tpu.memref_slice %arg4[%add3A_74, %dma_wait3A_99] : memref<32256x128xi32, #tpu.memory_space<hbm>> -> memref<168x128xi32, #tpu.memory_space<hbm>>
    %dma_wait3A_101 = arith.constant 0 : i32
    %dma_wait3A_102 = tpu.memref_slice %arg4[%add3A_74, %dma_wait3A_101] : memref<32256x128xi32, #tpu.memory_space<hbm>> -> memref<168x128xi32, #tpu.memory_space<hbm>>
    tpu.wait_dma2 semaphore(%arg12 : memref<!tpu.dma_semaphore, #tpu.memory_space<semaphore_mem>>) src(%arg7 : memref<168x128xi32, #tpu.memory_space<vmem>>) dst(%dma_wait3A_102 : memref<168x128xi32, #tpu.memory_space<hbm>>)
    %dma_start3A_103 = arith.constant 840 : i32
    %dma_start3A_104 = tpu.memref_slice %arg5[%dma_start3A_103] : memref<1008xi32, #tpu.memory_space<vmem>> -> memref<168xi32, #tpu.memory_space<vmem>>
    %dma_start3A_105 = arith.constant 0 : i32
    %dma_start3A_106 = arith.constant 0 : i32
    %dma_start3A_107 = tpu.memref_slice %arg8[%dma_start3A_105, %dma_start3A_106] : memref<10242x128xi32, #tpu.memory_space<vmem_shared>> -> memref<10242x128xi32, #tpu.memory_space<vmem_shared>>
    tpu.enqueue_indirect_dma source(%dma_start3A_107 : memref<10242x128xi32, #tpu.memory_space<vmem_shared>>) target(%arg7 : memref<168x128xi32, #tpu.memory_space<vmem>>) offsets(%dma_start3A_104 : memref<168xi32, #tpu.memory_space<vmem>>) semaphore(%arg10 : memref<!tpu.dma_semaphore, #tpu.memory_space<semaphore_mem>>)
    %dma_wait3A_108 = arith.constant 840 : i32
    %dma_wait3A_109 = tpu.memref_slice %arg5[%dma_wait3A_108] : memref<1008xi32, #tpu.memory_space<vmem>> -> memref<168xi32, #tpu.memory_space<vmem>>
    %dma_wait3A_110 = arith.constant 0 : i32
    %dma_wait3A_111 = arith.constant 0 : i32
    %dma_wait3A_112 = tpu.memref_slice %arg8[%dma_wait3A_110, %dma_wait3A_111] : memref<10242x128xi32, #tpu.memory_space<vmem_shared>> -> memref<10242x128xi32, #tpu.memory_space<vmem_shared>>
    tpu.wait_indirect_dma semaphore(%arg10 : memref<!tpu.dma_semaphore, #tpu.memory_space<semaphore_mem>>) src(%dma_wait3A_112 : memref<10242x128xi32, #tpu.memory_space<vmem_shared>>) dst(%arg7 : memref<168x128xi32, #tpu.memory_space<vmem>>)
    %add3A_113 = arith.constant 840 : i32
    %add3A_114 = arith.addi %mul3A_2, %add3A_113 : i32
    %dma_start3A_115 = arith.constant 0 : i32
    %dma_start3A_116 = tpu.memref_slice %arg4[%add3A_114, %dma_start3A_115] : memref<32256x128xi32, #tpu.memory_space<hbm>> -> memref<168x128xi32, #tpu.memory_space<hbm>>
    %dma_start3A_117 = arith.constant 0 : i32
    %dma_start3A_118 = tpu.memref_slice %arg4[%add3A_114, %dma_start3A_117] : memref<32256x128xi32, #tpu.memory_space<hbm>> -> memref<168x128xi32, #tpu.memory_space<hbm>>
    tpu.enqueue_dma source(%arg7 : memref<168x128xi32, #tpu.memory_space<vmem>>) target(%dma_start3A_118 : memref<168x128xi32, #tpu.memory_space<hbm>>) target_semaphore(%arg12 : memref<!tpu.dma_semaphore, #tpu.memory_space<semaphore_mem>>)
    %dma_wait3A_119 = arith.constant 0 : i32
    %dma_wait3A_120 = tpu.memref_slice %arg4[%add3A_94, %dma_wait3A_119] : memref<32256x128xi32, #tpu.memory_space<hbm>> -> memref<168x128xi32, #tpu.memory_space<hbm>>
    %dma_wait3A_121 = arith.constant 0 : i32
    %dma_wait3A_122 = tpu.memref_slice %arg4[%add3A_94, %dma_wait3A_121] : memref<32256x128xi32, #tpu.memory_space<hbm>> -> memref<168x128xi32, #tpu.memory_space<hbm>>
    tpu.wait_dma2 semaphore(%arg11 : memref<!tpu.dma_semaphore, #tpu.memory_space<semaphore_mem>>) src(%arg6 : memref<168x128xi32, #tpu.memory_space<vmem>>) dst(%dma_wait3A_122 : memref<168x128xi32, #tpu.memory_space<hbm>>)
    %dma_wait3A_123 = arith.constant 0 : i32
    %dma_wait3A_124 = tpu.memref_slice %arg4[%add3A_114, %dma_wait3A_123] : memref<32256x128xi32, #tpu.memory_space<hbm>> -> memref<168x128xi32, #tpu.memory_space<hbm>>
    %dma_wait3A_125 = arith.constant 0 : i32
    %dma_wait3A_126 = tpu.memref_slice %arg4[%add3A_114, %dma_wait3A_125] : memref<32256x128xi32, #tpu.memory_space<hbm>> -> memref<168x128xi32, #tpu.memory_space<hbm>>
    tpu.wait_dma2 semaphore(%arg12 : memref<!tpu.dma_semaphore, #tpu.memory_space<semaphore_mem>>) src(%arg7 : memref<168x128xi32, #tpu.memory_space<vmem>>) dst(%dma_wait3A_126 : memref<168x128xi32, #tpu.memory_space<hbm>>)
    return
  }
}

module attributes {stable_mosaic.version = 14 : i64} {
  func.func @_tc_body(%arg0: i32, %arg1: memref<9x512x128xi32, #tpu.memory_space<vmem>>, %arg2: memref<512x81xf32, #tpu.memory_space<vmem>>, %arg3: memref<9x256x256xf32, #tpu.memory_space<vmem>>, %arg4: memref<256x256xf32, #tpu.memory_space<vmem>>, %arg5: memref<1x256xf32, #tpu.memory_space<vmem>>, %arg6: memref<512x256xf32, #tpu.memory_space<vmem>>) attributes {dimension_semantics = [#tpu.dimension_semantics<arbitrary>], iteration_bounds = array<i64: 7>, scalar_prefetch = 0 : i64, scratch_operands = 0 : i64, tpu.core_type = #tpu.core_type<tc>, window_params = [{transform_indices = @transform_0, window_bounds = array<i64: 9, 512, 128>}, {transform_indices = @transform_1, window_bounds = array<i64: 512, 81>}, {pipeline_mode = #tpu.pipeline_mode<synchronous>, transform_indices = @transform_2, window_bounds = array<i64: 9, 256, 256>}, {pipeline_mode = #tpu.pipeline_mode<synchronous>, transform_indices = @transform_3, window_bounds = array<i64: 256, 256>}, {pipeline_mode = #tpu.pipeline_mode<synchronous>, transform_indices = @transform_4, window_bounds = array<i64: 1, 256>}, {transform_indices = @transform_5, window_bounds = array<i64: 512, 256>}]} {
    %get3A = arith.constant 0 : index
    %get3A_0 = arith.constant 0 : index
    %get3A_1 = arith.constant 0 : index
    %get3A_2 = vector.load %arg1[%get3A, %get3A_0, %get3A_1] : memref<9x512x128xi32, #tpu.memory_space<vmem>>, vector<1x512x128xi32>
    %get3A_3 = vector.shape_cast %get3A_2 : vector<1x512x128xi32> to vector<512x128xi32>
    %shift_left3A = arith.constant 16 : i32
    %shift_left3A_4 = vector.broadcast %shift_left3A : i32 to vector<512x128xi32>
    %shift_left3A_5 = arith.shli %get3A_3, %shift_left3A_4 : vector<512x128xi32>
    %bitcast_convert_type3A = tpu.bitcast %shift_left3A_5 : vector<512x128xi32> -> vector<512x128xf32>
    %and3A = arith.constant -65536 : i32
    %and3A_6 = vector.broadcast %and3A : i32 to vector<512x128xi32>
    %and3A_7 = arith.andi %get3A_3, %and3A_6 : vector<512x128xi32>
    %bitcast_convert_type3A_8 = tpu.bitcast %and3A_7 : vector<512x128xi32> -> vector<512x128xf32>
    %concatenate3A = tpu.concatenate %bitcast_convert_type3A, %bitcast_convert_type3A_8 in 1 : vector<512x128xf32>, vector<512x128xf32> -> vector<512x256xf32>
    %get3A_9 = arith.constant 1 : index
    %get3A_10 = arith.constant 0 : index
    %get3A_11 = arith.constant 0 : index
    %get3A_12 = vector.load %arg1[%get3A_9, %get3A_10, %get3A_11] : memref<9x512x128xi32, #tpu.memory_space<vmem>>, vector<1x512x128xi32>
    %get3A_13 = vector.shape_cast %get3A_12 : vector<1x512x128xi32> to vector<512x128xi32>
    %shift_left3A_14 = arith.constant 16 : i32
    %shift_left3A_15 = vector.broadcast %shift_left3A_14 : i32 to vector<512x128xi32>
    %shift_left3A_16 = arith.shli %get3A_13, %shift_left3A_15 : vector<512x128xi32>
    %bitcast_convert_type3A_17 = tpu.bitcast %shift_left3A_16 : vector<512x128xi32> -> vector<512x128xf32>
    %and3A_18 = arith.constant -65536 : i32
    %and3A_19 = vector.broadcast %and3A_18 : i32 to vector<512x128xi32>
    %and3A_20 = arith.andi %get3A_13, %and3A_19 : vector<512x128xi32>
    %bitcast_convert_type3A_21 = tpu.bitcast %and3A_20 : vector<512x128xi32> -> vector<512x128xf32>
    %concatenate3A_22 = tpu.concatenate %bitcast_convert_type3A_17, %bitcast_convert_type3A_21 in 1 : vector<512x128xf32>, vector<512x128xf32> -> vector<512x256xf32>
    %get3A_23 = arith.constant 2 : index
    %get3A_24 = arith.constant 0 : index
    %get3A_25 = arith.constant 0 : index
    %get3A_26 = vector.load %arg1[%get3A_23, %get3A_24, %get3A_25] : memref<9x512x128xi32, #tpu.memory_space<vmem>>, vector<1x512x128xi32>
    %get3A_27 = vector.shape_cast %get3A_26 : vector<1x512x128xi32> to vector<512x128xi32>
    %shift_left3A_28 = arith.constant 16 : i32
    %shift_left3A_29 = vector.broadcast %shift_left3A_28 : i32 to vector<512x128xi32>
    %shift_left3A_30 = arith.shli %get3A_27, %shift_left3A_29 : vector<512x128xi32>
    %bitcast_convert_type3A_31 = tpu.bitcast %shift_left3A_30 : vector<512x128xi32> -> vector<512x128xf32>
    %and3A_32 = arith.constant -65536 : i32
    %and3A_33 = vector.broadcast %and3A_32 : i32 to vector<512x128xi32>
    %and3A_34 = arith.andi %get3A_27, %and3A_33 : vector<512x128xi32>
    %bitcast_convert_type3A_35 = tpu.bitcast %and3A_34 : vector<512x128xi32> -> vector<512x128xf32>
    %concatenate3A_36 = tpu.concatenate %bitcast_convert_type3A_31, %bitcast_convert_type3A_35 in 1 : vector<512x128xf32>, vector<512x128xf32> -> vector<512x256xf32>
    %get3A_37 = arith.constant 3 : index
    %get3A_38 = arith.constant 0 : index
    %get3A_39 = arith.constant 0 : index
    %get3A_40 = vector.load %arg1[%get3A_37, %get3A_38, %get3A_39] : memref<9x512x128xi32, #tpu.memory_space<vmem>>, vector<1x512x128xi32>
    %get3A_41 = vector.shape_cast %get3A_40 : vector<1x512x128xi32> to vector<512x128xi32>
    %shift_left3A_42 = arith.constant 16 : i32
    %shift_left3A_43 = vector.broadcast %shift_left3A_42 : i32 to vector<512x128xi32>
    %shift_left3A_44 = arith.shli %get3A_41, %shift_left3A_43 : vector<512x128xi32>
    %bitcast_convert_type3A_45 = tpu.bitcast %shift_left3A_44 : vector<512x128xi32> -> vector<512x128xf32>
    %and3A_46 = arith.constant -65536 : i32
    %and3A_47 = vector.broadcast %and3A_46 : i32 to vector<512x128xi32>
    %and3A_48 = arith.andi %get3A_41, %and3A_47 : vector<512x128xi32>
    %bitcast_convert_type3A_49 = tpu.bitcast %and3A_48 : vector<512x128xi32> -> vector<512x128xf32>
    %concatenate3A_50 = tpu.concatenate %bitcast_convert_type3A_45, %bitcast_convert_type3A_49 in 1 : vector<512x128xf32>, vector<512x128xf32> -> vector<512x256xf32>
    %get3A_51 = arith.constant 4 : index
    %get3A_52 = arith.constant 0 : index
    %get3A_53 = arith.constant 0 : index
    %get3A_54 = vector.load %arg1[%get3A_51, %get3A_52, %get3A_53] : memref<9x512x128xi32, #tpu.memory_space<vmem>>, vector<1x512x128xi32>
    %get3A_55 = vector.shape_cast %get3A_54 : vector<1x512x128xi32> to vector<512x128xi32>
    %shift_left3A_56 = arith.constant 16 : i32
    %shift_left3A_57 = vector.broadcast %shift_left3A_56 : i32 to vector<512x128xi32>
    %shift_left3A_58 = arith.shli %get3A_55, %shift_left3A_57 : vector<512x128xi32>
    %bitcast_convert_type3A_59 = tpu.bitcast %shift_left3A_58 : vector<512x128xi32> -> vector<512x128xf32>
    %and3A_60 = arith.constant -65536 : i32
    %and3A_61 = vector.broadcast %and3A_60 : i32 to vector<512x128xi32>
    %and3A_62 = arith.andi %get3A_55, %and3A_61 : vector<512x128xi32>
    %bitcast_convert_type3A_63 = tpu.bitcast %and3A_62 : vector<512x128xi32> -> vector<512x128xf32>
    %concatenate3A_64 = tpu.concatenate %bitcast_convert_type3A_59, %bitcast_convert_type3A_63 in 1 : vector<512x128xf32>, vector<512x128xf32> -> vector<512x256xf32>
    %get3A_65 = arith.constant 5 : index
    %get3A_66 = arith.constant 0 : index
    %get3A_67 = arith.constant 0 : index
    %get3A_68 = vector.load %arg1[%get3A_65, %get3A_66, %get3A_67] : memref<9x512x128xi32, #tpu.memory_space<vmem>>, vector<1x512x128xi32>
    %get3A_69 = vector.shape_cast %get3A_68 : vector<1x512x128xi32> to vector<512x128xi32>
    %shift_left3A_70 = arith.constant 16 : i32
    %shift_left3A_71 = vector.broadcast %shift_left3A_70 : i32 to vector<512x128xi32>
    %shift_left3A_72 = arith.shli %get3A_69, %shift_left3A_71 : vector<512x128xi32>
    %bitcast_convert_type3A_73 = tpu.bitcast %shift_left3A_72 : vector<512x128xi32> -> vector<512x128xf32>
    %and3A_74 = arith.constant -65536 : i32
    %and3A_75 = vector.broadcast %and3A_74 : i32 to vector<512x128xi32>
    %and3A_76 = arith.andi %get3A_69, %and3A_75 : vector<512x128xi32>
    %bitcast_convert_type3A_77 = tpu.bitcast %and3A_76 : vector<512x128xi32> -> vector<512x128xf32>
    %concatenate3A_78 = tpu.concatenate %bitcast_convert_type3A_73, %bitcast_convert_type3A_77 in 1 : vector<512x128xf32>, vector<512x128xf32> -> vector<512x256xf32>
    %get3A_79 = arith.constant 6 : index
    %get3A_80 = arith.constant 0 : index
    %get3A_81 = arith.constant 0 : index
    %get3A_82 = vector.load %arg1[%get3A_79, %get3A_80, %get3A_81] : memref<9x512x128xi32, #tpu.memory_space<vmem>>, vector<1x512x128xi32>
    %get3A_83 = vector.shape_cast %get3A_82 : vector<1x512x128xi32> to vector<512x128xi32>
    %shift_left3A_84 = arith.constant 16 : i32
    %shift_left3A_85 = vector.broadcast %shift_left3A_84 : i32 to vector<512x128xi32>
    %shift_left3A_86 = arith.shli %get3A_83, %shift_left3A_85 : vector<512x128xi32>
    %bitcast_convert_type3A_87 = tpu.bitcast %shift_left3A_86 : vector<512x128xi32> -> vector<512x128xf32>
    %and3A_88 = arith.constant -65536 : i32
    %and3A_89 = vector.broadcast %and3A_88 : i32 to vector<512x128xi32>
    %and3A_90 = arith.andi %get3A_83, %and3A_89 : vector<512x128xi32>
    %bitcast_convert_type3A_91 = tpu.bitcast %and3A_90 : vector<512x128xi32> -> vector<512x128xf32>
    %concatenate3A_92 = tpu.concatenate %bitcast_convert_type3A_87, %bitcast_convert_type3A_91 in 1 : vector<512x128xf32>, vector<512x128xf32> -> vector<512x256xf32>
    %get3A_93 = arith.constant 7 : index
    %get3A_94 = arith.constant 0 : index
    %get3A_95 = arith.constant 0 : index
    %get3A_96 = vector.load %arg1[%get3A_93, %get3A_94, %get3A_95] : memref<9x512x128xi32, #tpu.memory_space<vmem>>, vector<1x512x128xi32>
    %get3A_97 = vector.shape_cast %get3A_96 : vector<1x512x128xi32> to vector<512x128xi32>
    %shift_left3A_98 = arith.constant 16 : i32
    %shift_left3A_99 = vector.broadcast %shift_left3A_98 : i32 to vector<512x128xi32>
    %shift_left3A_100 = arith.shli %get3A_97, %shift_left3A_99 : vector<512x128xi32>
    %bitcast_convert_type3A_101 = tpu.bitcast %shift_left3A_100 : vector<512x128xi32> -> vector<512x128xf32>
    %and3A_102 = arith.constant -65536 : i32
    %and3A_103 = vector.broadcast %and3A_102 : i32 to vector<512x128xi32>
    %and3A_104 = arith.andi %get3A_97, %and3A_103 : vector<512x128xi32>
    %bitcast_convert_type3A_105 = tpu.bitcast %and3A_104 : vector<512x128xi32> -> vector<512x128xf32>
    %concatenate3A_106 = tpu.concatenate %bitcast_convert_type3A_101, %bitcast_convert_type3A_105 in 1 : vector<512x128xf32>, vector<512x128xf32> -> vector<512x256xf32>
    %get3A_107 = arith.constant 8 : index
    %get3A_108 = arith.constant 0 : index
    %get3A_109 = arith.constant 0 : index
    %get3A_110 = vector.load %arg1[%get3A_107, %get3A_108, %get3A_109] : memref<9x512x128xi32, #tpu.memory_space<vmem>>, vector<1x512x128xi32>
    %get3A_111 = vector.shape_cast %get3A_110 : vector<1x512x128xi32> to vector<512x128xi32>
    %shift_left3A_112 = arith.constant 16 : i32
    %shift_left3A_113 = vector.broadcast %shift_left3A_112 : i32 to vector<512x128xi32>
    %shift_left3A_114 = arith.shli %get3A_111, %shift_left3A_113 : vector<512x128xi32>
    %bitcast_convert_type3A_115 = tpu.bitcast %shift_left3A_114 : vector<512x128xi32> -> vector<512x128xf32>
    %and3A_116 = arith.constant -65536 : i32
    %and3A_117 = vector.broadcast %and3A_116 : i32 to vector<512x128xi32>
    %and3A_118 = arith.andi %get3A_111, %and3A_117 : vector<512x128xi32>
    %bitcast_convert_type3A_119 = tpu.bitcast %and3A_118 : vector<512x128xi32> -> vector<512x128xf32>
    %concatenate3A_120 = tpu.concatenate %bitcast_convert_type3A_115, %bitcast_convert_type3A_119 in 1 : vector<512x128xf32>, vector<512x128xf32> -> vector<512x256xf32>
    %ne3A = arith.constant 0.000000e+00 : f32
    %ne3A_121 = vector.broadcast %ne3A : f32 to vector<512x256xf32>
    %ne3A_122 = arith.cmpf one, %concatenate3A, %ne3A_121 : vector<512x256xf32>
    %convert_element_type3A = arith.extui %ne3A_122 : vector<512x256xi1> to vector<512x256xi32>
    %convert_element_type3A_123 = arith.sitofp %convert_element_type3A : vector<512x256xi32> to vector<512x256xf32>
    %ne3A_124 = arith.constant 0.000000e+00 : f32
    %ne3A_125 = vector.broadcast %ne3A_124 : f32 to vector<512x256xf32>
    %ne3A_126 = arith.cmpf one, %concatenate3A_22, %ne3A_125 : vector<512x256xf32>
    %convert_element_type3A_127 = arith.extui %ne3A_126 : vector<512x256xi1> to vector<512x256xi32>
    %convert_element_type3A_128 = arith.sitofp %convert_element_type3A_127 : vector<512x256xi32> to vector<512x256xf32>
    %add3A = arith.addf %convert_element_type3A_123, %convert_element_type3A_128 : vector<512x256xf32>
    %ne3A_129 = arith.constant 0.000000e+00 : f32
    %ne3A_130 = vector.broadcast %ne3A_129 : f32 to vector<512x256xf32>
    %ne3A_131 = arith.cmpf one, %concatenate3A_36, %ne3A_130 : vector<512x256xf32>
    %convert_element_type3A_132 = arith.extui %ne3A_131 : vector<512x256xi1> to vector<512x256xi32>
    %convert_element_type3A_133 = arith.sitofp %convert_element_type3A_132 : vector<512x256xi32> to vector<512x256xf32>
    %add3A_134 = arith.addf %add3A, %convert_element_type3A_133 : vector<512x256xf32>
    %ne3A_135 = arith.constant 0.000000e+00 : f32
    %ne3A_136 = vector.broadcast %ne3A_135 : f32 to vector<512x256xf32>
    %ne3A_137 = arith.cmpf one, %concatenate3A_50, %ne3A_136 : vector<512x256xf32>
    %convert_element_type3A_138 = arith.extui %ne3A_137 : vector<512x256xi1> to vector<512x256xi32>
    %convert_element_type3A_139 = arith.sitofp %convert_element_type3A_138 : vector<512x256xi32> to vector<512x256xf32>
    %add3A_140 = arith.addf %add3A_134, %convert_element_type3A_139 : vector<512x256xf32>
    %ne3A_141 = arith.constant 0.000000e+00 : f32
    %ne3A_142 = vector.broadcast %ne3A_141 : f32 to vector<512x256xf32>
    %ne3A_143 = arith.cmpf one, %concatenate3A_64, %ne3A_142 : vector<512x256xf32>
    %convert_element_type3A_144 = arith.extui %ne3A_143 : vector<512x256xi1> to vector<512x256xi32>
    %convert_element_type3A_145 = arith.sitofp %convert_element_type3A_144 : vector<512x256xi32> to vector<512x256xf32>
    %add3A_146 = arith.addf %add3A_140, %convert_element_type3A_145 : vector<512x256xf32>
    %ne3A_147 = arith.constant 0.000000e+00 : f32
    %ne3A_148 = vector.broadcast %ne3A_147 : f32 to vector<512x256xf32>
    %ne3A_149 = arith.cmpf one, %concatenate3A_78, %ne3A_148 : vector<512x256xf32>
    %convert_element_type3A_150 = arith.extui %ne3A_149 : vector<512x256xi1> to vector<512x256xi32>
    %convert_element_type3A_151 = arith.sitofp %convert_element_type3A_150 : vector<512x256xi32> to vector<512x256xf32>
    %add3A_152 = arith.addf %add3A_146, %convert_element_type3A_151 : vector<512x256xf32>
    %ne3A_153 = arith.constant 0.000000e+00 : f32
    %ne3A_154 = vector.broadcast %ne3A_153 : f32 to vector<512x256xf32>
    %ne3A_155 = arith.cmpf one, %concatenate3A_92, %ne3A_154 : vector<512x256xf32>
    %convert_element_type3A_156 = arith.extui %ne3A_155 : vector<512x256xi1> to vector<512x256xi32>
    %convert_element_type3A_157 = arith.sitofp %convert_element_type3A_156 : vector<512x256xi32> to vector<512x256xf32>
    %add3A_158 = arith.addf %add3A_152, %convert_element_type3A_157 : vector<512x256xf32>
    %ne3A_159 = arith.constant 0.000000e+00 : f32
    %ne3A_160 = vector.broadcast %ne3A_159 : f32 to vector<512x256xf32>
    %ne3A_161 = arith.cmpf one, %concatenate3A_106, %ne3A_160 : vector<512x256xf32>
    %convert_element_type3A_162 = arith.extui %ne3A_161 : vector<512x256xi1> to vector<512x256xi32>
    %convert_element_type3A_163 = arith.sitofp %convert_element_type3A_162 : vector<512x256xi32> to vector<512x256xf32>
    %add3A_164 = arith.addf %add3A_158, %convert_element_type3A_163 : vector<512x256xf32>
    %ne3A_165 = arith.constant 0.000000e+00 : f32
    %ne3A_166 = vector.broadcast %ne3A_165 : f32 to vector<512x256xf32>
    %ne3A_167 = arith.cmpf one, %concatenate3A_120, %ne3A_166 : vector<512x256xf32>
    %convert_element_type3A_168 = arith.extui %ne3A_167 : vector<512x256xi1> to vector<512x256xi32>
    %convert_element_type3A_169 = arith.sitofp %convert_element_type3A_168 : vector<512x256xi32> to vector<512x256xf32>
    %add3A_170 = arith.addf %add3A_164, %convert_element_type3A_169 : vector<512x256xf32>
    %get3A_171 = arith.constant 0 : index
    %get3A_172 = arith.constant 0 : index
    %get3A_173 = vector.load %arg4[%get3A_171, %get3A_172] : memref<256x256xf32, #tpu.memory_space<vmem>>, vector<256x256xf32>
    %dot_general3A = arith.constant dense<0.000000e+00> : vector<512x256xf32>
    %dot_general3A_174 = tpu.matmul %add3A_170, %get3A_173, %dot_general3A {dimension_numbers = #tpu.dot_dimension_numbers<[1], [0], [0], [1], [0, 0, 1, 1], [], []>, transpose_lhs_hint = false} : vector<512x256xf32>, vector<256x256xf32>, vector<512x256xf32> -> vector<512x256xf32>
    %broadcast_in_dim3A = arith.constant 0.000000e+00 : f32
    %broadcast_in_dim3A_175 = vector.broadcast %broadcast_in_dim3A : f32 to vector<512x256xf32>
    %get3A_176 = arith.constant 0 : index
    %get3A_177 = arith.constant 0 : index
    %get3A_178 = vector.load %arg2[%get3A_176, %get3A_177] : memref<512x81xf32, #tpu.memory_space<vmem>>, vector<512x1xf32>
    %mul3A = vector.broadcast %get3A_178 : vector<512x1xf32> to vector<512x256xf32>
    %mul3A_179 = arith.mulf %concatenate3A, %mul3A : vector<512x256xf32>
    %get3A_180 = arith.constant 0 : index
    %get3A_181 = arith.constant 9 : index
    %get3A_182 = vector.load %arg2[%get3A_180, %get3A_181] : memref<512x81xf32, #tpu.memory_space<vmem>>, vector<512x1xf32>
    %mul3A_183 = vector.broadcast %get3A_182 : vector<512x1xf32> to vector<512x256xf32>
    %mul3A_184 = arith.mulf %concatenate3A_22, %mul3A_183 : vector<512x256xf32>
    %add3A_185 = arith.addf %mul3A_179, %mul3A_184 : vector<512x256xf32>
    %get3A_186 = arith.constant 0 : index
    %get3A_187 = arith.constant 18 : index
    %get3A_188 = vector.load %arg2[%get3A_186, %get3A_187] : memref<512x81xf32, #tpu.memory_space<vmem>>, vector<512x1xf32>
    %mul3A_189 = vector.broadcast %get3A_188 : vector<512x1xf32> to vector<512x256xf32>
    %mul3A_190 = arith.mulf %concatenate3A_36, %mul3A_189 : vector<512x256xf32>
    %add3A_191 = arith.addf %add3A_185, %mul3A_190 : vector<512x256xf32>
    %get3A_192 = arith.constant 0 : index
    %get3A_193 = arith.constant 27 : index
    %get3A_194 = vector.load %arg2[%get3A_192, %get3A_193] : memref<512x81xf32, #tpu.memory_space<vmem>>, vector<512x1xf32>
    %mul3A_195 = vector.broadcast %get3A_194 : vector<512x1xf32> to vector<512x256xf32>
    %mul3A_196 = arith.mulf %concatenate3A_50, %mul3A_195 : vector<512x256xf32>
    %add3A_197 = arith.addf %add3A_191, %mul3A_196 : vector<512x256xf32>
    %get3A_198 = arith.constant 0 : index
    %get3A_199 = arith.constant 36 : index
    %get3A_200 = vector.load %arg2[%get3A_198, %get3A_199] : memref<512x81xf32, #tpu.memory_space<vmem>>, vector<512x1xf32>
    %mul3A_201 = vector.broadcast %get3A_200 : vector<512x1xf32> to vector<512x256xf32>
    %mul3A_202 = arith.mulf %concatenate3A_64, %mul3A_201 : vector<512x256xf32>
    %add3A_203 = arith.addf %add3A_197, %mul3A_202 : vector<512x256xf32>
    %get3A_204 = arith.constant 0 : index
    %get3A_205 = arith.constant 45 : index
    %get3A_206 = vector.load %arg2[%get3A_204, %get3A_205] : memref<512x81xf32, #tpu.memory_space<vmem>>, vector<512x1xf32>
    %mul3A_207 = vector.broadcast %get3A_206 : vector<512x1xf32> to vector<512x256xf32>
    %mul3A_208 = arith.mulf %concatenate3A_78, %mul3A_207 : vector<512x256xf32>
    %add3A_209 = arith.addf %add3A_203, %mul3A_208 : vector<512x256xf32>
    %get3A_210 = arith.constant 0 : index
    %get3A_211 = arith.constant 54 : index
    %get3A_212 = vector.load %arg2[%get3A_210, %get3A_211] : memref<512x81xf32, #tpu.memory_space<vmem>>, vector<512x1xf32>
    %mul3A_213 = vector.broadcast %get3A_212 : vector<512x1xf32> to vector<512x256xf32>
    %mul3A_214 = arith.mulf %concatenate3A_92, %mul3A_213 : vector<512x256xf32>
    %add3A_215 = arith.addf %add3A_209, %mul3A_214 : vector<512x256xf32>
    %get3A_216 = arith.constant 0 : index
    %get3A_217 = arith.constant 63 : index
    %get3A_218 = vector.load %arg2[%get3A_216, %get3A_217] : memref<512x81xf32, #tpu.memory_space<vmem>>, vector<512x1xf32>
    %mul3A_219 = vector.broadcast %get3A_218 : vector<512x1xf32> to vector<512x256xf32>
    %mul3A_220 = arith.mulf %concatenate3A_106, %mul3A_219 : vector<512x256xf32>
    %add3A_221 = arith.addf %add3A_215, %mul3A_220 : vector<512x256xf32>
    %get3A_222 = arith.constant 0 : index
    %get3A_223 = arith.constant 72 : index
    %get3A_224 = vector.load %arg2[%get3A_222, %get3A_223] : memref<512x81xf32, #tpu.memory_space<vmem>>, vector<512x1xf32>
    %mul3A_225 = vector.broadcast %get3A_224 : vector<512x1xf32> to vector<512x256xf32>
    %mul3A_226 = arith.mulf %concatenate3A_120, %mul3A_225 : vector<512x256xf32>
    %add3A_227 = arith.addf %add3A_221, %mul3A_226 : vector<512x256xf32>
    %get3A_228 = arith.constant 0 : index
    %get3A_229 = arith.constant 0 : index
    %get3A_230 = arith.constant 0 : index
    %get3A_231 = vector.load %arg3[%get3A_228, %get3A_229, %get3A_230] : memref<9x256x256xf32, #tpu.memory_space<vmem>>, vector<1x256x256xf32>
    %get3A_232 = vector.shape_cast %get3A_231 : vector<1x256x256xf32> to vector<256x256xf32>
    %dot_general3A_233 = arith.constant dense<0.000000e+00> : vector<512x256xf32>
    %dot_general3A_234 = tpu.matmul %add3A_227, %get3A_232, %dot_general3A_233 {dimension_numbers = #tpu.dot_dimension_numbers<[1], [0], [0], [1], [0, 0, 1, 1], [], []>, transpose_lhs_hint = false} : vector<512x256xf32>, vector<256x256xf32>, vector<512x256xf32> -> vector<512x256xf32>
    %add3A_235 = arith.addf %broadcast_in_dim3A_175, %dot_general3A_234 : vector<512x256xf32>
    %get3A_236 = arith.constant 0 : index
    %get3A_237 = arith.constant 1 : index
    %get3A_238 = vector.load %arg2[%get3A_236, %get3A_237] : memref<512x81xf32, #tpu.memory_space<vmem>>, vector<512x1xf32>
    %mul3A_239 = vector.broadcast %get3A_238 : vector<512x1xf32> to vector<512x256xf32>
    %mul3A_240 = arith.mulf %concatenate3A, %mul3A_239 : vector<512x256xf32>
    %get3A_241 = arith.constant 0 : index
    %get3A_242 = arith.constant 10 : index
    %get3A_243 = vector.load %arg2[%get3A_241, %get3A_242] : memref<512x81xf32, #tpu.memory_space<vmem>>, vector<512x1xf32>
    %mul3A_244 = vector.broadcast %get3A_243 : vector<512x1xf32> to vector<512x256xf32>
    %mul3A_245 = arith.mulf %concatenate3A_22, %mul3A_244 : vector<512x256xf32>
    %add3A_246 = arith.addf %mul3A_240, %mul3A_245 : vector<512x256xf32>
    %get3A_247 = arith.constant 0 : index
    %get3A_248 = arith.constant 19 : index
    %get3A_249 = vector.load %arg2[%get3A_247, %get3A_248] : memref<512x81xf32, #tpu.memory_space<vmem>>, vector<512x1xf32>
    %mul3A_250 = vector.broadcast %get3A_249 : vector<512x1xf32> to vector<512x256xf32>
    %mul3A_251 = arith.mulf %concatenate3A_36, %mul3A_250 : vector<512x256xf32>
    %add3A_252 = arith.addf %add3A_246, %mul3A_251 : vector<512x256xf32>
    %get3A_253 = arith.constant 0 : index
    %get3A_254 = arith.constant 28 : index
    %get3A_255 = vector.load %arg2[%get3A_253, %get3A_254] : memref<512x81xf32, #tpu.memory_space<vmem>>, vector<512x1xf32>
    %mul3A_256 = vector.broadcast %get3A_255 : vector<512x1xf32> to vector<512x256xf32>
    %mul3A_257 = arith.mulf %concatenate3A_50, %mul3A_256 : vector<512x256xf32>
    %add3A_258 = arith.addf %add3A_252, %mul3A_257 : vector<512x256xf32>
    %get3A_259 = arith.constant 0 : index
    %get3A_260 = arith.constant 37 : index
    %get3A_261 = vector.load %arg2[%get3A_259, %get3A_260] : memref<512x81xf32, #tpu.memory_space<vmem>>, vector<512x1xf32>
    %mul3A_262 = vector.broadcast %get3A_261 : vector<512x1xf32> to vector<512x256xf32>
    %mul3A_263 = arith.mulf %concatenate3A_64, %mul3A_262 : vector<512x256xf32>
    %add3A_264 = arith.addf %add3A_258, %mul3A_263 : vector<512x256xf32>
    %get3A_265 = arith.constant 0 : index
    %get3A_266 = arith.constant 46 : index
    %get3A_267 = vector.load %arg2[%get3A_265, %get3A_266] : memref<512x81xf32, #tpu.memory_space<vmem>>, vector<512x1xf32>
    %mul3A_268 = vector.broadcast %get3A_267 : vector<512x1xf32> to vector<512x256xf32>
    %mul3A_269 = arith.mulf %concatenate3A_78, %mul3A_268 : vector<512x256xf32>
    %add3A_270 = arith.addf %add3A_264, %mul3A_269 : vector<512x256xf32>
    %get3A_271 = arith.constant 0 : index
    %get3A_272 = arith.constant 55 : index
    %get3A_273 = vector.load %arg2[%get3A_271, %get3A_272] : memref<512x81xf32, #tpu.memory_space<vmem>>, vector<512x1xf32>
    %mul3A_274 = vector.broadcast %get3A_273 : vector<512x1xf32> to vector<512x256xf32>
    %mul3A_275 = arith.mulf %concatenate3A_92, %mul3A_274 : vector<512x256xf32>
    %add3A_276 = arith.addf %add3A_270, %mul3A_275 : vector<512x256xf32>
    %get3A_277 = arith.constant 0 : index
    %get3A_278 = arith.constant 64 : index
    %get3A_279 = vector.load %arg2[%get3A_277, %get3A_278] : memref<512x81xf32, #tpu.memory_space<vmem>>, vector<512x1xf32>
    %mul3A_280 = vector.broadcast %get3A_279 : vector<512x1xf32> to vector<512x256xf32>
    %mul3A_281 = arith.mulf %concatenate3A_106, %mul3A_280 : vector<512x256xf32>
    %add3A_282 = arith.addf %add3A_276, %mul3A_281 : vector<512x256xf32>
    %get3A_283 = arith.constant 0 : index
    %get3A_284 = arith.constant 73 : index
    %get3A_285 = vector.load %arg2[%get3A_283, %get3A_284] : memref<512x81xf32, #tpu.memory_space<vmem>>, vector<512x1xf32>
    %mul3A_286 = vector.broadcast %get3A_285 : vector<512x1xf32> to vector<512x256xf32>
    %mul3A_287 = arith.mulf %concatenate3A_120, %mul3A_286 : vector<512x256xf32>
    %add3A_288 = arith.addf %add3A_282, %mul3A_287 : vector<512x256xf32>
    %get3A_289 = arith.constant 1 : index
    %get3A_290 = arith.constant 0 : index
    %get3A_291 = arith.constant 0 : index
    %get3A_292 = vector.load %arg3[%get3A_289, %get3A_290, %get3A_291] : memref<9x256x256xf32, #tpu.memory_space<vmem>>, vector<1x256x256xf32>
    %get3A_293 = vector.shape_cast %get3A_292 : vector<1x256x256xf32> to vector<256x256xf32>
    %dot_general3A_294 = arith.constant dense<0.000000e+00> : vector<512x256xf32>
    %dot_general3A_295 = tpu.matmul %add3A_288, %get3A_293, %dot_general3A_294 {dimension_numbers = #tpu.dot_dimension_numbers<[1], [0], [0], [1], [0, 0, 1, 1], [], []>, transpose_lhs_hint = false} : vector<512x256xf32>, vector<256x256xf32>, vector<512x256xf32> -> vector<512x256xf32>
    %add3A_296 = arith.addf %add3A_235, %dot_general3A_295 : vector<512x256xf32>
    %get3A_297 = arith.constant 0 : index
    %get3A_298 = arith.constant 2 : index
    %get3A_299 = vector.load %arg2[%get3A_297, %get3A_298] : memref<512x81xf32, #tpu.memory_space<vmem>>, vector<512x1xf32>
    %mul3A_300 = vector.broadcast %get3A_299 : vector<512x1xf32> to vector<512x256xf32>
    %mul3A_301 = arith.mulf %concatenate3A, %mul3A_300 : vector<512x256xf32>
    %get3A_302 = arith.constant 0 : index
    %get3A_303 = arith.constant 11 : index
    %get3A_304 = vector.load %arg2[%get3A_302, %get3A_303] : memref<512x81xf32, #tpu.memory_space<vmem>>, vector<512x1xf32>
    %mul3A_305 = vector.broadcast %get3A_304 : vector<512x1xf32> to vector<512x256xf32>
    %mul3A_306 = arith.mulf %concatenate3A_22, %mul3A_305 : vector<512x256xf32>
    %add3A_307 = arith.addf %mul3A_301, %mul3A_306 : vector<512x256xf32>
    %get3A_308 = arith.constant 0 : index
    %get3A_309 = arith.constant 20 : index
    %get3A_310 = vector.load %arg2[%get3A_308, %get3A_309] : memref<512x81xf32, #tpu.memory_space<vmem>>, vector<512x1xf32>
    %mul3A_311 = vector.broadcast %get3A_310 : vector<512x1xf32> to vector<512x256xf32>
    %mul3A_312 = arith.mulf %concatenate3A_36, %mul3A_311 : vector<512x256xf32>
    %add3A_313 = arith.addf %add3A_307, %mul3A_312 : vector<512x256xf32>
    %get3A_314 = arith.constant 0 : index
    %get3A_315 = arith.constant 29 : index
    %get3A_316 = vector.load %arg2[%get3A_314, %get3A_315] : memref<512x81xf32, #tpu.memory_space<vmem>>, vector<512x1xf32>
    %mul3A_317 = vector.broadcast %get3A_316 : vector<512x1xf32> to vector<512x256xf32>
    %mul3A_318 = arith.mulf %concatenate3A_50, %mul3A_317 : vector<512x256xf32>
    %add3A_319 = arith.addf %add3A_313, %mul3A_318 : vector<512x256xf32>
    %get3A_320 = arith.constant 0 : index
    %get3A_321 = arith.constant 38 : index
    %get3A_322 = vector.load %arg2[%get3A_320, %get3A_321] : memref<512x81xf32, #tpu.memory_space<vmem>>, vector<512x1xf32>
    %mul3A_323 = vector.broadcast %get3A_322 : vector<512x1xf32> to vector<512x256xf32>
    %mul3A_324 = arith.mulf %concatenate3A_64, %mul3A_323 : vector<512x256xf32>
    %add3A_325 = arith.addf %add3A_319, %mul3A_324 : vector<512x256xf32>
    %get3A_326 = arith.constant 0 : index
    %get3A_327 = arith.constant 47 : index
    %get3A_328 = vector.load %arg2[%get3A_326, %get3A_327] : memref<512x81xf32, #tpu.memory_space<vmem>>, vector<512x1xf32>
    %mul3A_329 = vector.broadcast %get3A_328 : vector<512x1xf32> to vector<512x256xf32>
    %mul3A_330 = arith.mulf %concatenate3A_78, %mul3A_329 : vector<512x256xf32>
    %add3A_331 = arith.addf %add3A_325, %mul3A_330 : vector<512x256xf32>
    %get3A_332 = arith.constant 0 : index
    %get3A_333 = arith.constant 56 : index
    %get3A_334 = vector.load %arg2[%get3A_332, %get3A_333] : memref<512x81xf32, #tpu.memory_space<vmem>>, vector<512x1xf32>
    %mul3A_335 = vector.broadcast %get3A_334 : vector<512x1xf32> to vector<512x256xf32>
    %mul3A_336 = arith.mulf %concatenate3A_92, %mul3A_335 : vector<512x256xf32>
    %add3A_337 = arith.addf %add3A_331, %mul3A_336 : vector<512x256xf32>
    %get3A_338 = arith.constant 0 : index
    %get3A_339 = arith.constant 65 : index
    %get3A_340 = vector.load %arg2[%get3A_338, %get3A_339] : memref<512x81xf32, #tpu.memory_space<vmem>>, vector<512x1xf32>
    %mul3A_341 = vector.broadcast %get3A_340 : vector<512x1xf32> to vector<512x256xf32>
    %mul3A_342 = arith.mulf %concatenate3A_106, %mul3A_341 : vector<512x256xf32>
    %add3A_343 = arith.addf %add3A_337, %mul3A_342 : vector<512x256xf32>
    %get3A_344 = arith.constant 0 : index
    %get3A_345 = arith.constant 74 : index
    %get3A_346 = vector.load %arg2[%get3A_344, %get3A_345] : memref<512x81xf32, #tpu.memory_space<vmem>>, vector<512x1xf32>
    %mul3A_347 = vector.broadcast %get3A_346 : vector<512x1xf32> to vector<512x256xf32>
    %mul3A_348 = arith.mulf %concatenate3A_120, %mul3A_347 : vector<512x256xf32>
    %add3A_349 = arith.addf %add3A_343, %mul3A_348 : vector<512x256xf32>
    %get3A_350 = arith.constant 2 : index
    %get3A_351 = arith.constant 0 : index
    %get3A_352 = arith.constant 0 : index
    %get3A_353 = vector.load %arg3[%get3A_350, %get3A_351, %get3A_352] : memref<9x256x256xf32, #tpu.memory_space<vmem>>, vector<1x256x256xf32>
    %get3A_354 = vector.shape_cast %get3A_353 : vector<1x256x256xf32> to vector<256x256xf32>
    %dot_general3A_355 = arith.constant dense<0.000000e+00> : vector<512x256xf32>
    %dot_general3A_356 = tpu.matmul %add3A_349, %get3A_354, %dot_general3A_355 {dimension_numbers = #tpu.dot_dimension_numbers<[1], [0], [0], [1], [0, 0, 1, 1], [], []>, transpose_lhs_hint = false} : vector<512x256xf32>, vector<256x256xf32>, vector<512x256xf32> -> vector<512x256xf32>
    %add3A_357 = arith.addf %add3A_296, %dot_general3A_356 : vector<512x256xf32>
    %get3A_358 = arith.constant 0 : index
    %get3A_359 = arith.constant 3 : index
    %get3A_360 = vector.load %arg2[%get3A_358, %get3A_359] : memref<512x81xf32, #tpu.memory_space<vmem>>, vector<512x1xf32>
    %mul3A_361 = vector.broadcast %get3A_360 : vector<512x1xf32> to vector<512x256xf32>
    %mul3A_362 = arith.mulf %concatenate3A, %mul3A_361 : vector<512x256xf32>
    %get3A_363 = arith.constant 0 : index
    %get3A_364 = arith.constant 12 : index
    %get3A_365 = vector.load %arg2[%get3A_363, %get3A_364] : memref<512x81xf32, #tpu.memory_space<vmem>>, vector<512x1xf32>
    %mul3A_366 = vector.broadcast %get3A_365 : vector<512x1xf32> to vector<512x256xf32>
    %mul3A_367 = arith.mulf %concatenate3A_22, %mul3A_366 : vector<512x256xf32>
    %add3A_368 = arith.addf %mul3A_362, %mul3A_367 : vector<512x256xf32>
    %get3A_369 = arith.constant 0 : index
    %get3A_370 = arith.constant 21 : index
    %get3A_371 = vector.load %arg2[%get3A_369, %get3A_370] : memref<512x81xf32, #tpu.memory_space<vmem>>, vector<512x1xf32>
    %mul3A_372 = vector.broadcast %get3A_371 : vector<512x1xf32> to vector<512x256xf32>
    %mul3A_373 = arith.mulf %concatenate3A_36, %mul3A_372 : vector<512x256xf32>
    %add3A_374 = arith.addf %add3A_368, %mul3A_373 : vector<512x256xf32>
    %get3A_375 = arith.constant 0 : index
    %get3A_376 = arith.constant 30 : index
    %get3A_377 = vector.load %arg2[%get3A_375, %get3A_376] : memref<512x81xf32, #tpu.memory_space<vmem>>, vector<512x1xf32>
    %mul3A_378 = vector.broadcast %get3A_377 : vector<512x1xf32> to vector<512x256xf32>
    %mul3A_379 = arith.mulf %concatenate3A_50, %mul3A_378 : vector<512x256xf32>
    %add3A_380 = arith.addf %add3A_374, %mul3A_379 : vector<512x256xf32>
    %get3A_381 = arith.constant 0 : index
    %get3A_382 = arith.constant 39 : index
    %get3A_383 = vector.load %arg2[%get3A_381, %get3A_382] : memref<512x81xf32, #tpu.memory_space<vmem>>, vector<512x1xf32>
    %mul3A_384 = vector.broadcast %get3A_383 : vector<512x1xf32> to vector<512x256xf32>
    %mul3A_385 = arith.mulf %concatenate3A_64, %mul3A_384 : vector<512x256xf32>
    %add3A_386 = arith.addf %add3A_380, %mul3A_385 : vector<512x256xf32>
    %get3A_387 = arith.constant 0 : index
    %get3A_388 = arith.constant 48 : index
    %get3A_389 = vector.load %arg2[%get3A_387, %get3A_388] : memref<512x81xf32, #tpu.memory_space<vmem>>, vector<512x1xf32>
    %mul3A_390 = vector.broadcast %get3A_389 : vector<512x1xf32> to vector<512x256xf32>
    %mul3A_391 = arith.mulf %concatenate3A_78, %mul3A_390 : vector<512x256xf32>
    %add3A_392 = arith.addf %add3A_386, %mul3A_391 : vector<512x256xf32>
    %get3A_393 = arith.constant 0 : index
    %get3A_394 = arith.constant 57 : index
    %get3A_395 = vector.load %arg2[%get3A_393, %get3A_394] : memref<512x81xf32, #tpu.memory_space<vmem>>, vector<512x1xf32>
    %mul3A_396 = vector.broadcast %get3A_395 : vector<512x1xf32> to vector<512x256xf32>
    %mul3A_397 = arith.mulf %concatenate3A_92, %mul3A_396 : vector<512x256xf32>
    %add3A_398 = arith.addf %add3A_392, %mul3A_397 : vector<512x256xf32>
    %get3A_399 = arith.constant 0 : index
    %get3A_400 = arith.constant 66 : index
    %get3A_401 = vector.load %arg2[%get3A_399, %get3A_400] : memref<512x81xf32, #tpu.memory_space<vmem>>, vector<512x1xf32>
    %mul3A_402 = vector.broadcast %get3A_401 : vector<512x1xf32> to vector<512x256xf32>
    %mul3A_403 = arith.mulf %concatenate3A_106, %mul3A_402 : vector<512x256xf32>
    %add3A_404 = arith.addf %add3A_398, %mul3A_403 : vector<512x256xf32>
    %get3A_405 = arith.constant 0 : index
    %get3A_406 = arith.constant 75 : index
    %get3A_407 = vector.load %arg2[%get3A_405, %get3A_406] : memref<512x81xf32, #tpu.memory_space<vmem>>, vector<512x1xf32>
    %mul3A_408 = vector.broadcast %get3A_407 : vector<512x1xf32> to vector<512x256xf32>
    %mul3A_409 = arith.mulf %concatenate3A_120, %mul3A_408 : vector<512x256xf32>
    %add3A_410 = arith.addf %add3A_404, %mul3A_409 : vector<512x256xf32>
    %get3A_411 = arith.constant 3 : index
    %get3A_412 = arith.constant 0 : index
    %get3A_413 = arith.constant 0 : index
    %get3A_414 = vector.load %arg3[%get3A_411, %get3A_412, %get3A_413] : memref<9x256x256xf32, #tpu.memory_space<vmem>>, vector<1x256x256xf32>
    %get3A_415 = vector.shape_cast %get3A_414 : vector<1x256x256xf32> to vector<256x256xf32>
    %dot_general3A_416 = arith.constant dense<0.000000e+00> : vector<512x256xf32>
    %dot_general3A_417 = tpu.matmul %add3A_410, %get3A_415, %dot_general3A_416 {dimension_numbers = #tpu.dot_dimension_numbers<[1], [0], [0], [1], [0, 0, 1, 1], [], []>, transpose_lhs_hint = false} : vector<512x256xf32>, vector<256x256xf32>, vector<512x256xf32> -> vector<512x256xf32>
    %add3A_418 = arith.addf %add3A_357, %dot_general3A_417 : vector<512x256xf32>
    %get3A_419 = arith.constant 0 : index
    %get3A_420 = arith.constant 4 : index
    %get3A_421 = vector.load %arg2[%get3A_419, %get3A_420] : memref<512x81xf32, #tpu.memory_space<vmem>>, vector<512x1xf32>
    %mul3A_422 = vector.broadcast %get3A_421 : vector<512x1xf32> to vector<512x256xf32>
    %mul3A_423 = arith.mulf %concatenate3A, %mul3A_422 : vector<512x256xf32>
    %get3A_424 = arith.constant 0 : index
    %get3A_425 = arith.constant 13 : index
    %get3A_426 = vector.load %arg2[%get3A_424, %get3A_425] : memref<512x81xf32, #tpu.memory_space<vmem>>, vector<512x1xf32>
    %mul3A_427 = vector.broadcast %get3A_426 : vector<512x1xf32> to vector<512x256xf32>
    %mul3A_428 = arith.mulf %concatenate3A_22, %mul3A_427 : vector<512x256xf32>
    %add3A_429 = arith.addf %mul3A_423, %mul3A_428 : vector<512x256xf32>
    %get3A_430 = arith.constant 0 : index
    %get3A_431 = arith.constant 22 : index
    %get3A_432 = vector.load %arg2[%get3A_430, %get3A_431] : memref<512x81xf32, #tpu.memory_space<vmem>>, vector<512x1xf32>
    %mul3A_433 = vector.broadcast %get3A_432 : vector<512x1xf32> to vector<512x256xf32>
    %mul3A_434 = arith.mulf %concatenate3A_36, %mul3A_433 : vector<512x256xf32>
    %add3A_435 = arith.addf %add3A_429, %mul3A_434 : vector<512x256xf32>
    %get3A_436 = arith.constant 0 : index
    %get3A_437 = arith.constant 31 : index
    %get3A_438 = vector.load %arg2[%get3A_436, %get3A_437] : memref<512x81xf32, #tpu.memory_space<vmem>>, vector<512x1xf32>
    %mul3A_439 = vector.broadcast %get3A_438 : vector<512x1xf32> to vector<512x256xf32>
    %mul3A_440 = arith.mulf %concatenate3A_50, %mul3A_439 : vector<512x256xf32>
    %add3A_441 = arith.addf %add3A_435, %mul3A_440 : vector<512x256xf32>
    %get3A_442 = arith.constant 0 : index
    %get3A_443 = arith.constant 40 : index
    %get3A_444 = vector.load %arg2[%get3A_442, %get3A_443] : memref<512x81xf32, #tpu.memory_space<vmem>>, vector<512x1xf32>
    %mul3A_445 = vector.broadcast %get3A_444 : vector<512x1xf32> to vector<512x256xf32>
    %mul3A_446 = arith.mulf %concatenate3A_64, %mul3A_445 : vector<512x256xf32>
    %add3A_447 = arith.addf %add3A_441, %mul3A_446 : vector<512x256xf32>
    %get3A_448 = arith.constant 0 : index
    %get3A_449 = arith.constant 49 : index
    %get3A_450 = vector.load %arg2[%get3A_448, %get3A_449] : memref<512x81xf32, #tpu.memory_space<vmem>>, vector<512x1xf32>
    %mul3A_451 = vector.broadcast %get3A_450 : vector<512x1xf32> to vector<512x256xf32>
    %mul3A_452 = arith.mulf %concatenate3A_78, %mul3A_451 : vector<512x256xf32>
    %add3A_453 = arith.addf %add3A_447, %mul3A_452 : vector<512x256xf32>
    %get3A_454 = arith.constant 0 : index
    %get3A_455 = arith.constant 58 : index
    %get3A_456 = vector.load %arg2[%get3A_454, %get3A_455] : memref<512x81xf32, #tpu.memory_space<vmem>>, vector<512x1xf32>
    %mul3A_457 = vector.broadcast %get3A_456 : vector<512x1xf32> to vector<512x256xf32>
    %mul3A_458 = arith.mulf %concatenate3A_92, %mul3A_457 : vector<512x256xf32>
    %add3A_459 = arith.addf %add3A_453, %mul3A_458 : vector<512x256xf32>
    %get3A_460 = arith.constant 0 : index
    %get3A_461 = arith.constant 67 : index
    %get3A_462 = vector.load %arg2[%get3A_460, %get3A_461] : memref<512x81xf32, #tpu.memory_space<vmem>>, vector<512x1xf32>
    %mul3A_463 = vector.broadcast %get3A_462 : vector<512x1xf32> to vector<512x256xf32>
    %mul3A_464 = arith.mulf %concatenate3A_106, %mul3A_463 : vector<512x256xf32>
    %add3A_465 = arith.addf %add3A_459, %mul3A_464 : vector<512x256xf32>
    %get3A_466 = arith.constant 0 : index
    %get3A_467 = arith.constant 76 : index
    %get3A_468 = vector.load %arg2[%get3A_466, %get3A_467] : memref<512x81xf32, #tpu.memory_space<vmem>>, vector<512x1xf32>
    %mul3A_469 = vector.broadcast %get3A_468 : vector<512x1xf32> to vector<512x256xf32>
    %mul3A_470 = arith.mulf %concatenate3A_120, %mul3A_469 : vector<512x256xf32>
    %add3A_471 = arith.addf %add3A_465, %mul3A_470 : vector<512x256xf32>
    %get3A_472 = arith.constant 4 : index
    %get3A_473 = arith.constant 0 : index
    %get3A_474 = arith.constant 0 : index
    %get3A_475 = vector.load %arg3[%get3A_472, %get3A_473, %get3A_474] : memref<9x256x256xf32, #tpu.memory_space<vmem>>, vector<1x256x256xf32>
    %get3A_476 = vector.shape_cast %get3A_475 : vector<1x256x256xf32> to vector<256x256xf32>
    %dot_general3A_477 = arith.constant dense<0.000000e+00> : vector<512x256xf32>
    %dot_general3A_478 = tpu.matmul %add3A_471, %get3A_476, %dot_general3A_477 {dimension_numbers = #tpu.dot_dimension_numbers<[1], [0], [0], [1], [0, 0, 1, 1], [], []>, transpose_lhs_hint = false} : vector<512x256xf32>, vector<256x256xf32>, vector<512x256xf32> -> vector<512x256xf32>
    %add3A_479 = arith.addf %add3A_418, %dot_general3A_478 : vector<512x256xf32>
    %get3A_480 = arith.constant 0 : index
    %get3A_481 = arith.constant 5 : index
    %get3A_482 = vector.load %arg2[%get3A_480, %get3A_481] : memref<512x81xf32, #tpu.memory_space<vmem>>, vector<512x1xf32>
    %mul3A_483 = vector.broadcast %get3A_482 : vector<512x1xf32> to vector<512x256xf32>
    %mul3A_484 = arith.mulf %concatenate3A, %mul3A_483 : vector<512x256xf32>
    %get3A_485 = arith.constant 0 : index
    %get3A_486 = arith.constant 14 : index
    %get3A_487 = vector.load %arg2[%get3A_485, %get3A_486] : memref<512x81xf32, #tpu.memory_space<vmem>>, vector<512x1xf32>
    %mul3A_488 = vector.broadcast %get3A_487 : vector<512x1xf32> to vector<512x256xf32>
    %mul3A_489 = arith.mulf %concatenate3A_22, %mul3A_488 : vector<512x256xf32>
    %add3A_490 = arith.addf %mul3A_484, %mul3A_489 : vector<512x256xf32>
    %get3A_491 = arith.constant 0 : index
    %get3A_492 = arith.constant 23 : index
    %get3A_493 = vector.load %arg2[%get3A_491, %get3A_492] : memref<512x81xf32, #tpu.memory_space<vmem>>, vector<512x1xf32>
    %mul3A_494 = vector.broadcast %get3A_493 : vector<512x1xf32> to vector<512x256xf32>
    %mul3A_495 = arith.mulf %concatenate3A_36, %mul3A_494 : vector<512x256xf32>
    %add3A_496 = arith.addf %add3A_490, %mul3A_495 : vector<512x256xf32>
    %get3A_497 = arith.constant 0 : index
    %get3A_498 = arith.constant 32 : index
    %get3A_499 = vector.load %arg2[%get3A_497, %get3A_498] : memref<512x81xf32, #tpu.memory_space<vmem>>, vector<512x1xf32>
    %mul3A_500 = vector.broadcast %get3A_499 : vector<512x1xf32> to vector<512x256xf32>
    %mul3A_501 = arith.mulf %concatenate3A_50, %mul3A_500 : vector<512x256xf32>
    %add3A_502 = arith.addf %add3A_496, %mul3A_501 : vector<512x256xf32>
    %get3A_503 = arith.constant 0 : index
    %get3A_504 = arith.constant 41 : index
    %get3A_505 = vector.load %arg2[%get3A_503, %get3A_504] : memref<512x81xf32, #tpu.memory_space<vmem>>, vector<512x1xf32>
    %mul3A_506 = vector.broadcast %get3A_505 : vector<512x1xf32> to vector<512x256xf32>
    %mul3A_507 = arith.mulf %concatenate3A_64, %mul3A_506 : vector<512x256xf32>
    %add3A_508 = arith.addf %add3A_502, %mul3A_507 : vector<512x256xf32>
    %get3A_509 = arith.constant 0 : index
    %get3A_510 = arith.constant 50 : index
    %get3A_511 = vector.load %arg2[%get3A_509, %get3A_510] : memref<512x81xf32, #tpu.memory_space<vmem>>, vector<512x1xf32>
    %mul3A_512 = vector.broadcast %get3A_511 : vector<512x1xf32> to vector<512x256xf32>
    %mul3A_513 = arith.mulf %concatenate3A_78, %mul3A_512 : vector<512x256xf32>
    %add3A_514 = arith.addf %add3A_508, %mul3A_513 : vector<512x256xf32>
    %get3A_515 = arith.constant 0 : index
    %get3A_516 = arith.constant 59 : index
    %get3A_517 = vector.load %arg2[%get3A_515, %get3A_516] : memref<512x81xf32, #tpu.memory_space<vmem>>, vector<512x1xf32>
    %mul3A_518 = vector.broadcast %get3A_517 : vector<512x1xf32> to vector<512x256xf32>
    %mul3A_519 = arith.mulf %concatenate3A_92, %mul3A_518 : vector<512x256xf32>
    %add3A_520 = arith.addf %add3A_514, %mul3A_519 : vector<512x256xf32>
    %get3A_521 = arith.constant 0 : index
    %get3A_522 = arith.constant 68 : index
    %get3A_523 = vector.load %arg2[%get3A_521, %get3A_522] : memref<512x81xf32, #tpu.memory_space<vmem>>, vector<512x1xf32>
    %mul3A_524 = vector.broadcast %get3A_523 : vector<512x1xf32> to vector<512x256xf32>
    %mul3A_525 = arith.mulf %concatenate3A_106, %mul3A_524 : vector<512x256xf32>
    %add3A_526 = arith.addf %add3A_520, %mul3A_525 : vector<512x256xf32>
    %get3A_527 = arith.constant 0 : index
    %get3A_528 = arith.constant 77 : index
    %get3A_529 = vector.load %arg2[%get3A_527, %get3A_528] : memref<512x81xf32, #tpu.memory_space<vmem>>, vector<512x1xf32>
    %mul3A_530 = vector.broadcast %get3A_529 : vector<512x1xf32> to vector<512x256xf32>
    %mul3A_531 = arith.mulf %concatenate3A_120, %mul3A_530 : vector<512x256xf32>
    %add3A_532 = arith.addf %add3A_526, %mul3A_531 : vector<512x256xf32>
    %get3A_533 = arith.constant 5 : index
    %get3A_534 = arith.constant 0 : index
    %get3A_535 = arith.constant 0 : index
    %get3A_536 = vector.load %arg3[%get3A_533, %get3A_534, %get3A_535] : memref<9x256x256xf32, #tpu.memory_space<vmem>>, vector<1x256x256xf32>
    %get3A_537 = vector.shape_cast %get3A_536 : vector<1x256x256xf32> to vector<256x256xf32>
    %dot_general3A_538 = arith.constant dense<0.000000e+00> : vector<512x256xf32>
    %dot_general3A_539 = tpu.matmul %add3A_532, %get3A_537, %dot_general3A_538 {dimension_numbers = #tpu.dot_dimension_numbers<[1], [0], [0], [1], [0, 0, 1, 1], [], []>, transpose_lhs_hint = false} : vector<512x256xf32>, vector<256x256xf32>, vector<512x256xf32> -> vector<512x256xf32>
    %add3A_540 = arith.addf %add3A_479, %dot_general3A_539 : vector<512x256xf32>
    %get3A_541 = arith.constant 0 : index
    %get3A_542 = arith.constant 6 : index
    %get3A_543 = vector.load %arg2[%get3A_541, %get3A_542] : memref<512x81xf32, #tpu.memory_space<vmem>>, vector<512x1xf32>
    %mul3A_544 = vector.broadcast %get3A_543 : vector<512x1xf32> to vector<512x256xf32>
    %mul3A_545 = arith.mulf %concatenate3A, %mul3A_544 : vector<512x256xf32>
    %get3A_546 = arith.constant 0 : index
    %get3A_547 = arith.constant 15 : index
    %get3A_548 = vector.load %arg2[%get3A_546, %get3A_547] : memref<512x81xf32, #tpu.memory_space<vmem>>, vector<512x1xf32>
    %mul3A_549 = vector.broadcast %get3A_548 : vector<512x1xf32> to vector<512x256xf32>
    %mul3A_550 = arith.mulf %concatenate3A_22, %mul3A_549 : vector<512x256xf32>
    %add3A_551 = arith.addf %mul3A_545, %mul3A_550 : vector<512x256xf32>
    %get3A_552 = arith.constant 0 : index
    %get3A_553 = arith.constant 24 : index
    %get3A_554 = vector.load %arg2[%get3A_552, %get3A_553] : memref<512x81xf32, #tpu.memory_space<vmem>>, vector<512x1xf32>
    %mul3A_555 = vector.broadcast %get3A_554 : vector<512x1xf32> to vector<512x256xf32>
    %mul3A_556 = arith.mulf %concatenate3A_36, %mul3A_555 : vector<512x256xf32>
    %add3A_557 = arith.addf %add3A_551, %mul3A_556 : vector<512x256xf32>
    %get3A_558 = arith.constant 0 : index
    %get3A_559 = arith.constant 33 : index
    %get3A_560 = vector.load %arg2[%get3A_558, %get3A_559] : memref<512x81xf32, #tpu.memory_space<vmem>>, vector<512x1xf32>
    %mul3A_561 = vector.broadcast %get3A_560 : vector<512x1xf32> to vector<512x256xf32>
    %mul3A_562 = arith.mulf %concatenate3A_50, %mul3A_561 : vector<512x256xf32>
    %add3A_563 = arith.addf %add3A_557, %mul3A_562 : vector<512x256xf32>
    %get3A_564 = arith.constant 0 : index
    %get3A_565 = arith.constant 42 : index
    %get3A_566 = vector.load %arg2[%get3A_564, %get3A_565] : memref<512x81xf32, #tpu.memory_space<vmem>>, vector<512x1xf32>
    %mul3A_567 = vector.broadcast %get3A_566 : vector<512x1xf32> to vector<512x256xf32>
    %mul3A_568 = arith.mulf %concatenate3A_64, %mul3A_567 : vector<512x256xf32>
    %add3A_569 = arith.addf %add3A_563, %mul3A_568 : vector<512x256xf32>
    %get3A_570 = arith.constant 0 : index
    %get3A_571 = arith.constant 51 : index
    %get3A_572 = vector.load %arg2[%get3A_570, %get3A_571] : memref<512x81xf32, #tpu.memory_space<vmem>>, vector<512x1xf32>
    %mul3A_573 = vector.broadcast %get3A_572 : vector<512x1xf32> to vector<512x256xf32>
    %mul3A_574 = arith.mulf %concatenate3A_78, %mul3A_573 : vector<512x256xf32>
    %add3A_575 = arith.addf %add3A_569, %mul3A_574 : vector<512x256xf32>
    %get3A_576 = arith.constant 0 : index
    %get3A_577 = arith.constant 60 : index
    %get3A_578 = vector.load %arg2[%get3A_576, %get3A_577] : memref<512x81xf32, #tpu.memory_space<vmem>>, vector<512x1xf32>
    %mul3A_579 = vector.broadcast %get3A_578 : vector<512x1xf32> to vector<512x256xf32>
    %mul3A_580 = arith.mulf %concatenate3A_92, %mul3A_579 : vector<512x256xf32>
    %add3A_581 = arith.addf %add3A_575, %mul3A_580 : vector<512x256xf32>
    %get3A_582 = arith.constant 0 : index
    %get3A_583 = arith.constant 69 : index
    %get3A_584 = vector.load %arg2[%get3A_582, %get3A_583] : memref<512x81xf32, #tpu.memory_space<vmem>>, vector<512x1xf32>
    %mul3A_585 = vector.broadcast %get3A_584 : vector<512x1xf32> to vector<512x256xf32>
    %mul3A_586 = arith.mulf %concatenate3A_106, %mul3A_585 : vector<512x256xf32>
    %add3A_587 = arith.addf %add3A_581, %mul3A_586 : vector<512x256xf32>
    %get3A_588 = arith.constant 0 : index
    %get3A_589 = arith.constant 78 : index
    %get3A_590 = vector.load %arg2[%get3A_588, %get3A_589] : memref<512x81xf32, #tpu.memory_space<vmem>>, vector<512x1xf32>
    %mul3A_591 = vector.broadcast %get3A_590 : vector<512x1xf32> to vector<512x256xf32>
    %mul3A_592 = arith.mulf %concatenate3A_120, %mul3A_591 : vector<512x256xf32>
    %add3A_593 = arith.addf %add3A_587, %mul3A_592 : vector<512x256xf32>
    %get3A_594 = arith.constant 6 : index
    %get3A_595 = arith.constant 0 : index
    %get3A_596 = arith.constant 0 : index
    %get3A_597 = vector.load %arg3[%get3A_594, %get3A_595, %get3A_596] : memref<9x256x256xf32, #tpu.memory_space<vmem>>, vector<1x256x256xf32>
    %get3A_598 = vector.shape_cast %get3A_597 : vector<1x256x256xf32> to vector<256x256xf32>
    %dot_general3A_599 = arith.constant dense<0.000000e+00> : vector<512x256xf32>
    %dot_general3A_600 = tpu.matmul %add3A_593, %get3A_598, %dot_general3A_599 {dimension_numbers = #tpu.dot_dimension_numbers<[1], [0], [0], [1], [0, 0, 1, 1], [], []>, transpose_lhs_hint = false} : vector<512x256xf32>, vector<256x256xf32>, vector<512x256xf32> -> vector<512x256xf32>
    %add3A_601 = arith.addf %add3A_540, %dot_general3A_600 : vector<512x256xf32>
    %get3A_602 = arith.constant 0 : index
    %get3A_603 = arith.constant 7 : index
    %get3A_604 = vector.load %arg2[%get3A_602, %get3A_603] : memref<512x81xf32, #tpu.memory_space<vmem>>, vector<512x1xf32>
    %mul3A_605 = vector.broadcast %get3A_604 : vector<512x1xf32> to vector<512x256xf32>
    %mul3A_606 = arith.mulf %concatenate3A, %mul3A_605 : vector<512x256xf32>
    %get3A_607 = arith.constant 0 : index
    %get3A_608 = arith.constant 16 : index
    %get3A_609 = vector.load %arg2[%get3A_607, %get3A_608] : memref<512x81xf32, #tpu.memory_space<vmem>>, vector<512x1xf32>
    %mul3A_610 = vector.broadcast %get3A_609 : vector<512x1xf32> to vector<512x256xf32>
    %mul3A_611 = arith.mulf %concatenate3A_22, %mul3A_610 : vector<512x256xf32>
    %add3A_612 = arith.addf %mul3A_606, %mul3A_611 : vector<512x256xf32>
    %get3A_613 = arith.constant 0 : index
    %get3A_614 = arith.constant 25 : index
    %get3A_615 = vector.load %arg2[%get3A_613, %get3A_614] : memref<512x81xf32, #tpu.memory_space<vmem>>, vector<512x1xf32>
    %mul3A_616 = vector.broadcast %get3A_615 : vector<512x1xf32> to vector<512x256xf32>
    %mul3A_617 = arith.mulf %concatenate3A_36, %mul3A_616 : vector<512x256xf32>
    %add3A_618 = arith.addf %add3A_612, %mul3A_617 : vector<512x256xf32>
    %get3A_619 = arith.constant 0 : index
    %get3A_620 = arith.constant 34 : index
    %get3A_621 = vector.load %arg2[%get3A_619, %get3A_620] : memref<512x81xf32, #tpu.memory_space<vmem>>, vector<512x1xf32>
    %mul3A_622 = vector.broadcast %get3A_621 : vector<512x1xf32> to vector<512x256xf32>
    %mul3A_623 = arith.mulf %concatenate3A_50, %mul3A_622 : vector<512x256xf32>
    %add3A_624 = arith.addf %add3A_618, %mul3A_623 : vector<512x256xf32>
    %get3A_625 = arith.constant 0 : index
    %get3A_626 = arith.constant 43 : index
    %get3A_627 = vector.load %arg2[%get3A_625, %get3A_626] : memref<512x81xf32, #tpu.memory_space<vmem>>, vector<512x1xf32>
    %mul3A_628 = vector.broadcast %get3A_627 : vector<512x1xf32> to vector<512x256xf32>
    %mul3A_629 = arith.mulf %concatenate3A_64, %mul3A_628 : vector<512x256xf32>
    %add3A_630 = arith.addf %add3A_624, %mul3A_629 : vector<512x256xf32>
    %get3A_631 = arith.constant 0 : index
    %get3A_632 = arith.constant 52 : index
    %get3A_633 = vector.load %arg2[%get3A_631, %get3A_632] : memref<512x81xf32, #tpu.memory_space<vmem>>, vector<512x1xf32>
    %mul3A_634 = vector.broadcast %get3A_633 : vector<512x1xf32> to vector<512x256xf32>
    %mul3A_635 = arith.mulf %concatenate3A_78, %mul3A_634 : vector<512x256xf32>
    %add3A_636 = arith.addf %add3A_630, %mul3A_635 : vector<512x256xf32>
    %get3A_637 = arith.constant 0 : index
    %get3A_638 = arith.constant 61 : index
    %get3A_639 = vector.load %arg2[%get3A_637, %get3A_638] : memref<512x81xf32, #tpu.memory_space<vmem>>, vector<512x1xf32>
    %mul3A_640 = vector.broadcast %get3A_639 : vector<512x1xf32> to vector<512x256xf32>
    %mul3A_641 = arith.mulf %concatenate3A_92, %mul3A_640 : vector<512x256xf32>
    %add3A_642 = arith.addf %add3A_636, %mul3A_641 : vector<512x256xf32>
    %get3A_643 = arith.constant 0 : index
    %get3A_644 = arith.constant 70 : index
    %get3A_645 = vector.load %arg2[%get3A_643, %get3A_644] : memref<512x81xf32, #tpu.memory_space<vmem>>, vector<512x1xf32>
    %mul3A_646 = vector.broadcast %get3A_645 : vector<512x1xf32> to vector<512x256xf32>
    %mul3A_647 = arith.mulf %concatenate3A_106, %mul3A_646 : vector<512x256xf32>
    %add3A_648 = arith.addf %add3A_642, %mul3A_647 : vector<512x256xf32>
    %get3A_649 = arith.constant 0 : index
    %get3A_650 = arith.constant 79 : index
    %get3A_651 = vector.load %arg2[%get3A_649, %get3A_650] : memref<512x81xf32, #tpu.memory_space<vmem>>, vector<512x1xf32>
    %mul3A_652 = vector.broadcast %get3A_651 : vector<512x1xf32> to vector<512x256xf32>
    %mul3A_653 = arith.mulf %concatenate3A_120, %mul3A_652 : vector<512x256xf32>
    %add3A_654 = arith.addf %add3A_648, %mul3A_653 : vector<512x256xf32>
    %get3A_655 = arith.constant 7 : index
    %get3A_656 = arith.constant 0 : index
    %get3A_657 = arith.constant 0 : index
    %get3A_658 = vector.load %arg3[%get3A_655, %get3A_656, %get3A_657] : memref<9x256x256xf32, #tpu.memory_space<vmem>>, vector<1x256x256xf32>
    %get3A_659 = vector.shape_cast %get3A_658 : vector<1x256x256xf32> to vector<256x256xf32>
    %dot_general3A_660 = arith.constant dense<0.000000e+00> : vector<512x256xf32>
    %dot_general3A_661 = tpu.matmul %add3A_654, %get3A_659, %dot_general3A_660 {dimension_numbers = #tpu.dot_dimension_numbers<[1], [0], [0], [1], [0, 0, 1, 1], [], []>, transpose_lhs_hint = false} : vector<512x256xf32>, vector<256x256xf32>, vector<512x256xf32> -> vector<512x256xf32>
    %add3A_662 = arith.addf %add3A_601, %dot_general3A_661 : vector<512x256xf32>
    %get3A_663 = arith.constant 0 : index
    %get3A_664 = arith.constant 8 : index
    %get3A_665 = vector.load %arg2[%get3A_663, %get3A_664] : memref<512x81xf32, #tpu.memory_space<vmem>>, vector<512x1xf32>
    %mul3A_666 = vector.broadcast %get3A_665 : vector<512x1xf32> to vector<512x256xf32>
    %mul3A_667 = arith.mulf %concatenate3A, %mul3A_666 : vector<512x256xf32>
    %get3A_668 = arith.constant 0 : index
    %get3A_669 = arith.constant 17 : index
    %get3A_670 = vector.load %arg2[%get3A_668, %get3A_669] : memref<512x81xf32, #tpu.memory_space<vmem>>, vector<512x1xf32>
    %mul3A_671 = vector.broadcast %get3A_670 : vector<512x1xf32> to vector<512x256xf32>
    %mul3A_672 = arith.mulf %concatenate3A_22, %mul3A_671 : vector<512x256xf32>
    %add3A_673 = arith.addf %mul3A_667, %mul3A_672 : vector<512x256xf32>
    %get3A_674 = arith.constant 0 : index
    %get3A_675 = arith.constant 26 : index
    %get3A_676 = vector.load %arg2[%get3A_674, %get3A_675] : memref<512x81xf32, #tpu.memory_space<vmem>>, vector<512x1xf32>
    %mul3A_677 = vector.broadcast %get3A_676 : vector<512x1xf32> to vector<512x256xf32>
    %mul3A_678 = arith.mulf %concatenate3A_36, %mul3A_677 : vector<512x256xf32>
    %add3A_679 = arith.addf %add3A_673, %mul3A_678 : vector<512x256xf32>
    %get3A_680 = arith.constant 0 : index
    %get3A_681 = arith.constant 35 : index
    %get3A_682 = vector.load %arg2[%get3A_680, %get3A_681] : memref<512x81xf32, #tpu.memory_space<vmem>>, vector<512x1xf32>
    %mul3A_683 = vector.broadcast %get3A_682 : vector<512x1xf32> to vector<512x256xf32>
    %mul3A_684 = arith.mulf %concatenate3A_50, %mul3A_683 : vector<512x256xf32>
    %add3A_685 = arith.addf %add3A_679, %mul3A_684 : vector<512x256xf32>
    %get3A_686 = arith.constant 0 : index
    %get3A_687 = arith.constant 44 : index
    %get3A_688 = vector.load %arg2[%get3A_686, %get3A_687] : memref<512x81xf32, #tpu.memory_space<vmem>>, vector<512x1xf32>
    %mul3A_689 = vector.broadcast %get3A_688 : vector<512x1xf32> to vector<512x256xf32>
    %mul3A_690 = arith.mulf %concatenate3A_64, %mul3A_689 : vector<512x256xf32>
    %add3A_691 = arith.addf %add3A_685, %mul3A_690 : vector<512x256xf32>
    %get3A_692 = arith.constant 0 : index
    %get3A_693 = arith.constant 53 : index
    %get3A_694 = vector.load %arg2[%get3A_692, %get3A_693] : memref<512x81xf32, #tpu.memory_space<vmem>>, vector<512x1xf32>
    %mul3A_695 = vector.broadcast %get3A_694 : vector<512x1xf32> to vector<512x256xf32>
    %mul3A_696 = arith.mulf %concatenate3A_78, %mul3A_695 : vector<512x256xf32>
    %add3A_697 = arith.addf %add3A_691, %mul3A_696 : vector<512x256xf32>
    %get3A_698 = arith.constant 0 : index
    %get3A_699 = arith.constant 62 : index
    %get3A_700 = vector.load %arg2[%get3A_698, %get3A_699] : memref<512x81xf32, #tpu.memory_space<vmem>>, vector<512x1xf32>
    %mul3A_701 = vector.broadcast %get3A_700 : vector<512x1xf32> to vector<512x256xf32>
    %mul3A_702 = arith.mulf %concatenate3A_92, %mul3A_701 : vector<512x256xf32>
    %add3A_703 = arith.addf %add3A_697, %mul3A_702 : vector<512x256xf32>
    %get3A_704 = arith.constant 0 : index
    %get3A_705 = arith.constant 71 : index
    %get3A_706 = vector.load %arg2[%get3A_704, %get3A_705] : memref<512x81xf32, #tpu.memory_space<vmem>>, vector<512x1xf32>
    %mul3A_707 = vector.broadcast %get3A_706 : vector<512x1xf32> to vector<512x256xf32>
    %mul3A_708 = arith.mulf %concatenate3A_106, %mul3A_707 : vector<512x256xf32>
    %add3A_709 = arith.addf %add3A_703, %mul3A_708 : vector<512x256xf32>
    %get3A_710 = arith.constant 0 : index
    %get3A_711 = arith.constant 80 : index
    %get3A_712 = vector.load %arg2[%get3A_710, %get3A_711] : memref<512x81xf32, #tpu.memory_space<vmem>>, vector<512x1xf32>
    %mul3A_713 = vector.broadcast %get3A_712 : vector<512x1xf32> to vector<512x256xf32>
    %mul3A_714 = arith.mulf %concatenate3A_120, %mul3A_713 : vector<512x256xf32>
    %add3A_715 = arith.addf %add3A_709, %mul3A_714 : vector<512x256xf32>
    %get3A_716 = arith.constant 8 : index
    %get3A_717 = arith.constant 0 : index
    %get3A_718 = arith.constant 0 : index
    %get3A_719 = vector.load %arg3[%get3A_716, %get3A_717, %get3A_718] : memref<9x256x256xf32, #tpu.memory_space<vmem>>, vector<1x256x256xf32>
    %get3A_720 = vector.shape_cast %get3A_719 : vector<1x256x256xf32> to vector<256x256xf32>
    %dot_general3A_721 = arith.constant dense<0.000000e+00> : vector<512x256xf32>
    %dot_general3A_722 = tpu.matmul %add3A_715, %get3A_720, %dot_general3A_721 {dimension_numbers = #tpu.dot_dimension_numbers<[1], [0], [0], [1], [0, 0, 1, 1], [], []>, transpose_lhs_hint = false} : vector<512x256xf32>, vector<256x256xf32>, vector<512x256xf32> -> vector<512x256xf32>
    %add3A_723 = arith.addf %add3A_662, %dot_general3A_722 : vector<512x256xf32>
    %get3A_724 = arith.constant 0 : index
    %get3A_725 = arith.constant 0 : index
    %get3A_726 = vector.load %arg5[%get3A_724, %get3A_725] : memref<1x256xf32, #tpu.memory_space<vmem>>, vector<1x256xf32>
    %get3A_727 = vector.shape_cast %get3A_726 : vector<1x256xf32> to vector<256xf32>
    %broadcast_in_dim3A_728 = vector.shape_cast %get3A_727 : vector<256xf32> to vector<1x256xf32>
    %add3A_729 = vector.broadcast %broadcast_in_dim3A_728 : vector<1x256xf32> to vector<512x256xf32>
    %add3A_730 = arith.addf %add3A_723, %add3A_729 : vector<512x256xf32>
    %gt3A = arith.constant 0.000000e+00 : f32
    %gt3A_731 = vector.broadcast %gt3A : f32 to vector<512x256xf32>
    %gt3A_732 = arith.cmpf ogt, %dot_general3A_174, %gt3A_731 : vector<512x256xf32>
    %jit3A = arith.constant 0.000000e+00 : f32
    %broadcast_in_dim3A_733 = vector.broadcast %jit3A : f32 to vector<512x256xf32>
    %select_n3A = arith.select %gt3A_732, %add3A_730, %broadcast_in_dim3A_733 : vector<512x256xi1>, vector<512x256xf32>
    %swap3A = arith.constant 0 : index
    %swap3A_734 = arith.constant 0 : index
    %swap3A_735 = vector.load %arg6[%swap3A, %swap3A_734] : memref<512x256xf32, #tpu.memory_space<vmem>>, vector<512x256xf32>
    tpu.vector_store %arg6[%swap3A, %swap3A_734], %select_n3A {strides = array<i32>} : memref<512x256xf32, #tpu.memory_space<vmem>>, vector<512x256xf32>,
    return
  }
  func.func @transform_0(%arg0: i32) -> (i32, i32, i32) {
    %c0_i32 = arith.constant 0 : i32
    %c0_i32_0 = arith.constant 0 : i32
    %c0_i32_1 = arith.constant 0 : i32
    return %c0_i32, %arg0, %c0_i32_0 : i32, i32, i32
  }
  func.func @transform_1(%arg0: i32) -> (i32, i32) {
    %c0_i32 = arith.constant 0 : i32
    %c0_i32_0 = arith.constant 0 : i32
    return %arg0, %c0_i32 : i32, i32
  }
  func.func @transform_2(%arg0: i32) -> (i32, i32, i32) {
    %c0_i32 = arith.constant 0 : i32
    %c0_i32_0 = arith.constant 0 : i32
    %c0_i32_1 = arith.constant 0 : i32
    %c0_i32_2 = arith.constant 0 : i32
    return %c0_i32, %c0_i32_0, %c0_i32_1 : i32, i32, i32
  }
  func.func @transform_3(%arg0: i32) -> (i32, i32) {
    %c0_i32 = arith.constant 0 : i32
    %c0_i32_0 = arith.constant 0 : i32
    %c0_i32_1 = arith.constant 0 : i32
    return %c0_i32, %c0_i32_0 : i32, i32
  }
  func.func @transform_4(%arg0: i32) -> (i32, i32) {
    %c0_i32 = arith.constant 0 : i32
    %c0_i32_0 = arith.constant 0 : i32
    %c0_i32_1 = arith.constant 0 : i32
    return %c0_i32, %c0_i32_0 : i32, i32
  }
  func.func @transform_5(%arg0: i32) -> (i32, i32) {
    %c0_i32 = arith.constant 0 : i32
    %c0_i32_0 = arith.constant 0 : i32
    return %arg0, %c0_i32 : i32, i32
  }
}

</mosaic_0001>

<sc_bundles>
// kernel: kernel.11.cloned.1.call-start
scs
__scs_entry_jumppad:
0x0: {  	(pc) =	sbr.rel $0x88, $3  }
0x1: {  	(tag) =	ssettag $0x0;
	lr =	simm.s32 $0x1  }
0x2: {  	[smem:$0x3F9C] =	sst lr;
	_ =	strace $0xD0000000  }
0x3: {  	_ = 	snop  }
0x4: {  	_ = 	snop  }
0x5: {  	_ = 	snop  }
0x6: {  	_ = 	snop  }
0x7: {  	_ = 	snop  }
__scs_overlays_trampoline_lowered:
0x8: {  	[smem:$0x3FAB] =	sst s0  }
0x9: {  	[smem:$0x3FAC] =	sst s1  }
0xa: {  	[smem:$0x3FAD] =	sst s2  }
0xb: {  	[smem:$0x3FAE] =	sst s3  }
0xc: {  	[smem:$0x3FAF] =	sst s4  }
0xd: {  	[smem:$0x3FB0] =	sst s5  }
0xe: {  	[smem:$0x3FB1] =	sst s6  }
0xf: {  	[smem:$0x3FB2] =	sst s7  }
0x10: {  	[smem:$0x3FB3] =	sst s8  }
0x11: {  	[smem:$0x3FB4] =	sst s9;
	s0 =	simm.s32 @!p0 $0x0  }
0x12: {  	s1 =	sld [smem:$0x3F9A];
	s0 =	simm.s32 @p0 $0x1  }
0x13: {  	[smem:$0x3FB5] =	sst s0;
	s0 =	simm.s32 @!p1 $0x0  }
0x14: {  	s2 =	sld [smem:$0x3F99];
	s0 =	simm.s32 @p1 $0x1  }
0x15: {  	[smem:$0x3FB6] =	sst s0;
	s0 =	simm.s32 @!p2 $0x0  }
0x16: {  	s3 =	sld [smem:$0x3FDB];
	s0 =	simm.s32 @p2 $0x1  }
0x17: {  	s4 =	simm.s32 $0x1BF5;
	[smem:$0x3FB8] =	sst s0  }
0x18: {  	s0 =	sld [smem:$0x3F9B];
	_ =	swait.ge [sflag:s4], $0x0  }
0x19: {  	s7 =	sld [smem:$0x3F9C]  }
0x1a: {  	s8 =	sadd.s32 $0xFFFFE003, lr  }
0x1b: {  	s9 =	sadd.s32 $0xFFFFFEF7, lr;
	s5 =	simm.s32 $0xFFFFFFFF;
	p2 =	slt.u32 s8, $0xFFFFF086  }
0x1c: {  	p1 =	slt.u32 s9, $0xF7A;
	s5 =	simm.s32 @!p2 $0x0  }
0x1d: {  	s5 =	simm.s32 @p1 $0x1;
	p0 =	seq.s32 s7, s2  }
0x1e: {  	s7 =	smul.u32 @!p0 $0xF7A, s2;
	p2 =	seq.s32 @!p0 s5, $0x0  }
0x1f: {  	s9 =	smul.u32 $0xF7A, s1;
	s8 =	simm.s32 @!p0 $0x1BF5;
	p2 =	por !p2, p0  }
0x20: {  	[sflag:s8] =	ssyncset.s32 @!p0 $0xFFFFF086;
	s6 =	sadd.s32 @!p0 s3, s7;
	s7 =	simm.s32 @!p0 $0x108  }
0x21: {  	s3 =	sadd.s32 s3, s9;
	s6 =	sadd.s32 @!p0 $0x88, s6;
	s7 =	simm.s32 @p2 $0x1082  }
0x22: {  	[simem:s7], [sflag:s8] =	dma.local @!p0 [hbm:s6], $0xF7A  }
0x23: {  	s9 =	sor.u32 $0xD0000000, s2;
	s6 =	simm.s32 $0x108;
	_ =	swait.ge @!p0 [sflag:s8], $0x0  }
0x24: {  	s3 =	sadd.s32 $0x88, s3;
	s6 =	simm.s32 @!p1 $0x1082;
	[sflag:s4] =	ssyncset.s32 $0xFFFFF086  }
0x25: {  	[simem:s6], [sflag:s4] =	dma.local [hbm:s3], $0xF7A  }
0x26: {  	[smem:$0x3F9C] =	sst s1;
	(tag) =	ssettag s2;
	_ =	strace s9  }
0x27: {  	s1 =	sld [smem:$0x3FAC]  }
0x28: {  	s2 =	sld [smem:$0x3FAD]  }
0x29: {  	s4 =	sld [smem:$0x3FAF]  }
0x2a: {  	p0 =	seq.s32 s5, $0x0;
	s5 =	sld [smem:$0x3FB0]  }
0x2b: {  	s6 =	sld [smem:$0x3FB1]  }
0x2c: {  	s7 =	sld [smem:$0x3FB2]  }
0x2d: {  	s3 =	simm.s32 $0x108;
	s8 =	sld [smem:$0x3FB3]  }
0x2e: {  	s3 =	simm.s32 @!p0 $0x1082;
	s9 =	sld [smem:$0x3FB4]  }
0x2f: {  	lr =	sadd.s32 s0, s3;
	s0 =	sld [smem:$0x3FAB]  }
0x30: {  	s3 =	sld [smem:$0x3FAE]  }
0x31: {  	[smem:$0x3FB7] =	sst s10  }
0x32: {  	s10 =	sld [smem:$0x3FB5];
	_ =	sdelay $0x3  }
0x33: {  	p0 =	seq.s32 s10, $0x1;
	s10 =	sld [smem:$0x3FB7];
	_ =	sdelay $0x3  }
0x34: {  	[smem:$0x3FB7] =	sst s10  }
0x35: {  	s10 =	sld [smem:$0x3FB6];
	_ =	sdelay $0x3  }
0x36: {  	p1 =	seq.s32 s10, $0x1;
	s10 =	sld [smem:$0x3FB7];
	_ =	sdelay $0x3  }
0x37: {  	[smem:$0x3FB7] =	sst s10  }
0x38: {  	s10 =	sld [smem:$0x3FB8]  }
0x39: {  	_ = 	snop;
	(pc) =	sbr.ind lr, $3  }
0x3a: {  	_ = 	snop  }
0x3b: {  	_ = 	snop  }
0x3c: {  	p2 =	seq.s32 s10, $0x1;
	s10 =	sld [smem:$0x3FB7]  }
0x3d: {  	_ =	shalt  }
0x3e: {  	_ =	shalt  }
0x3f: {  	_ =	shalt  }
0x40: {  	_ =	shalt  }
0x41: {  	_ =	shalt  }
0x42: {  	_ =	shalt  }
0x43: {  	_ =	shalt  }
0x44: {  	_ =	shalt  }
0x45: {  	_ =	shalt  }
0x46: {  	_ =	shalt  }
0x47: {  	_ =	shalt  }
0x48: {  	_ =	shalt  }
0x49: {  	_ =	shalt  }
0x4a: {  	_ =	shalt  }
0x4b: {  	_ =	shalt  }
0x4c: {  	_ =	shalt  }
0x4d: {  	_ =	shalt  }
0x4e: {  	_ =	shalt  }
0x4f: {  	_ =	shalt  }
0x50: {  	_ =	shalt  }
0x51: {  	_ =	shalt  }
0x52: {  	_ =	shalt  }
0x53: {  	_ =	shalt  }
0x54: {  	_ =	shalt  }
0x55: {  	_ =	shalt  }
0x56: {  	_ =	shalt  }
0x57: {  	_ =	shalt  }
0x58: {  	_ =	shalt  }
0x59: {  	_ =	shalt  }
0x5a: {  	_ =	shalt  }
0x5b: {  	_ =	shalt  }
0x5c: {  	_ =	shalt  }
0x5d: {  	_ =	shalt  }
0x5e: {  	_ =	shalt  }
0x5f: {  	_ =	shalt  }
0x60: {  	_ =	shalt  }
0x61: {  	_ =	shalt  }
0x62: {  	_ =	shalt  }
0x63: {  	_ =	shalt  }
0x64: {  	_ =	shalt  }
0x65: {  	_ =	shalt  }
0x66: {  	_ =	shalt  }
0x67: {  	_ =	shalt  }
0x68: {  	_ =	shalt  }
0x69: {  	_ =	shalt  }
0x6a: {  	_ =	shalt  }
0x6b: {  	_ =	shalt  }
0x6c: {  	_ =	shalt  }
0x6d: {  	_ =	shalt  }
0x6e: {  	_ =	shalt  }
0x6f: {  	_ =	shalt  }
0x70: {  	_ =	shalt  }
0x71: {  	_ =	shalt  }
0x72: {  	_ =	shalt  }
0x73: {  	_ =	shalt  }
0x74: {  	_ =	shalt  }
0x75: {  	_ =	shalt  }
0x76: {  	_ =	shalt  }
0x77: {  	_ =	shalt  }
0x78: {  	_ =	shalt  }
0x79: {  	_ =	shalt  }
0x7a: {  	_ =	shalt  }
0x7b: {  	_ =	shalt  }
0x7c: {  	_ =	shalt  }
0x7d: {  	_ =	shalt  }
0x7e: {  	_ =	shalt  }
0x7f: {  	_ =	shalt  }
0x80: {  	_ =	shalt  }
0x81: {  	_ =	shalt  }
0x82: {  	_ =	shalt  }
0x83: {  	_ =	shalt  }
0x84: {  	_ =	shalt  }
0x85: {  	_ =	shalt  }
0x86: {  	_ =	shalt  }
0x87: {  	_ =	shalt  }
.Lfunc_end0:
.L_simem_size_0:
called_computation.1_lowered:
.L_overlay_start_0:
0x88: {  	s2 =	sld [smem:$0x3FD9]  }
0x89: {  	s3 =	sld [smem:$0x3FFE];
	_ =	sdelay $0x1  }
0x8a: {  	s1 =	srdreg.scid  }
0x8b: {  	s0 =	sand.u32 $0x1, s1  }
0x8c: {  	s17 =	sshll.u32 s0, $0xA;
	s2 =	sadd.s32 s3, s2  }
0x8d: {  	s2 =	sadd.s32 s2, s17  }
0x8e: {  	[smem:$0x3FC3] =	sst s2  }
0x8f: {  	_ = 	snop  }
0x90: {  	s18 =	sld [smem:$0x3FD0];
	(tm) =	ssettm $0x1  }
0x91: {  	s19 =	sld [smem:$0x3FFB];
	_ =	sdelay $0x3  }
0x92: {  	_ =	strace s19  }
0x93: {  	s2 =	sld [smem:$0x3FFC];
	_ =	sdelay $0x3  }
0x94: {  	_ =	strace s2  }
0x95: {  	s2 =	sld [smem:$0x3FFD];
	_ =	sdelay $0x3  }
0x96: {  	_ =	strace s2  }
0x97: {  	_ =	strace $0x8FFFFFFF  }
0x98: {  	s20 =	sld [smem:$0x3FDB];
	_ =	sdelay $0x1  }
0x99: {  	s4 =	simm.s32 $_scs_section_size  }
0x9a: {  	s5 =	simm.s32 $_size__tile_overlayer_lowered;
	s6 =	simm.s32 $_tile_overlayer_lowered  }
0x9b: {  	s7 =	simm.s32 $0x1BFF;
	s21 =	sshll.u32 s6, $0x1;
	s4 =	sadd.s32 s4, s20  }
0x9c: {  	s22 =	simm.s32 $0x0;
	s5 =	sshll.u32 s5, $0x1;
	s6 =	sadd.s32 s21, s4  }
0x9d: {  	[timem:s22], [sflag:s7] =	dma.local [hbm:s6], s5  }
0x9e: {  	_ =	swait.ge [sflag:s7], s5  }
0x9f: {  	s5 =	ssub.s32 $0x0, s5;
	[sflag:s7] =	ssyncset.done $0x0  }
0xa0: {  	[sflag:s7] =	ssyncadd.s32 s5;
	_ =	sdelay $0x1  }
0xa1: {  	s23 =	simm.s32 $0x1B8B  }
0xa2: {  	_ =	swait.ge [sflag:s23], $0x1  }
0xa3: {  	[sflag:s23] =	ssyncset.done $0x0  }
0xa4: {  	[sflag:s23] =	ssyncadd.s32 $0xFFFFFFFF  }
0xa5: {  	s5 =	sld [smem:$0x0]  }
0xa6: {  	s6 =	sand.u32 $0xFFFFFFFE, s1  }
0xa7: {  	p0 =	sne.s32 s1, s6  }
0xa8: {  	s6 =	sshll.u32 @p0 s6, $0xE  }
0xa9: {  	s6 =	sadd.s32 @p0 $0x11B8D, s6;
	s7 =	sshll.u32 @p0 s5, $0x11  }
0xaa: {  	s6 =	sor.u32 @p0 s7, s6  }
0xab: {  	[sflag:s6] =	ssyncadd.remote.s32 @p0 $0x1;
	_ =	sdelay $0x1  }
0xac: {  	s6 =	simm.s32 @p0 $0x1B8D  }
0xad: {  	_ =	swait.eq @p0 [sflag:s6], $0x1  }
0xae: {  	[sflag:s6] =	ssyncadd.s32 @p0 $0xFFFFFFFF  }
0xaf: {  	s7 =	sshll.u32 @!p0 s1, $0xE  }
0xb0: {  	s7 =	sor.u32 @!p0 $0x4000, s7;
	s6 =	simm.s32 @!p0 $0x1B8D  }
0xb1: {  	s5 =	sshll.u32 @!p0 s5, $0x11;
	s7 =	sadd.s32 @!p0 $0x11B8D, s7;
	_ =	swait.eq @!p0 [sflag:s6], $0x1  }
0xb2: {  	s5 =	sor.u32 @!p0 s5, s7;
	[sflag:s6] =	ssyncadd.s32 @!p0 $0xFFFFFFFF  }
0xb3: {  	s25 =	simm.s32 $0x1B8E;
	s24 =	sld [smem:$0x3FFE];
	[sflag:s5] =	ssyncadd.remote.s32 @!p0 $0x1  }
0xb4: {  	s26 =	simm.s32 $execute0_lowered;
	[smem:$0x3FD2] =	sst s25  }
0xb5: {  	s6 =	sshll.u32 s26, $0x1;
	_ =	strace $0x8000004C;
	[dreg:$0x1] =	wrdreg $0xFFFFFFFF  }
0xb6: {  	s28 =	simm.s32 $_size_execute0_lowered;
	s4 =	sadd.s32 s4, s6;
	[dreg:$0x0] =	wrdreg $0x0  }
0xb7: {  	s6 =	sshll.u32 s28, $0x1;
	[dreg:$0x2] =	wrdreg s4  }
0xb8: {  	[dreg:$0x3] =	wrdreg s6  }
0xb9: {  	[dreg:$0x4] =	wrdreg $0xC0  }
0xba: {  	_ =	task [dreg:s22], $0x5FFFF  }
0xbb: {  	[dreg:$0x1] =	wrdreg $0xFFFFFFFF  }
0xbc: {  	[dreg:$0x0] =	wrdreg $0x60  }
0xbd: {  	[dreg:$0x2] =	wrdreg s18  }
0xbe: {  	[dreg:$0x3] =	wrdreg s24  }
0xbf: {  	[dreg:$0x4] =	wrdreg $0xAC000  }
0xc0: {  	[dreg:$0x5] =	wrdreg $0xA  }
0xc1: {  	_ =	task.clear_ibuf [dreg:s22], $0x6FFFF;
	_ =	strace $0x9000004C  }
0xc2: {  	s29 =	simm.s32 $0xA;
	_ =	strace $0x8000004E  }
0xc3: {  	_ =	swait.ge [sflag:s29], $0x1  }
0xc4: {  	[sflag:s29] =	ssyncadd.s32 $0xFFFFFFFF  }
0xc5: {  	_ =	strace $0x9000004E  }
0xc6: {  	_ =	sfence  }
0xc7: {  	s30 =	sld [smem:$0x0];
	_ =	sdelay $0x2  }
0xc8: {  	s31 =	sshll.u32 s1, $0xD;
	s1 =	sshrl.u32 s1, $0x2  }
0xc9: {  	s4 =	sand.u32 $0x4000, s31;
	s1 =	sadd.s32 s1, s30  }
0xca: {  	s0 =	sor.u32 s4, s0;
	s1 =	sshll.u32 s1, $0x11  }
0xcb: {  	s0 =	sor.u32 s1, s0  }
0xcc: {  	s0 =	sadd.s32 $0x8F2B, s0  }
0xcd: {  	[sflag:s0] =	ssyncadd.remote.s32 $0x1  }
0xce: {  	_ =	sfence.sel $0xFFFF  }
0xcf: {  	[dreg:$0x0] =	wrdreg $0xFFFFFFFF;
	(pc) =	sbr.abs _section_cstart, $3  }
0xd0: {  	[dreg:$0x1] =	wrdreg $0xFFFFFFFF  }
0xd1: {  	_ =	task.clear_ibuf [dreg:s22], $0x2FFFF;
	_ =	strace $0x9FFFFFFF  }
0xd2: {  	(tm) =	ssettm $0x7FFFFFFF  }
0xd3: {  	_ =	shalt  }
tec
execute0_lowered:
.L_overlay_start_1:
0x0: {  	(tag) =	ssettag $0x1  }
0x1: {  	s7 =	rddreg [dreg:$0x0]  }
0x2: {  	s14 =	rddreg [dreg:$0x1]  }
0x3: {  	s1 =	rddreg [dreg:$0x2]  }
0x4: {  	s0 =	rddreg [dreg:$0x3]  }
0x5: {  	s2 =	simm.s32 $0x0;
	s8 =	stileid.u32;
	s3 =	srdreg.scid  }
0x6: {  	[smem:$0x7FF] =	sst s2;
	s4 =	smul.u32 $0x50000, s8  }
0x7: {  	s28 =	sand.u32 $0x1, s3;
	s26 =	sshll.u32 s8, $0x1;
	s5 =	smul.u32 $0x2800, s8  }
0x8: {  	s31 =	sshll.u32 s8, $0x6;
	s9 =	sadd.s32 $0x140000, s1;
	s30 =	sshrl.u32 s4, $0x2  }
0x9: {  	_ =	strace $0x8000004D;
	s3 =	sadd.s32 s7, s5;
	s6 =	sadd.s32 s30, s1  }
0xa: {  	s4 =	sor.u32 $0x1C05, s31;
	s5 =	sshrl.u32 s6, $0x3;
	s6 =	simm.s32 $0x5  }
0xb: {  	[spmem:s5], [sflag:s4] =	dma.local [hbm:s3], $0x2800  }
0xc: {  	p0 =	sne.s32 s8, $0x0;
	s15 =	sor.u32 s28, s26;
	_ =	swait.ge [sflag:s6], $0x2800  }
0xd: {  	s8 =	sshrl.u32 @!p0 s9, $0x3;
	s9 =	simm.s32 @!p0 $0x5;
	[sflag:s6] =	ssyncset.done $0x0  }
0xe: {  	s10 =	smul.u32 $0x7E, s15;
	s7 =	sadd.s32 $0x28000, s7;
	[sflag:s6] =	ssyncadd.s32 $0xFFFFD800  }
0xf: {  	[spmem:s8], [sflag:s4] =	dma.local @!p0 [hbm:s7], $0x20  }
0x10: {  	_ =	swait.ge @!p0 [sflag:s9], $0x20  }
0x11: {  	s10 =	sadd.s32 s10, s14;
	[sflag:s9] =	ssyncset.done @!p0 $0x0  }
0x12: {  	s10 =	sadd.s32 $0x100200, s10;
	[sflag:s9] =	ssyncadd.s32 @!p0 $0xFFFFFFE0  }
0x13: {  	[tilespmem:s2], [sflag:$0x5] =	stream.linear.gather [hbm4b:s10+s2], $0x3F0, $0x38;
	[tilespmem:$0x1EC10] =	vst v63  }
0x14: {  	_ =	swait.ge [sflag:s6], $0x3F0  }
0x15: {  	[sflag:s6] =	ssyncset.done $0x0  }
0x16: {  	s11 =	simm.s32 $0xA8;
	[sflag:s6] =	ssyncadd.s32 $0xFFFFFC10  }
0x17: {  	s12 =	simm.s32 $0x400;
	s13 =	simm.s32 $0x1;
	[bflag:$0x0] =	sbarrier.arrive $0xFFFF  }
0x18: {  	[tilespmem:s12], [sflag:$0x1] =	stream.indirect.gather [spmem:s1], $0x80, s2, s11, $0xb8;
	[tilespmem:$0x1EC10] =	vst v63  }
0x19: {  	s16 =	smul.u32 $0x3F00, s15;
	_ =	swait.ge [sflag:s13], $0x5400  }
0x1a: {  	s17 =	sadd.s32 $0x101200, s14;
	[sflag:s13] =	ssyncset.done $0x0  }
0x1b: {  	s14 =	sadd.s32 s17, s16;
	[sflag:s13] =	ssyncadd.s32 $0xFFFFAC00  }
0x1c: {  	[hbm4b:s14+s2] =	stream.linear.scatter [tilespmem:s12], [sflag:$0x3], $0x5400, $0x38;
	[tilespmem:$0x1EC10] =	vst v63  }
0x1d: {  	s18 =	smul.u32 $0x1F800, s15;
	s15 =	simm.s32 $0x5800;
	s16 =	simm.s32 $0x2  }
0x1e: {  	[tilespmem:s15], [sflag:$0x2] =	stream.indirect.gather [spmem:s1], $0x80, s11, s11, $0xb8;
	[tilespmem:$0x1EC10] =	vst v63  }
0x1f: {  	s18 =	sshrl.u32 s18, $0x3;
	_ =	swait.ge [sflag:s16], $0x5400  }
0x20: {  	s29 =	sadd.s32 s17, s18;
	[sflag:s16] =	ssyncset.done $0x0  }
0x21: {  	s18 =	simm.s32 $0x3;
	s17 =	sadd.s32 $0xA80, s29;
	[sflag:s16] =	ssyncadd.s32 $0xFFFFAC00  }
0x22: {  	[hbm4b:s17+s2] =	stream.linear.scatter [tilespmem:s15], [sflag:$0x4], $0x5400, $0x38;
	[tilespmem:$0x1EC10] =	vst v63  }
0x23: {  	_ =	swait.ge [sflag:s18], $0x5400  }
0x24: {  	[sflag:s18] =	ssyncset.done $0x0  }
0x25: {  	s19 =	simm.s32 $0x150;
	[sflag:s18] =	ssyncadd.s32 $0xFFFFAC00  }
0x26: {  	[tilespmem:s12], [sflag:$0x1] =	stream.indirect.gather [spmem:s1], $0x80, s19, s11, $0xb8;
	[tilespmem:$0x1EC10] =	vst v63  }
0x27: {  	_ =	swait.ge [sflag:s13], $0x5400  }
0x28: {  	[sflag:s13] =	ssyncset.done $0x0  }
0x29: {  	s20 =	simm.s32 $0x4;
	s21 =	sadd.s32 $0x1500, s29;
	[sflag:s13] =	ssyncadd.s32 $0xFFFFAC00  }
0x2a: {  	[hbm4b:s21+s2] =	stream.linear.scatter [tilespmem:s12], [sflag:$0x3], $0x5400, $0x38;
	[tilespmem:$0x1EC10] =	vst v63  }
0x2b: {  	_ =	swait.ge [sflag:s20], $0x5400  }
0x2c: {  	[sflag:s20] =	ssyncset.done $0x0  }
0x2d: {  	s22 =	simm.s32 $0x1F8;
	[sflag:s20] =	ssyncadd.s32 $0xFFFFAC00  }
0x2e: {  	[tilespmem:s15], [sflag:$0x2] =	stream.indirect.gather [spmem:s1], $0x80, s22, s11, $0xb8;
	[tilespmem:$0x1EC10] =	vst v63  }
0x2f: {  	_ =	swait.ge [sflag:s16], $0x5400  }
0x30: {  	[sflag:s16] =	ssyncset.done $0x0  }
0x31: {  	s23 =	sadd.s32 $0x1F80, s29;
	[sflag:s16] =	ssyncadd.s32 $0xFFFFAC00  }
0x32: {  	[hbm4b:s23+s2] =	stream.linear.scatter [tilespmem:s15], [sflag:$0x4], $0x5400, $0x38;
	[tilespmem:$0x1EC10] =	vst v63  }
0x33: {  	_ =	swait.ge [sflag:s18], $0x5400  }
0x34: {  	[sflag:s18] =	ssyncset.done $0x0  }
0x35: {  	s24 =	simm.s32 $0x2A0;
	[sflag:s18] =	ssyncadd.s32 $0xFFFFAC00  }
0x36: {  	[tilespmem:s12], [sflag:$0x1] =	stream.indirect.gather [spmem:s1], $0x80, s24, s11, $0xb8;
	[tilespmem:$0x1EC10] =	vst v63  }
0x37: {  	_ =	swait.ge [sflag:s13], $0x5400  }
0x38: {  	[sflag:s13] =	ssyncset.done $0x0  }
0x39: {  	s25 =	sadd.s32 $0x2A00, s29;
	[sflag:s13] =	ssyncadd.s32 $0xFFFFAC00  }
0x3a: {  	[hbm4b:s25+s2] =	stream.linear.scatter [tilespmem:s12], [sflag:$0x3], $0x5400, $0x38;
	[tilespmem:$0x1EC10] =	vst v63  }
0x3b: {  	s30 =	ssub.s32 $0x2, s28;
	_ =	swait.ge [sflag:s20], $0x5400  }
0x3c: {  	s28 =	sadd.s32 $0x3480, s29;
	s29 =	sshrl.u32 s30, $0x1;
	[sflag:s20] =	ssyncset.done $0x0  }
0x3d: {  	s26 =	simm.s32 $0x348;
	s29 =	ssub.s32 s30, s29;
	[sflag:s20] =	ssyncadd.s32 $0xFFFFAC00  }
0x3e: {  	[tilespmem:s15], [sflag:$0x2] =	stream.indirect.gather [spmem:s1], $0x80, s26, s11, $0xb8;
	[tilespmem:$0x1EC10] =	vst v63  }
0x3f: {  	s29 =	smax.u32 s29, $0x1;
	_ =	swait.ge [sflag:s16], $0x5400  }
0x40: {  	s29 =	sadd.s32 $0xFFFFFFFF, s29;
	[sflag:s16] =	ssyncset.done $0x0  }
0x41: {  	p1 =	sne.s32 s29, $0x0;
	[sflag:s16] =	ssyncadd.s32 $0xFFFFAC00  }
0x42: {  	[hbm4b:s28+s2] =	stream.linear.scatter [tilespmem:s15], [sflag:$0x4], $0x5400, $0x38;
	[tilespmem:$0x1EC10] =	vst v63  }
.Ltmp0:
0x43: {  	_ =	swait.ge [sflag:s18], $0x5400;
	(pc) =	sbr.rel @!p1 .LBB2_2-.Ltmp0, $4  }
0x44: {  	[sflag:s18] =	ssyncset.done $0x0  }
0x45: {  	[sflag:s18] =	ssyncadd.s32 $0xFFFFAC00  }
0x46: {  	_ =	swait.ge [sflag:s20], $0x5400  }
0x47: {  	[sflag:s20] =	ssyncset.done $0x0  }
.LBB2_1:
0x48: {  	s29 =	sadd.s32 $0xFFFFFFFF, s29;
	[sflag:s20] =	ssyncadd.s32 $0xFFFFAC00  }
0x49: {  	[spmem:s5], [sflag:s4] =	dma.local [hbm:s3], $0x2800  }
0x4a: {  	p1 =	sne.s32 s29, $0x0;
	_ =	swait.ge [sflag:s6], $0x2800  }
0x4b: {  	[sflag:s6] =	ssyncset.done $0x0  }
0x4c: {  	[sflag:s6] =	ssyncadd.s32 $0xFFFFD800  }
0x4d: {  	[spmem:s8], [sflag:s4] =	dma.local @!p0 [hbm:s7], $0x20  }
0x4e: {  	_ =	swait.ge @!p0 [sflag:s9], $0x20  }
0x4f: {  	[sflag:s9] =	ssyncset.done @!p0 $0x0  }
0x50: {  	[sflag:s9] =	ssyncadd.s32 @!p0 $0xFFFFFFE0  }
0x51: {  	[tilespmem:s2], [sflag:$0x5] =	stream.linear.gather [hbm4b:s10+s2], $0x3F0, $0x38;
	[tilespmem:$0x1EC10] =	vst v63  }
0x52: {  	_ =	swait.ge [sflag:s6], $0x3F0  }
0x53: {  	[sflag:s6] =	ssyncset.done $0x0  }
0x54: {  	[sflag:s6] =	ssyncadd.s32 $0xFFFFFC10  }
0x55: {  	[bflag:$0x0] =	sbarrier.arrive $0xFFFF  }
0x56: {  	[tilespmem:s12], [sflag:$0x1] =	stream.indirect.gather [spmem:s1], $0x80, s2, s11, $0xb8;
	[tilespmem:$0x1EC10] =	vst v63  }
0x57: {  	_ =	swait.ge [sflag:s13], $0x5400  }
0x58: {  	[sflag:s13] =	ssyncset.done $0x0  }
0x59: {  	[sflag:s13] =	ssyncadd.s32 $0xFFFFAC00  }
0x5a: {  	[hbm4b:s14+s2] =	stream.linear.scatter [tilespmem:s12], [sflag:$0x3], $0x5400, $0x38;
	[tilespmem:$0x1EC10] =	vst v63  }
0x5b: {  	_ = 	snop  }
0x5c: {  	[tilespmem:s15], [sflag:$0x2] =	stream.indirect.gather [spmem:s1], $0x80, s11, s11, $0xb8;
	[tilespmem:$0x1EC10] =	vst v63  }
0x5d: {  	_ =	swait.ge [sflag:s16], $0x5400  }
0x5e: {  	[sflag:s16] =	ssyncset.done $0x0  }
0x5f: {  	[sflag:s16] =	ssyncadd.s32 $0xFFFFAC00  }
0x60: {  	[hbm4b:s17+s2] =	stream.linear.scatter [tilespmem:s15], [sflag:$0x4], $0x5400, $0x38;
	[tilespmem:$0x1EC10] =	vst v63  }
0x61: {  	_ =	swait.ge [sflag:s18], $0x5400  }
0x62: {  	[sflag:s18] =	ssyncset.done $0x0  }
0x63: {  	[sflag:s18] =	ssyncadd.s32 $0xFFFFAC00  }
0x64: {  	[tilespmem:s12], [sflag:$0x1] =	stream.indirect.gather [spmem:s1], $0x80, s19, s11, $0xb8;
	[tilespmem:$0x1EC10] =	vst v63  }
0x65: {  	_ =	swait.ge [sflag:s13], $0x5400  }
0x66: {  	[sflag:s13] =	ssyncset.done $0x0  }
0x67: {  	[sflag:s13] =	ssyncadd.s32 $0xFFFFAC00  }
0x68: {  	[hbm4b:s21+s2] =	stream.linear.scatter [tilespmem:s12], [sflag:$0x3], $0x5400, $0x38;
	[tilespmem:$0x1EC10] =	vst v63  }
0x69: {  	_ =	swait.ge [sflag:s20], $0x5400  }
0x6a: {  	[sflag:s20] =	ssyncset.done $0x0  }
0x6b: {  	[sflag:s20] =	ssyncadd.s32 $0xFFFFAC00  }
0x6c: {  	[tilespmem:s15], [sflag:$0x2] =	stream.indirect.gather [spmem:s1], $0x80, s22, s11, $0xb8;
	[tilespmem:$0x1EC10] =	vst v63  }
0x6d: {  	_ =	swait.ge [sflag:s16], $0x5400  }
0x6e: {  	[sflag:s16] =	ssyncset.done $0x0  }
0x6f: {  	[sflag:s16] =	ssyncadd.s32 $0xFFFFAC00  }
0x70: {  	[hbm4b:s23+s2] =	stream.linear.scatter [tilespmem:s15], [sflag:$0x4], $0x5400, $0x38;
	[tilespmem:$0x1EC10] =	vst v63  }
0x71: {  	_ =	swait.ge [sflag:s18], $0x5400  }
0x72: {  	[sflag:s18] =	ssyncset.done $0x0  }
0x73: {  	[sflag:s18] =	ssyncadd.s32 $0xFFFFAC00  }
0x74: {  	[tilespmem:s12], [sflag:$0x1] =	stream.indirect.gather [spmem:s1], $0x80, s24, s11, $0xb8;
	[tilespmem:$0x1EC10] =	vst v63  }
0x75: {  	_ =	swait.ge [sflag:s13], $0x5400  }
0x76: {  	[sflag:s13] =	ssyncset.done $0x0  }
0x77: {  	[sflag:s13] =	ssyncadd.s32 $0xFFFFAC00  }
0x78: {  	[hbm4b:s25+s2] =	stream.linear.scatter [tilespmem:s12], [sflag:$0x3], $0x5400, $0x38;
	[tilespmem:$0x1EC10] =	vst v63  }
0x79: {  	_ =	swait.ge [sflag:s20], $0x5400  }
0x7a: {  	[sflag:s20] =	ssyncset.done $0x0  }
0x7b: {  	[sflag:s20] =	ssyncadd.s32 $0xFFFFAC00  }
0x7c: {  	[tilespmem:s15], [sflag:$0x2] =	stream.indirect.gather [spmem:s1], $0x80, s26, s11, $0xb8;
	[tilespmem:$0x1EC10] =	vst v63  }
0x7d: {  	_ =	swait.ge [sflag:s16], $0x5400  }
0x7e: {  	[sflag:s16] =	ssyncset.done $0x0  }
0x7f: {  	[sflag:s16] =	ssyncadd.s32 $0xFFFFAC00  }
0x80: {  	[hbm4b:s28+s2] =	stream.linear.scatter [tilespmem:s15], [sflag:$0x4], $0x5400, $0x38;
	[tilespmem:$0x1EC10] =	vst v63  }
.Ltmp1:
0x81: {  	_ =	swait.ge [sflag:s18], $0x5400;
	(pc) =	sbr.rel @p1 .LBB2_1-.Ltmp1, $4  }
0x82: {  	[sflag:s18] =	ssyncset.done $0x0  }
0x83: {  	[sflag:s18] =	ssyncadd.s32 $0xFFFFAC00  }
0x84: {  	_ =	swait.ge [sflag:s20], $0x5400  }
0x85: {  	[sflag:s20] =	ssyncset.done $0x0  }
.LBB2_2:
0x86: {  	[sflag:s20] =	ssyncadd.s32 $0xFFFFAC00  }
0x87: {  	_ =	sfence.sel $0x180000  }
0x88: {  	[bflag:$0x0] =	sbarrier.arrive $0xFFFF  }
0x89: {  	_ =	strace $0x9000004D  }
0x8a: {  	s0 =	sadd.s32 @!p0 $0x100000, s0;
	[bflag:$0x2] =	sbarrier.arrive $0xFFFF  }
0x8b: {  	[sflag:s0] =	ssyncadd.tile.s32 @!p0 $0x1;
	_ =	shalt  }
.Lfunc_end2:
_tile_overlayer_lowered:
.L_overlay_start_2:
0x8c: {  	(tag) =	ssettag $0x2  }
0x8d: {  	s0 =	rddreg [dreg:$0x0];
	s2 =	stileid.u32  }
0x8e: {  	s1 =	rddreg [dreg:$0x1];
	p0 =	sne.s32 s2, $0x0  }
0x8f: {  	s3 =	rddreg [dreg:$0x2];
	[bflag:$0x3] =	sbarrier.arrive $0xFFFF;
	s2 =	simm.s32 @!p0 $0x1C05  }
0x90: {  	[timem:s3], [sflag:s2] =	dma.local @!p0 [hbm:s0], s1  }
0x91: {  	s0 =	simm.s32 @!p0 $0x5  }
0x92: {  	_ =	swait.ge @!p0 [sflag:s0], s1  }
0x93: {  	s1 =	ssub.s32 @!p0 $0x0, s1;
	[sflag:s0] =	ssyncset.done @!p0 $0x0  }
0x94: {  	[sflag:s0] =	ssyncadd.s32 @!p0 s1  }
0x95: {  	[bflag:$0x3] =	sbarrier.arrive $0xFFFF  }
0x96: {  	_ =	shalt  }

// kernel: kernel.14.cloned.1.call-start
scs
__scs_entry_jumppad:
0x0: {  	(pc) =	sbr.rel $0x88, $3  }
0x1: {  	(tag) =	ssettag $0x0;
	lr =	simm.s32 $0x1  }
0x2: {  	[smem:$0x3F9C] =	sst lr;
	_ =	strace $0xD0000000  }
0x3: {  	_ = 	snop  }
0x4: {  	_ = 	snop  }
0x5: {  	_ = 	snop  }
0x6: {  	_ = 	snop  }
0x7: {  	_ = 	snop  }
__scs_overlays_trampoline_lowered:
0x8: {  	[smem:$0x3FAB] =	sst s0  }
0x9: {  	[smem:$0x3FAC] =	sst s1  }
0xa: {  	[smem:$0x3FAD] =	sst s2  }
0xb: {  	[smem:$0x3FAE] =	sst s3  }
0xc: {  	[smem:$0x3FAF] =	sst s4  }
0xd: {  	[smem:$0x3FB0] =	sst s5  }
0xe: {  	[smem:$0x3FB1] =	sst s6  }
0xf: {  	[smem:$0x3FB2] =	sst s7  }
0x10: {  	[smem:$0x3FB3] =	sst s8  }
0x11: {  	[smem:$0x3FB4] =	sst s9;
	s0 =	simm.s32 @!p0 $0x0  }
0x12: {  	s1 =	sld [smem:$0x3F9A];
	s0 =	simm.s32 @p0 $0x1  }
0x13: {  	[smem:$0x3FB5] =	sst s0;
	s0 =	simm.s32 @!p1 $0x0  }
0x14: {  	s2 =	sld [smem:$0x3F99];
	s0 =	simm.s32 @p1 $0x1  }
0x15: {  	[smem:$0x3FB6] =	sst s0;
	s0 =	simm.s32 @!p2 $0x0  }
0x16: {  	s3 =	sld [smem:$0x3FDB];
	s0 =	simm.s32 @p2 $0x1  }
0x17: {  	s4 =	simm.s32 $0x1BF5;
	[smem:$0x3FB8] =	sst s0  }
0x18: {  	s0 =	sld [smem:$0x3F9B];
	_ =	swait.ge [sflag:s4], $0x0  }
0x19: {  	s7 =	sld [smem:$0x3F9C]  }
0x1a: {  	s8 =	sadd.s32 $0xFFFFE003, lr  }
0x1b: {  	s9 =	sadd.s32 $0xFFFFFEF7, lr;
	s5 =	simm.s32 $0xFFFFFFFF;
	p2 =	slt.u32 s8, $0xFFFFF086  }
0x1c: {  	p1 =	slt.u32 s9, $0xF7A;
	s5 =	simm.s32 @!p2 $0x0  }
0x1d: {  	s5 =	simm.s32 @p1 $0x1;
	p0 =	seq.s32 s7, s2  }
0x1e: {  	s7 =	smul.u32 @!p0 $0xF7A, s2;
	p2 =	seq.s32 @!p0 s5, $0x0  }
0x1f: {  	s9 =	smul.u32 $0xF7A, s1;
	s8 =	simm.s32 @!p0 $0x1BF5;
	p2 =	por !p2, p0  }
0x20: {  	[sflag:s8] =	ssyncset.s32 @!p0 $0xFFFFF086;
	s6 =	sadd.s32 @!p0 s3, s7;
	s7 =	simm.s32 @!p0 $0x108  }
0x21: {  	s3 =	sadd.s32 s3, s9;
	s6 =	sadd.s32 @!p0 $0x88, s6;
	s7 =	simm.s32 @p2 $0x1082  }
0x22: {  	[simem:s7], [sflag:s8] =	dma.local @!p0 [hbm:s6], $0xF7A  }
0x23: {  	s9 =	sor.u32 $0xD0000000, s2;
	s6 =	simm.s32 $0x108;
	_ =	swait.ge @!p0 [sflag:s8], $0x0  }
0x24: {  	s3 =	sadd.s32 $0x88, s3;
	s6 =	simm.s32 @!p1 $0x1082;
	[sflag:s4] =	ssyncset.s32 $0xFFFFF086  }
0x25: {  	[simem:s6], [sflag:s4] =	dma.local [hbm:s3], $0xF7A  }
0x26: {  	[smem:$0x3F9C] =	sst s1;
	(tag) =	ssettag s2;
	_ =	strace s9  }
0x27: {  	s1 =	sld [smem:$0x3FAC]  }
0x28: {  	s2 =	sld [smem:$0x3FAD]  }
0x29: {  	s4 =	sld [smem:$0x3FAF]  }
0x2a: {  	p0 =	seq.s32 s5, $0x0;
	s5 =	sld [smem:$0x3FB0]  }
0x2b: {  	s6 =	sld [smem:$0x3FB1]  }
0x2c: {  	s7 =	sld [smem:$0x3FB2]  }
0x2d: {  	s3 =	simm.s32 $0x108;
	s8 =	sld [smem:$0x3FB3]  }
0x2e: {  	s3 =	simm.s32 @!p0 $0x1082;
	s9 =	sld [smem:$0x3FB4]  }
0x2f: {  	lr =	sadd.s32 s0, s3;
	s0 =	sld [smem:$0x3FAB]  }
0x30: {  	s3 =	sld [smem:$0x3FAE]  }
0x31: {  	[smem:$0x3FB7] =	sst s10  }
0x32: {  	s10 =	sld [smem:$0x3FB5];
	_ =	sdelay $0x3  }
0x33: {  	p0 =	seq.s32 s10, $0x1;
	s10 =	sld [smem:$0x3FB7];
	_ =	sdelay $0x3  }
0x34: {  	[smem:$0x3FB7] =	sst s10  }
0x35: {  	s10 =	sld [smem:$0x3FB6];
	_ =	sdelay $0x3  }
0x36: {  	p1 =	seq.s32 s10, $0x1;
	s10 =	sld [smem:$0x3FB7];
	_ =	sdelay $0x3  }
0x37: {  	[smem:$0x3FB7] =	sst s10  }
0x38: {  	s10 =	sld [smem:$0x3FB8]  }
0x39: {  	_ = 	snop;
	(pc) =	sbr.ind lr, $3  }
0x3a: {  	_ = 	snop  }
0x3b: {  	_ = 	snop  }
0x3c: {  	p2 =	seq.s32 s10, $0x1;
	s10 =	sld [smem:$0x3FB7]  }
0x3d: {  	_ =	shalt  }
0x3e: {  	_ =	shalt  }
0x3f: {  	_ =	shalt  }
0x40: {  	_ =	shalt  }
0x41: {  	_ =	shalt  }
0x42: {  	_ =	shalt  }
0x43: {  	_ =	shalt  }
0x44: {  	_ =	shalt  }
0x45: {  	_ =	shalt  }
0x46: {  	_ =	shalt  }
0x47: {  	_ =	shalt  }
0x48: {  	_ =	shalt  }
0x49: {  	_ =	shalt  }
0x4a: {  	_ =	shalt  }
0x4b: {  	_ =	shalt  }
0x4c: {  	_ =	shalt  }
0x4d: {  	_ =	shalt  }
0x4e: {  	_ =	shalt  }
0x4f: {  	_ =	shalt  }
0x50: {  	_ =	shalt  }
0x51: {  	_ =	shalt  }
0x52: {  	_ =	shalt  }
0x53: {  	_ =	shalt  }
0x54: {  	_ =	shalt  }
0x55: {  	_ =	shalt  }
0x56: {  	_ =	shalt  }
0x57: {  	_ =	shalt  }
0x58: {  	_ =	shalt  }
0x59: {  	_ =	shalt  }
0x5a: {  	_ =	shalt  }
0x5b: {  	_ =	shalt  }
0x5c: {  	_ =	shalt  }
0x5d: {  	_ =	shalt  }
0x5e: {  	_ =	shalt  }
0x5f: {  	_ =	shalt  }
0x60: {  	_ =	shalt  }
0x61: {  	_ =	shalt  }
0x62: {  	_ =	shalt  }
0x63: {  	_ =	shalt  }
0x64: {  	_ =	shalt  }
0x65: {  	_ =	shalt  }
0x66: {  	_ =	shalt  }
0x67: {  	_ =	shalt  }
0x68: {  	_ =	shalt  }
0x69: {  	_ =	shalt  }
0x6a: {  	_ =	shalt  }
0x6b: {  	_ =	shalt  }
0x6c: {  	_ =	shalt  }
0x6d: {  	_ =	shalt  }
0x6e: {  	_ =	shalt  }
0x6f: {  	_ =	shalt  }
0x70: {  	_ =	shalt  }
0x71: {  	_ =	shalt  }
0x72: {  	_ =	shalt  }
0x73: {  	_ =	shalt  }
0x74: {  	_ =	shalt  }
0x75: {  	_ =	shalt  }
0x76: {  	_ =	shalt  }
0x77: {  	_ =	shalt  }
0x78: {  	_ =	shalt  }
0x79: {  	_ =	shalt  }
0x7a: {  	_ =	shalt  }
0x7b: {  	_ =	shalt  }
0x7c: {  	_ =	shalt  }
0x7d: {  	_ =	shalt  }
0x7e: {  	_ =	shalt  }
0x7f: {  	_ =	shalt  }
0x80: {  	_ =	shalt  }
0x81: {  	_ =	shalt  }
0x82: {  	_ =	shalt  }
0x83: {  	_ =	shalt  }
0x84: {  	_ =	shalt  }
0x85: {  	_ =	shalt  }
0x86: {  	_ =	shalt  }
0x87: {  	_ =	shalt  }
.Lfunc_end0:
.L_simem_size_0:
called_computation.2_lowered:
.L_overlay_start_0:
0x88: {  	s2 =	sld [smem:$0x3FD9]  }
0x89: {  	s3 =	sld [smem:$0x3FFE];
	_ =	sdelay $0x1  }
0x8a: {  	s1 =	srdreg.scid  }
0x8b: {  	s0 =	sand.u32 $0x1, s1  }
0x8c: {  	s17 =	sshll.u32 s0, $0xA;
	s2 =	sadd.s32 s3, s2  }
0x8d: {  	s2 =	sadd.s32 s2, s17  }
0x8e: {  	[smem:$0x3FC3] =	sst s2  }
0x8f: {  	_ = 	snop  }
0x90: {  	s18 =	sld [smem:$0x3FD0];
	(tm) =	ssettm $0x1  }
0x91: {  	s19 =	sld [smem:$0x3FFB];
	_ =	sdelay $0x3  }
0x92: {  	_ =	strace s19  }
0x93: {  	s2 =	sld [smem:$0x3FFC];
	_ =	sdelay $0x3  }
0x94: {  	_ =	strace s2  }
0x95: {  	s2 =	sld [smem:$0x3FFD];
	_ =	sdelay $0x3  }
0x96: {  	_ =	strace s2  }
0x97: {  	_ =	strace $0x8FFFFFFF  }
0x98: {  	s20 =	sld [smem:$0x3FDB];
	_ =	sdelay $0x1  }
0x99: {  	s4 =	simm.s32 $_scs_section_size  }
0x9a: {  	s5 =	simm.s32 $_size__tile_overlayer_lowered;
	s6 =	simm.s32 $_tile_overlayer_lowered  }
0x9b: {  	s7 =	simm.s32 $0x1BFF;
	s21 =	sshll.u32 s6, $0x1;
	s4 =	sadd.s32 s4, s20  }
0x9c: {  	s22 =	simm.s32 $0x0;
	s5 =	sshll.u32 s5, $0x1;
	s6 =	sadd.s32 s21, s4  }
0x9d: {  	[timem:s22], [sflag:s7] =	dma.local [hbm:s6], s5  }
0x9e: {  	_ =	swait.ge [sflag:s7], s5  }
0x9f: {  	s5 =	ssub.s32 $0x0, s5;
	[sflag:s7] =	ssyncset.done $0x0  }
0xa0: {  	[sflag:s7] =	ssyncadd.s32 s5;
	_ =	sdelay $0x1  }
0xa1: {  	s23 =	simm.s32 $0x1B8B  }
0xa2: {  	_ =	swait.ge [sflag:s23], $0x1  }
0xa3: {  	[sflag:s23] =	ssyncset.done $0x0  }
0xa4: {  	[sflag:s23] =	ssyncadd.s32 $0xFFFFFFFF  }
0xa5: {  	s5 =	sld [smem:$0x0]  }
0xa6: {  	s6 =	sand.u32 $0xFFFFFFFE, s1  }
0xa7: {  	p0 =	sne.s32 s1, s6  }
0xa8: {  	s6 =	sshll.u32 @p0 s6, $0xE  }
0xa9: {  	s6 =	sadd.s32 @p0 $0x11B8D, s6;
	s7 =	sshll.u32 @p0 s5, $0x11  }
0xaa: {  	s6 =	sor.u32 @p0 s7, s6  }
0xab: {  	[sflag:s6] =	ssyncadd.remote.s32 @p0 $0x1;
	_ =	sdelay $0x1  }
0xac: {  	s6 =	simm.s32 @p0 $0x1B8D  }
0xad: {  	_ =	swait.eq @p0 [sflag:s6], $0x1  }
0xae: {  	[sflag:s6] =	ssyncadd.s32 @p0 $0xFFFFFFFF  }
0xaf: {  	s7 =	sshll.u32 @!p0 s1, $0xE  }
0xb0: {  	s7 =	sor.u32 @!p0 $0x4000, s7;
	s6 =	simm.s32 @!p0 $0x1B8D  }
0xb1: {  	s5 =	sshll.u32 @!p0 s5, $0x11;
	s7 =	sadd.s32 @!p0 $0x11B8D, s7;
	_ =	swait.eq @!p0 [sflag:s6], $0x1  }
0xb2: {  	s5 =	sor.u32 @!p0 s5, s7;
	[sflag:s6] =	ssyncadd.s32 @!p0 $0xFFFFFFFF  }
0xb3: {  	s25 =	simm.s32 $0x1B8E;
	s24 =	sld [smem:$0x3FFE];
	[sflag:s5] =	ssyncadd.remote.s32 @!p0 $0x1  }
0xb4: {  	s26 =	simm.s32 $execute0_lowered;
	[smem:$0x3FD2] =	sst s25  }
0xb5: {  	s6 =	sshll.u32 s26, $0x1;
	_ =	strace $0x80000049;
	[dreg:$0x1] =	wrdreg $0xFFFFFFFF  }
0xb6: {  	s28 =	simm.s32 $_size_execute0_lowered;
	s4 =	sadd.s32 s4, s6;
	[dreg:$0x0] =	wrdreg $0x0  }
0xb7: {  	s6 =	sshll.u32 s28, $0x1;
	[dreg:$0x2] =	wrdreg s4  }
0xb8: {  	[dreg:$0x3] =	wrdreg s6  }
0xb9: {  	[dreg:$0x4] =	wrdreg $0xC0  }
0xba: {  	_ =	task [dreg:s22], $0x5FFFF  }
0xbb: {  	[dreg:$0x1] =	wrdreg $0xFFFFFFFF  }
0xbc: {  	[dreg:$0x0] =	wrdreg $0x60  }
0xbd: {  	[dreg:$0x2] =	wrdreg s18  }
0xbe: {  	[dreg:$0x3] =	wrdreg s24  }
0xbf: {  	[dreg:$0x4] =	wrdreg $0xAC000  }
0xc0: {  	[dreg:$0x5] =	wrdreg $0xB  }
0xc1: {  	_ =	task.clear_ibuf [dreg:s22], $0x6FFFF;
	_ =	strace $0x90000049  }
0xc2: {  	s29 =	simm.s32 $0xB;
	_ =	strace $0x8000004B  }
0xc3: {  	_ =	swait.ge [sflag:s29], $0x1  }
0xc4: {  	[sflag:s29] =	ssyncadd.s32 $0xFFFFFFFF  }
0xc5: {  	_ =	strace $0x9000004B  }
0xc6: {  	_ =	sfence  }
0xc7: {  	s30 =	sld [smem:$0x0];
	_ =	sdelay $0x2  }
0xc8: {  	s31 =	sshll.u32 s1, $0xD;
	s1 =	sshrl.u32 s1, $0x2  }
0xc9: {  	s4 =	sand.u32 $0x4000, s31;
	s1 =	sadd.s32 s1, s30  }
0xca: {  	s0 =	sor.u32 s4, s0;
	s1 =	sshll.u32 s1, $0x11  }
0xcb: {  	s0 =	sor.u32 s1, s0  }
0xcc: {  	s0 =	sadd.s32 $0x8F2B, s0  }
0xcd: {  	[sflag:s0] =	ssyncadd.remote.s32 $0x1  }
0xce: {  	_ =	sfence.sel $0xFFFF  }
0xcf: {  	[dreg:$0x0] =	wrdreg $0xFFFFFFFF;
	(pc) =	sbr.abs _section_cstart, $3  }
0xd0: {  	[dreg:$0x1] =	wrdreg $0xFFFFFFFF  }
0xd1: {  	_ =	task.clear_ibuf [dreg:s22], $0x2FFFF;
	_ =	strace $0x9FFFFFFF  }
0xd2: {  	(tm) =	ssettm $0x7FFFFFFF  }
0xd3: {  	_ =	shalt  }
tec
execute0_lowered:
.L_overlay_start_1:
0x0: {  	(tag) =	ssettag $0x1  }
0x1: {  	s7 =	rddreg [dreg:$0x0]  }
0x2: {  	s14 =	rddreg [dreg:$0x1]  }
0x3: {  	s1 =	rddreg [dreg:$0x2]  }
0x4: {  	s0 =	rddreg [dreg:$0x3]  }
0x5: {  	s2 =	simm.s32 $0x0;
	s8 =	stileid.u32;
	s3 =	srdreg.scid  }
0x6: {  	[smem:$0x7FF] =	sst s2;
	s4 =	smul.u32 $0x50000, s8  }
0x7: {  	s28 =	sand.u32 $0x1, s3;
	s26 =	sshll.u32 s8, $0x1;
	s5 =	smul.u32 $0x2800, s8  }
0x8: {  	s31 =	sshll.u32 s8, $0x6;
	s9 =	sadd.s32 $0x140000, s1;
	s30 =	sshrl.u32 s4, $0x2  }
0x9: {  	_ =	strace $0x8000004A;
	s3 =	sadd.s32 s7, s5;
	s6 =	sadd.s32 s30, s1  }
0xa: {  	s4 =	sor.u32 $0x1C05, s31;
	s5 =	sshrl.u32 s6, $0x3;
	s6 =	simm.s32 $0x5  }
0xb: {  	[spmem:s5], [sflag:s4] =	dma.local [hbm:s3], $0x2800  }
0xc: {  	p0 =	sne.s32 s8, $0x0;
	s15 =	sor.u32 s28, s26;
	_ =	swait.ge [sflag:s6], $0x2800  }
0xd: {  	s8 =	sshrl.u32 @!p0 s9, $0x3;
	s9 =	simm.s32 @!p0 $0x5;
	[sflag:s6] =	ssyncset.done $0x0  }
0xe: {  	s10 =	smul.u32 $0x7E, s15;
	s7 =	sadd.s32 $0x28000, s7;
	[sflag:s6] =	ssyncadd.s32 $0xFFFFD800  }
0xf: {  	[spmem:s8], [sflag:s4] =	dma.local @!p0 [hbm:s7], $0x20  }
0x10: {  	_ =	swait.ge @!p0 [sflag:s9], $0x20  }
0x11: {  	s10 =	sadd.s32 s10, s14;
	[sflag:s9] =	ssyncset.done @!p0 $0x0  }
0x12: {  	s10 =	sadd.s32 $0x81200, s10;
	[sflag:s9] =	ssyncadd.s32 @!p0 $0xFFFFFFE0  }
0x13: {  	[tilespmem:s2], [sflag:$0x5] =	stream.linear.gather [hbm4b:s10+s2], $0x3F0, $0x38;
	[tilespmem:$0x1EC10] =	vst v63  }
0x14: {  	_ =	swait.ge [sflag:s6], $0x3F0  }
0x15: {  	[sflag:s6] =	ssyncset.done $0x0  }
0x16: {  	s11 =	simm.s32 $0xA8;
	[sflag:s6] =	ssyncadd.s32 $0xFFFFFC10  }
0x17: {  	s12 =	simm.s32 $0x400;
	s13 =	simm.s32 $0x1;
	[bflag:$0x0] =	sbarrier.arrive $0xFFFF  }
0x18: {  	[tilespmem:s12], [sflag:$0x1] =	stream.indirect.gather [spmem:s1], $0x80, s2, s11, $0xb8;
	[tilespmem:$0x1EC10] =	vst v63  }
0x19: {  	s16 =	smul.u32 $0x3F00, s15;
	_ =	swait.ge [sflag:s13], $0x5400  }
0x1a: {  	s17 =	sadd.s32 $0x82200, s14;
	[sflag:s13] =	ssyncset.done $0x0  }
0x1b: {  	s14 =	sadd.s32 s17, s16;
	[sflag:s13] =	ssyncadd.s32 $0xFFFFAC00  }
0x1c: {  	[hbm4b:s14+s2] =	stream.linear.scatter [tilespmem:s12], [sflag:$0x3], $0x5400, $0x38;
	[tilespmem:$0x1EC10] =	vst v63  }
0x1d: {  	s18 =	smul.u32 $0x1F800, s15;
	s15 =	simm.s32 $0x5800;
	s16 =	simm.s32 $0x2  }
0x1e: {  	[tilespmem:s15], [sflag:$0x2] =	stream.indirect.gather [spmem:s1], $0x80, s11, s11, $0xb8;
	[tilespmem:$0x1EC10] =	vst v63  }
0x1f: {  	s18 =	sshrl.u32 s18, $0x3;
	_ =	swait.ge [sflag:s16], $0x5400  }
0x20: {  	s29 =	sadd.s32 s17, s18;
	[sflag:s16] =	ssyncset.done $0x0  }
0x21: {  	s18 =	simm.s32 $0x3;
	s17 =	sadd.s32 $0xA80, s29;
	[sflag:s16] =	ssyncadd.s32 $0xFFFFAC00  }
0x22: {  	[hbm4b:s17+s2] =	stream.linear.scatter [tilespmem:s15], [sflag:$0x4], $0x5400, $0x38;
	[tilespmem:$0x1EC10] =	vst v63  }
0x23: {  	_ =	swait.ge [sflag:s18], $0x5400  }
0x24: {  	[sflag:s18] =	ssyncset.done $0x0  }
0x25: {  	s19 =	simm.s32 $0x150;
	[sflag:s18] =	ssyncadd.s32 $0xFFFFAC00  }
0x26: {  	[tilespmem:s12], [sflag:$0x1] =	stream.indirect.gather [spmem:s1], $0x80, s19, s11, $0xb8;
	[tilespmem:$0x1EC10] =	vst v63  }
0x27: {  	_ =	swait.ge [sflag:s13], $0x5400  }
0x28: {  	[sflag:s13] =	ssyncset.done $0x0  }
0x29: {  	s20 =	simm.s32 $0x4;
	s21 =	sadd.s32 $0x1500, s29;
	[sflag:s13] =	ssyncadd.s32 $0xFFFFAC00  }
0x2a: {  	[hbm4b:s21+s2] =	stream.linear.scatter [tilespmem:s12], [sflag:$0x3], $0x5400, $0x38;
	[tilespmem:$0x1EC10] =	vst v63  }
0x2b: {  	_ =	swait.ge [sflag:s20], $0x5400  }
0x2c: {  	[sflag:s20] =	ssyncset.done $0x0  }
0x2d: {  	s22 =	simm.s32 $0x1F8;
	[sflag:s20] =	ssyncadd.s32 $0xFFFFAC00  }
0x2e: {  	[tilespmem:s15], [sflag:$0x2] =	stream.indirect.gather [spmem:s1], $0x80, s22, s11, $0xb8;
	[tilespmem:$0x1EC10] =	vst v63  }
0x2f: {  	_ =	swait.ge [sflag:s16], $0x5400  }
0x30: {  	[sflag:s16] =	ssyncset.done $0x0  }
0x31: {  	s23 =	sadd.s32 $0x1F80, s29;
	[sflag:s16] =	ssyncadd.s32 $0xFFFFAC00  }
0x32: {  	[hbm4b:s23+s2] =	stream.linear.scatter [tilespmem:s15], [sflag:$0x4], $0x5400, $0x38;
	[tilespmem:$0x1EC10] =	vst v63  }
0x33: {  	_ =	swait.ge [sflag:s18], $0x5400  }
0x34: {  	[sflag:s18] =	ssyncset.done $0x0  }
0x35: {  	s24 =	simm.s32 $0x2A0;
	[sflag:s18] =	ssyncadd.s32 $0xFFFFAC00  }
0x36: {  	[tilespmem:s12], [sflag:$0x1] =	stream.indirect.gather [spmem:s1], $0x80, s24, s11, $0xb8;
	[tilespmem:$0x1EC10] =	vst v63  }
0x37: {  	_ =	swait.ge [sflag:s13], $0x5400  }
0x38: {  	[sflag:s13] =	ssyncset.done $0x0  }
0x39: {  	s25 =	sadd.s32 $0x2A00, s29;
	[sflag:s13] =	ssyncadd.s32 $0xFFFFAC00  }
0x3a: {  	[hbm4b:s25+s2] =	stream.linear.scatter [tilespmem:s12], [sflag:$0x3], $0x5400, $0x38;
	[tilespmem:$0x1EC10] =	vst v63  }
0x3b: {  	s30 =	ssub.s32 $0x2, s28;
	_ =	swait.ge [sflag:s20], $0x5400  }
0x3c: {  	s28 =	sadd.s32 $0x3480, s29;
	s29 =	sshrl.u32 s30, $0x1;
	[sflag:s20] =	ssyncset.done $0x0  }
0x3d: {  	s26 =	simm.s32 $0x348;
	s29 =	ssub.s32 s30, s29;
	[sflag:s20] =	ssyncadd.s32 $0xFFFFAC00  }
0x3e: {  	[tilespmem:s15], [sflag:$0x2] =	stream.indirect.gather [spmem:s1], $0x80, s26, s11, $0xb8;
	[tilespmem:$0x1EC10] =	vst v63  }
0x3f: {  	s29 =	smax.u32 s29, $0x1;
	_ =	swait.ge [sflag:s16], $0x5400  }
0x40: {  	s29 =	sadd.s32 $0xFFFFFFFF, s29;
	[sflag:s16] =	ssyncset.done $0x0  }
0x41: {  	p1 =	sne.s32 s29, $0x0;
	[sflag:s16] =	ssyncadd.s32 $0xFFFFAC00  }
0x42: {  	[hbm4b:s28+s2] =	stream.linear.scatter [tilespmem:s15], [sflag:$0x4], $0x5400, $0x38;
	[tilespmem:$0x1EC10] =	vst v63  }
.Ltmp0:
0x43: {  	_ =	swait.ge [sflag:s18], $0x5400;
	(pc) =	sbr.rel @!p1 .LBB2_2-.Ltmp0, $4  }
0x44: {  	[sflag:s18] =	ssyncset.done $0x0  }
0x45: {  	[sflag:s18] =	ssyncadd.s32 $0xFFFFAC00  }
0x46: {  	_ =	swait.ge [sflag:s20], $0x5400  }
0x47: {  	[sflag:s20] =	ssyncset.done $0x0  }
.LBB2_1:
0x48: {  	s29 =	sadd.s32 $0xFFFFFFFF, s29;
	[sflag:s20] =	ssyncadd.s32 $0xFFFFAC00  }
0x49: {  	[spmem:s5], [sflag:s4] =	dma.local [hbm:s3], $0x2800  }
0x4a: {  	p1 =	sne.s32 s29, $0x0;
	_ =	swait.ge [sflag:s6], $0x2800  }
0x4b: {  	[sflag:s6] =	ssyncset.done $0x0  }
0x4c: {  	[sflag:s6] =	ssyncadd.s32 $0xFFFFD800  }
0x4d: {  	[spmem:s8], [sflag:s4] =	dma.local @!p0 [hbm:s7], $0x20  }
0x4e: {  	_ =	swait.ge @!p0 [sflag:s9], $0x20  }
0x4f: {  	[sflag:s9] =	ssyncset.done @!p0 $0x0  }
0x50: {  	[sflag:s9] =	ssyncadd.s32 @!p0 $0xFFFFFFE0  }
0x51: {  	[tilespmem:s2], [sflag:$0x5] =	stream.linear.gather [hbm4b:s10+s2], $0x3F0, $0x38;
	[tilespmem:$0x1EC10] =	vst v63  }
0x52: {  	_ =	swait.ge [sflag:s6], $0x3F0  }
0x53: {  	[sflag:s6] =	ssyncset.done $0x0  }
0x54: {  	[sflag:s6] =	ssyncadd.s32 $0xFFFFFC10  }
0x55: {  	[bflag:$0x0] =	sbarrier.arrive $0xFFFF  }
0x56: {  	[tilespmem:s12], [sflag:$0x1] =	stream.indirect.gather [spmem:s1], $0x80, s2, s11, $0xb8;
	[tilespmem:$0x1EC10] =	vst v63  }
0x57: {  	_ =	swait.ge [sflag:s13], $0x5400  }
0x58: {  	[sflag:s13] =	ssyncset.done $0x0  }
0x59: {  	[sflag:s13] =	ssyncadd.s32 $0xFFFFAC00  }
0x5a: {  	[hbm4b:s14+s2] =	stream.linear.scatter [tilespmem:s12], [sflag:$0x3], $0x5400, $0x38;
	[tilespmem:$0x1EC10] =	vst v63  }
0x5b: {  	_ = 	snop  }
0x5c: {  	[tilespmem:s15], [sflag:$0x2] =	stream.indirect.gather [spmem:s1], $0x80, s11, s11, $0xb8;
	[tilespmem:$0x1EC10] =	vst v63  }
0x5d: {  	_ =	swait.ge [sflag:s16], $0x5400  }
0x5e: {  	[sflag:s16] =	ssyncset.done $0x0  }
0x5f: {  	[sflag:s16] =	ssyncadd.s32 $0xFFFFAC00  }
0x60: {  	[hbm4b:s17+s2] =	stream.linear.scatter [tilespmem:s15], [sflag:$0x4], $0x5400, $0x38;
	[tilespmem:$0x1EC10] =	vst v63  }
0x61: {  	_ =	swait.ge [sflag:s18], $0x5400  }
0x62: {  	[sflag:s18] =	ssyncset.done $0x0  }
0x63: {  	[sflag:s18] =	ssyncadd.s32 $0xFFFFAC00  }
0x64: {  	[tilespmem:s12], [sflag:$0x1] =	stream.indirect.gather [spmem:s1], $0x80, s19, s11, $0xb8;
	[tilespmem:$0x1EC10] =	vst v63  }
0x65: {  	_ =	swait.ge [sflag:s13], $0x5400  }
0x66: {  	[sflag:s13] =	ssyncset.done $0x0  }
0x67: {  	[sflag:s13] =	ssyncadd.s32 $0xFFFFAC00  }
0x68: {  	[hbm4b:s21+s2] =	stream.linear.scatter [tilespmem:s12], [sflag:$0x3], $0x5400, $0x38;
	[tilespmem:$0x1EC10] =	vst v63  }
0x69: {  	_ =	swait.ge [sflag:s20], $0x5400  }
0x6a: {  	[sflag:s20] =	ssyncset.done $0x0  }
0x6b: {  	[sflag:s20] =	ssyncadd.s32 $0xFFFFAC00  }
0x6c: {  	[tilespmem:s15], [sflag:$0x2] =	stream.indirect.gather [spmem:s1], $0x80, s22, s11, $0xb8;
	[tilespmem:$0x1EC10] =	vst v63  }
0x6d: {  	_ =	swait.ge [sflag:s16], $0x5400  }
0x6e: {  	[sflag:s16] =	ssyncset.done $0x0  }
0x6f: {  	[sflag:s16] =	ssyncadd.s32 $0xFFFFAC00  }
0x70: {  	[hbm4b:s23+s2] =	stream.linear.scatter [tilespmem:s15], [sflag:$0x4], $0x5400, $0x38;
	[tilespmem:$0x1EC10] =	vst v63  }
0x71: {  	_ =	swait.ge [sflag:s18], $0x5400  }
0x72: {  	[sflag:s18] =	ssyncset.done $0x0  }
0x73: {  	[sflag:s18] =	ssyncadd.s32 $0xFFFFAC00  }
0x74: {  	[tilespmem:s12], [sflag:$0x1] =	stream.indirect.gather [spmem:s1], $0x80, s24, s11, $0xb8;
	[tilespmem:$0x1EC10] =	vst v63  }
0x75: {  	_ =	swait.ge [sflag:s13], $0x5400  }
0x76: {  	[sflag:s13] =	ssyncset.done $0x0  }
0x77: {  	[sflag:s13] =	ssyncadd.s32 $0xFFFFAC00  }
0x78: {  	[hbm4b:s25+s2] =	stream.linear.scatter [tilespmem:s12], [sflag:$0x3], $0x5400, $0x38;
	[tilespmem:$0x1EC10] =	vst v63  }
0x79: {  	_ =	swait.ge [sflag:s20], $0x5400  }
0x7a: {  	[sflag:s20] =	ssyncset.done $0x0  }
0x7b: {  	[sflag:s20] =	ssyncadd.s32 $0xFFFFAC00  }
0x7c: {  	[tilespmem:s15], [sflag:$0x2] =	stream.indirect.gather [spmem:s1], $0x80, s26, s11, $0xb8;
	[tilespmem:$0x1EC10] =	vst v63  }
0x7d: {  	_ =	swait.ge [sflag:s16], $0x5400  }
0x7e: {  	[sflag:s16] =	ssyncset.done $0x0  }
0x7f: {  	[sflag:s16] =	ssyncadd.s32 $0xFFFFAC00  }
0x80: {  	[hbm4b:s28+s2] =	stream.linear.scatter [tilespmem:s15], [sflag:$0x4], $0x5400, $0x38;
	[tilespmem:$0x1EC10] =	vst v63  }
.Ltmp1:
0x81: {  	_ =	swait.ge [sflag:s18], $0x5400;
	(pc) =	sbr.rel @p1 .LBB2_1-.Ltmp1, $4  }
0x82: {  	[sflag:s18] =	ssyncset.done $0x0  }
0x83: {  	[sflag:s18] =	ssyncadd.s32 $0xFFFFAC00  }
0x84: {  	_ =	swait.ge [sflag:s20], $0x5400  }
0x85: {  	[sflag:s20] =	ssyncset.done $0x0  }
.LBB2_2:
0x86: {  	[sflag:s20] =	ssyncadd.s32 $0xFFFFAC00  }
0x87: {  	_ =	sfence.sel $0x180000  }
0x88: {  	[bflag:$0x0] =	sbarrier.arrive $0xFFFF  }
0x89: {  	_ =	strace $0x9000004A  }
0x8a: {  	s0 =	sadd.s32 @!p0 $0x100000, s0;
	[bflag:$0x2] =	sbarrier.arrive $0xFFFF  }
0x8b: {  	[sflag:s0] =	ssyncadd.tile.s32 @!p0 $0x1;
	_ =	shalt  }
.Lfunc_end2:
_tile_overlayer_lowered:
.L_overlay_start_2:
0x8c: {  	(tag) =	ssettag $0x2  }
0x8d: {  	s0 =	rddreg [dreg:$0x0];
	s2 =	stileid.u32  }
0x8e: {  	s1 =	rddreg [dreg:$0x1];
	p0 =	sne.s32 s2, $0x0  }
0x8f: {  	s3 =	rddreg [dreg:$0x2];
	[bflag:$0x3] =	sbarrier.arrive $0xFFFF;
	s2 =	simm.s32 @!p0 $0x1C05  }
0x90: {  	[timem:s3], [sflag:s2] =	dma.local @!p0 [hbm:s0], s1  }
0x91: {  	s0 =	simm.s32 @!p0 $0x5  }
0x92: {  	_ =	swait.ge @!p0 [sflag:s0], s1  }
0x93: {  	s1 =	ssub.s32 @!p0 $0x0, s1;
	[sflag:s0] =	ssyncset.done @!p0 $0x0  }
0x94: {  	[sflag:s0] =	ssyncadd.s32 @!p0 s1  }
0x95: {  	[bflag:$0x3] =	sbarrier.arrive $0xFFFF  }
0x96: {  	_ =	shalt  }

// kernel: kernel.8.cloned.1.call-start
scs
__scs_entry_jumppad:
0x0: {  	(pc) =	sbr.rel $0x88, $3  }
0x1: {  	(tag) =	ssettag $0x0;
	lr =	simm.s32 $0x1  }
0x2: {  	[smem:$0x3F9C] =	sst lr;
	_ =	strace $0xD0000000  }
0x3: {  	_ = 	snop  }
0x4: {  	_ = 	snop  }
0x5: {  	_ = 	snop  }
0x6: {  	_ = 	snop  }
0x7: {  	_ = 	snop  }
__scs_overlays_trampoline_lowered:
0x8: {  	[smem:$0x3FAB] =	sst s0  }
0x9: {  	[smem:$0x3FAC] =	sst s1  }
0xa: {  	[smem:$0x3FAD] =	sst s2  }
0xb: {  	[smem:$0x3FAE] =	sst s3  }
0xc: {  	[smem:$0x3FAF] =	sst s4  }
0xd: {  	[smem:$0x3FB0] =	sst s5  }
0xe: {  	[smem:$0x3FB1] =	sst s6  }
0xf: {  	[smem:$0x3FB2] =	sst s7  }
0x10: {  	[smem:$0x3FB3] =	sst s8  }
0x11: {  	[smem:$0x3FB4] =	sst s9;
	s0 =	simm.s32 @!p0 $0x0  }
0x12: {  	s1 =	sld [smem:$0x3F9A];
	s0 =	simm.s32 @p0 $0x1  }
0x13: {  	[smem:$0x3FB5] =	sst s0;
	s0 =	simm.s32 @!p1 $0x0  }
0x14: {  	s2 =	sld [smem:$0x3F99];
	s0 =	simm.s32 @p1 $0x1  }
0x15: {  	[smem:$0x3FB6] =	sst s0;
	s0 =	simm.s32 @!p2 $0x0  }
0x16: {  	s3 =	sld [smem:$0x3FDB];
	s0 =	simm.s32 @p2 $0x1  }
0x17: {  	s4 =	simm.s32 $0x1BF5;
	[smem:$0x3FB8] =	sst s0  }
0x18: {  	s0 =	sld [smem:$0x3F9B];
	_ =	swait.ge [sflag:s4], $0x0  }
0x19: {  	s7 =	sld [smem:$0x3F9C]  }
0x1a: {  	s8 =	sadd.s32 $0xFFFFE003, lr  }
0x1b: {  	s9 =	sadd.s32 $0xFFFFFEF7, lr;
	s5 =	simm.s32 $0xFFFFFFFF;
	p2 =	slt.u32 s8, $0xFFFFF086  }
0x1c: {  	p1 =	slt.u32 s9, $0xF7A;
	s5 =	simm.s32 @!p2 $0x0  }
0x1d: {  	s5 =	simm.s32 @p1 $0x1;
	p0 =	seq.s32 s7, s2  }
0x1e: {  	s7 =	smul.u32 @!p0 $0xF7A, s2;
	p2 =	seq.s32 @!p0 s5, $0x0  }
0x1f: {  	s9 =	smul.u32 $0xF7A, s1;
	s8 =	simm.s32 @!p0 $0x1BF5;
	p2 =	por !p2, p0  }
0x20: {  	[sflag:s8] =	ssyncset.s32 @!p0 $0xFFFFF086;
	s6 =	sadd.s32 @!p0 s3, s7;
	s7 =	simm.s32 @!p0 $0x108  }
0x21: {  	s3 =	sadd.s32 s3, s9;
	s6 =	sadd.s32 @!p0 $0x88, s6;
	s7 =	simm.s32 @p2 $0x1082  }
0x22: {  	[simem:s7], [sflag:s8] =	dma.local @!p0 [hbm:s6], $0xF7A  }
0x23: {  	s9 =	sor.u32 $0xD0000000, s2;
	s6 =	simm.s32 $0x108;
	_ =	swait.ge @!p0 [sflag:s8], $0x0  }
0x24: {  	s3 =	sadd.s32 $0x88, s3;
	s6 =	simm.s32 @!p1 $0x1082;
	[sflag:s4] =	ssyncset.s32 $0xFFFFF086  }
0x25: {  	[simem:s6], [sflag:s4] =	dma.local [hbm:s3], $0xF7A  }
0x26: {  	[smem:$0x3F9C] =	sst s1;
	(tag) =	ssettag s2;
	_ =	strace s9  }
0x27: {  	s1 =	sld [smem:$0x3FAC]  }
0x28: {  	s2 =	sld [smem:$0x3FAD]  }
0x29: {  	s4 =	sld [smem:$0x3FAF]  }
0x2a: {  	p0 =	seq.s32 s5, $0x0;
	s5 =	sld [smem:$0x3FB0]  }
0x2b: {  	s6 =	sld [smem:$0x3FB1]  }
0x2c: {  	s7 =	sld [smem:$0x3FB2]  }
0x2d: {  	s3 =	simm.s32 $0x108;
	s8 =	sld [smem:$0x3FB3]  }
0x2e: {  	s3 =	simm.s32 @!p0 $0x1082;
	s9 =	sld [smem:$0x3FB4]  }
0x2f: {  	lr =	sadd.s32 s0, s3;
	s0 =	sld [smem:$0x3FAB]  }
0x30: {  	s3 =	sld [smem:$0x3FAE]  }
0x31: {  	[smem:$0x3FB7] =	sst s10  }
0x32: {  	s10 =	sld [smem:$0x3FB5];
	_ =	sdelay $0x3  }
0x33: {  	p0 =	seq.s32 s10, $0x1;
	s10 =	sld [smem:$0x3FB7];
	_ =	sdelay $0x3  }
0x34: {  	[smem:$0x3FB7] =	sst s10  }
0x35: {  	s10 =	sld [smem:$0x3FB6];
	_ =	sdelay $0x3  }
0x36: {  	p1 =	seq.s32 s10, $0x1;
	s10 =	sld [smem:$0x3FB7];
	_ =	sdelay $0x3  }
0x37: {  	[smem:$0x3FB7] =	sst s10  }
0x38: {  	s10 =	sld [smem:$0x3FB8]  }
0x39: {  	_ = 	snop;
	(pc) =	sbr.ind lr, $3  }
0x3a: {  	_ = 	snop  }
0x3b: {  	_ = 	snop  }
0x3c: {  	p2 =	seq.s32 s10, $0x1;
	s10 =	sld [smem:$0x3FB7]  }
0x3d: {  	_ =	shalt  }
0x3e: {  	_ =	shalt  }
0x3f: {  	_ =	shalt  }
0x40: {  	_ =	shalt  }
0x41: {  	_ =	shalt  }
0x42: {  	_ =	shalt  }
0x43: {  	_ =	shalt  }
0x44: {  	_ =	shalt  }
0x45: {  	_ =	shalt  }
0x46: {  	_ =	shalt  }
0x47: {  	_ =	shalt  }
0x48: {  	_ =	shalt  }
0x49: {  	_ =	shalt  }
0x4a: {  	_ =	shalt  }
0x4b: {  	_ =	shalt  }
0x4c: {  	_ =	shalt  }
0x4d: {  	_ =	shalt  }
0x4e: {  	_ =	shalt  }
0x4f: {  	_ =	shalt  }
0x50: {  	_ =	shalt  }
0x51: {  	_ =	shalt  }
0x52: {  	_ =	shalt  }
0x53: {  	_ =	shalt  }
0x54: {  	_ =	shalt  }
0x55: {  	_ =	shalt  }
0x56: {  	_ =	shalt  }
0x57: {  	_ =	shalt  }
0x58: {  	_ =	shalt  }
0x59: {  	_ =	shalt  }
0x5a: {  	_ =	shalt  }
0x5b: {  	_ =	shalt  }
0x5c: {  	_ =	shalt  }
0x5d: {  	_ =	shalt  }
0x5e: {  	_ =	shalt  }
0x5f: {  	_ =	shalt  }
0x60: {  	_ =	shalt  }
0x61: {  	_ =	shalt  }
0x62: {  	_ =	shalt  }
0x63: {  	_ =	shalt  }
0x64: {  	_ =	shalt  }
0x65: {  	_ =	shalt  }
0x66: {  	_ =	shalt  }
0x67: {  	_ =	shalt  }
0x68: {  	_ =	shalt  }
0x69: {  	_ =	shalt  }
0x6a: {  	_ =	shalt  }
0x6b: {  	_ =	shalt  }
0x6c: {  	_ =	shalt  }
0x6d: {  	_ =	shalt  }
0x6e: {  	_ =	shalt  }
0x6f: {  	_ =	shalt  }
0x70: {  	_ =	shalt  }
0x71: {  	_ =	shalt  }
0x72: {  	_ =	shalt  }
0x73: {  	_ =	shalt  }
0x74: {  	_ =	shalt  }
0x75: {  	_ =	shalt  }
0x76: {  	_ =	shalt  }
0x77: {  	_ =	shalt  }
0x78: {  	_ =	shalt  }
0x79: {  	_ =	shalt  }
0x7a: {  	_ =	shalt  }
0x7b: {  	_ =	shalt  }
0x7c: {  	_ =	shalt  }
0x7d: {  	_ =	shalt  }
0x7e: {  	_ =	shalt  }
0x7f: {  	_ =	shalt  }
0x80: {  	_ =	shalt  }
0x81: {  	_ =	shalt  }
0x82: {  	_ =	shalt  }
0x83: {  	_ =	shalt  }
0x84: {  	_ =	shalt  }
0x85: {  	_ =	shalt  }
0x86: {  	_ =	shalt  }
0x87: {  	_ =	shalt  }
.Lfunc_end0:
.L_simem_size_0:
called_computation_lowered:
.L_overlay_start_0:
0x88: {  	s2 =	sld [smem:$0x3FD9]  }
0x89: {  	s3 =	sld [smem:$0x3FFE];
	_ =	sdelay $0x1  }
0x8a: {  	s1 =	srdreg.scid  }
0x8b: {  	s0 =	sand.u32 $0x1, s1  }
0x8c: {  	s17 =	sshll.u32 s0, $0xA;
	s2 =	sadd.s32 s3, s2  }
0x8d: {  	s2 =	sadd.s32 s2, s17  }
0x8e: {  	[smem:$0x3FC3] =	sst s2  }
0x8f: {  	_ = 	snop  }
0x90: {  	s2 =	sld [smem:$0x3FD0];
	(tm) =	ssettm $0x1  }
0x91: {  	s18 =	sld [smem:$0x3FFB];
	_ =	sdelay $0x3  }
0x92: {  	_ =	strace s18  }
0x93: {  	s3 =	sld [smem:$0x3FFC];
	_ =	sdelay $0x3  }
0x94: {  	_ =	strace s3  }
0x95: {  	s3 =	sld [smem:$0x3FFD];
	_ =	sdelay $0x3  }
0x96: {  	_ =	strace s3  }
0x97: {  	_ =	strace $0x8FFFFFFF  }
0x98: {  	s19 =	sld [smem:$0x3FDB];
	_ =	sdelay $0x1  }
0x99: {  	s4 =	simm.s32 $_scs_section_size  }
0x9a: {  	s5 =	simm.s32 $_size__tile_overlayer_lowered;
	s6 =	simm.s32 $_tile_overlayer_lowered  }
0x9b: {  	s22 =	simm.s32 $0x1BFF;
	s21 =	sshll.u32 s6, $0x1;
	s3 =	sadd.s32 s4, s19  }
0x9c: {  	s7 =	simm.s32 $0x0;
	s20 =	sshll.u32 s5, $0x1;
	s5 =	sadd.s32 s21, s3  }
0x9d: {  	[timem:s7], [sflag:s22] =	dma.local [hbm:s5], s20  }
0x9e: {  	_ =	swait.ge [sflag:s22], s20  }
0x9f: {  	s4 =	ssub.s32 $0x0, s20;
	[sflag:s22] =	ssyncset.done $0x0  }
0xa0: {  	[sflag:s22] =	ssyncadd.s32 s4;
	_ =	sdelay $0x1  }
0xa1: {  	s23 =	simm.s32 $0x1B8B  }
0xa2: {  	_ =	swait.ge [sflag:s23], $0x1  }
0xa3: {  	[sflag:s23] =	ssyncset.done $0x0  }
0xa4: {  	s25 =	simm.s32 $0x1B8E;
	s24 =	sld [smem:$0x3FFE];
	[sflag:s23] =	ssyncadd.s32 $0xFFFFFFFF  }
0xa5: {  	s26 =	simm.s32 $execute0_lowered;
	[smem:$0x3FD2] =	sst s25  }
0xa6: {  	s5 =	sshll.u32 s26, $0x1;
	_ =	strace $0x80000046;
	[dreg:$0x1] =	wrdreg $0xFFFFFFFF  }
0xa7: {  	s28 =	simm.s32 $_size_execute0_lowered;
	s3 =	sadd.s32 s3, s5;
	[dreg:$0x0] =	wrdreg $0x0  }
0xa8: {  	s5 =	sshll.u32 s28, $0x1;
	[dreg:$0x2] =	wrdreg s3  }
0xa9: {  	[dreg:$0x3] =	wrdreg s5  }
0xaa: {  	[dreg:$0x4] =	wrdreg $0xC0  }
0xab: {  	_ =	task [dreg:s7], $0x5FFFF  }
0xac: {  	[dreg:$0x1] =	wrdreg $0xFFFFFFFF  }
0xad: {  	[dreg:$0x0] =	wrdreg $0x60  }
0xae: {  	[dreg:$0x2] =	wrdreg s2  }
0xaf: {  	[dreg:$0x3] =	wrdreg s24  }
0xb0: {  	[dreg:$0x4] =	wrdreg $0xAC000  }
0xb1: {  	[dreg:$0x5] =	wrdreg $0x9  }
0xb2: {  	_ =	task.clear_ibuf [dreg:s7], $0x6FFFF;
	_ =	strace $0x90000046  }
0xb3: {  	s29 =	simm.s32 $0x9;
	_ =	strace $0x80000048  }
0xb4: {  	_ =	swait.ge [sflag:s29], $0x1  }
0xb5: {  	[sflag:s29] =	ssyncadd.s32 $0xFFFFFFFF  }
0xb6: {  	_ =	strace $0x90000048  }
0xb7: {  	_ =	sfence  }
0xb8: {  	s30 =	sld [smem:$0x0];
	_ =	sdelay $0x2  }
0xb9: {  	s31 =	sshll.u32 s1, $0xD;
	s1 =	sshrl.u32 s1, $0x2  }
0xba: {  	s3 =	sand.u32 $0x4000, s31;
	s1 =	sadd.s32 s1, s30  }
0xbb: {  	s0 =	sor.u32 s3, s0;
	s1 =	sshll.u32 s1, $0x11  }
0xbc: {  	s0 =	sor.u32 s1, s0  }
0xbd: {  	s0 =	sadd.s32 $0x8F2B, s0  }
0xbe: {  	[sflag:s0] =	ssyncadd.remote.s32 $0x1  }
0xbf: {  	_ =	sfence.sel $0xFFFF  }
0xc0: {  	[dreg:$0x0] =	wrdreg $0xFFFFFFFF;
	(pc) =	sbr.abs _section_cstart, $3  }
0xc1: {  	[dreg:$0x1] =	wrdreg $0xFFFFFFFF  }
0xc2: {  	_ =	task.clear_ibuf [dreg:s7], $0x2FFFF;
	_ =	strace $0x9FFFFFFF  }
0xc3: {  	(tm) =	ssettm $0x7FFFFFFF  }
tec
execute0_lowered:
.L_overlay_start_1:
0x0: {  	(tag) =	ssettag $0x1  }
0x1: {  	s7 =	rddreg [dreg:$0x0]  }
0x2: {  	s14 =	rddreg [dreg:$0x1]  }
0x3: {  	s1 =	rddreg [dreg:$0x2]  }
0x4: {  	s0 =	rddreg [dreg:$0x3]  }
0x5: {  	s2 =	simm.s32 $0x0;
	s8 =	stileid.u32;
	s3 =	srdreg.scid  }
0x6: {  	[smem:$0x7FF] =	sst s2;
	s4 =	smul.u32 $0x50000, s8  }
0x7: {  	s28 =	sand.u32 $0x1, s3;
	s26 =	sshll.u32 s8, $0x1;
	s5 =	smul.u32 $0x2800, s8  }
0x8: {  	s31 =	sshll.u32 s8, $0x6;
	s9 =	sadd.s32 $0x140000, s1;
	s30 =	sshrl.u32 s4, $0x2  }
0x9: {  	_ =	strace $0x80000047;
	s3 =	sadd.s32 s7, s5;
	s6 =	sadd.s32 s30, s1  }
0xa: {  	s4 =	sor.u32 $0x1C05, s31;
	s5 =	sshrl.u32 s6, $0x3;
	s6 =	simm.s32 $0x5  }
0xb: {  	[spmem:s5], [sflag:s4] =	dma.local [hbm:s3], $0x2800  }
0xc: {  	p0 =	sne.s32 s8, $0x0;
	s15 =	sor.u32 s28, s26;
	_ =	swait.ge [sflag:s6], $0x2800  }
0xd: {  	s8 =	sshrl.u32 @!p0 s9, $0x3;
	s9 =	simm.s32 @!p0 $0x5;
	[sflag:s6] =	ssyncset.done $0x0  }
0xe: {  	s10 =	smul.u32 $0x7E, s15;
	s7 =	sadd.s32 $0x28000, s7;
	[sflag:s6] =	ssyncadd.s32 $0xFFFFD800  }
0xf: {  	[spmem:s8], [sflag:s4] =	dma.local @!p0 [hbm:s7], $0x20  }
0x10: {  	_ =	swait.ge @!p0 [sflag:s9], $0x20  }
0x11: {  	s10 =	sadd.s32 s10, s14;
	[sflag:s9] =	ssyncset.done @!p0 $0x0  }
0x12: {  	s10 =	sadd.s32 $0x2200, s10;
	[sflag:s9] =	ssyncadd.s32 @!p0 $0xFFFFFFE0  }
0x13: {  	[tilespmem:s2], [sflag:$0x5] =	stream.linear.gather [hbm4b:s10+s2], $0x3F0, $0x38;
	[tilespmem:$0x1EC10] =	vst v63  }
0x14: {  	_ =	swait.ge [sflag:s6], $0x3F0  }
0x15: {  	[sflag:s6] =	ssyncset.done $0x0  }
0x16: {  	s11 =	simm.s32 $0xA8;
	[sflag:s6] =	ssyncadd.s32 $0xFFFFFC10  }
0x17: {  	s12 =	simm.s32 $0x400;
	s13 =	simm.s32 $0x1;
	[bflag:$0x0] =	sbarrier.arrive $0xFFFF  }
0x18: {  	[tilespmem:s12], [sflag:$0x1] =	stream.indirect.gather [spmem:s1], $0x80, s2, s11, $0xb8;
	[tilespmem:$0x1EC10] =	vst v63  }
0x19: {  	s16 =	smul.u32 $0x3F00, s15;
	_ =	swait.ge [sflag:s13], $0x5400  }
0x1a: {  	s17 =	sadd.s32 $0x3200, s14;
	[sflag:s13] =	ssyncset.done $0x0  }
0x1b: {  	s14 =	sadd.s32 s17, s16;
	[sflag:s13] =	ssyncadd.s32 $0xFFFFAC00  }
0x1c: {  	[hbm4b:s14+s2] =	stream.linear.scatter [tilespmem:s12], [sflag:$0x3], $0x5400, $0x38;
	[tilespmem:$0x1EC10] =	vst v63  }
0x1d: {  	s18 =	smul.u32 $0x1F800, s15;
	s15 =	simm.s32 $0x5800;
	s16 =	simm.s32 $0x2  }
0x1e: {  	[tilespmem:s15], [sflag:$0x2] =	stream.indirect.gather [spmem:s1], $0x80, s11, s11, $0xb8;
	[tilespmem:$0x1EC10] =	vst v63  }
0x1f: {  	s18 =	sshrl.u32 s18, $0x3;
	_ =	swait.ge [sflag:s16], $0x5400  }
0x20: {  	s29 =	sadd.s32 s17, s18;
	[sflag:s16] =	ssyncset.done $0x0  }
0x21: {  	s18 =	simm.s32 $0x3;
	s17 =	sadd.s32 $0xA80, s29;
	[sflag:s16] =	ssyncadd.s32 $0xFFFFAC00  }
0x22: {  	[hbm4b:s17+s2] =	stream.linear.scatter [tilespmem:s15], [sflag:$0x4], $0x5400, $0x38;
	[tilespmem:$0x1EC10] =	vst v63  }
0x23: {  	_ =	swait.ge [sflag:s18], $0x5400  }
0x24: {  	[sflag:s18] =	ssyncset.done $0x0  }
0x25: {  	s19 =	simm.s32 $0x150;
	[sflag:s18] =	ssyncadd.s32 $0xFFFFAC00  }
0x26: {  	[tilespmem:s12], [sflag:$0x1] =	stream.indirect.gather [spmem:s1], $0x80, s19, s11, $0xb8;
	[tilespmem:$0x1EC10] =	vst v63  }
0x27: {  	_ =	swait.ge [sflag:s13], $0x5400  }
0x28: {  	[sflag:s13] =	ssyncset.done $0x0  }
0x29: {  	s20 =	simm.s32 $0x4;
	s21 =	sadd.s32 $0x1500, s29;
	[sflag:s13] =	ssyncadd.s32 $0xFFFFAC00  }
0x2a: {  	[hbm4b:s21+s2] =	stream.linear.scatter [tilespmem:s12], [sflag:$0x3], $0x5400, $0x38;
	[tilespmem:$0x1EC10] =	vst v63  }
0x2b: {  	_ =	swait.ge [sflag:s20], $0x5400  }
0x2c: {  	[sflag:s20] =	ssyncset.done $0x0  }
0x2d: {  	s22 =	simm.s32 $0x1F8;
	[sflag:s20] =	ssyncadd.s32 $0xFFFFAC00  }
0x2e: {  	[tilespmem:s15], [sflag:$0x2] =	stream.indirect.gather [spmem:s1], $0x80, s22, s11, $0xb8;
	[tilespmem:$0x1EC10] =	vst v63  }
0x2f: {  	_ =	swait.ge [sflag:s16], $0x5400  }
0x30: {  	[sflag:s16] =	ssyncset.done $0x0  }
0x31: {  	s23 =	sadd.s32 $0x1F80, s29;
	[sflag:s16] =	ssyncadd.s32 $0xFFFFAC00  }
0x32: {  	[hbm4b:s23+s2] =	stream.linear.scatter [tilespmem:s15], [sflag:$0x4], $0x5400, $0x38;
	[tilespmem:$0x1EC10] =	vst v63  }
0x33: {  	_ =	swait.ge [sflag:s18], $0x5400  }
0x34: {  	[sflag:s18] =	ssyncset.done $0x0  }
0x35: {  	s24 =	simm.s32 $0x2A0;
	[sflag:s18] =	ssyncadd.s32 $0xFFFFAC00  }
0x36: {  	[tilespmem:s12], [sflag:$0x1] =	stream.indirect.gather [spmem:s1], $0x80, s24, s11, $0xb8;
	[tilespmem:$0x1EC10] =	vst v63  }
0x37: {  	_ =	swait.ge [sflag:s13], $0x5400  }
0x38: {  	[sflag:s13] =	ssyncset.done $0x0  }
0x39: {  	s25 =	sadd.s32 $0x2A00, s29;
	[sflag:s13] =	ssyncadd.s32 $0xFFFFAC00  }
0x3a: {  	[hbm4b:s25+s2] =	stream.linear.scatter [tilespmem:s12], [sflag:$0x3], $0x5400, $0x38;
	[tilespmem:$0x1EC10] =	vst v63  }
0x3b: {  	s30 =	ssub.s32 $0x2, s28;
	_ =	swait.ge [sflag:s20], $0x5400  }
0x3c: {  	s28 =	sadd.s32 $0x3480, s29;
	s29 =	sshrl.u32 s30, $0x1;
	[sflag:s20] =	ssyncset.done $0x0  }
0x3d: {  	s26 =	simm.s32 $0x348;
	s29 =	ssub.s32 s30, s29;
	[sflag:s20] =	ssyncadd.s32 $0xFFFFAC00  }
0x3e: {  	[tilespmem:s15], [sflag:$0x2] =	stream.indirect.gather [spmem:s1], $0x80, s26, s11, $0xb8;
	[tilespmem:$0x1EC10] =	vst v63  }
0x3f: {  	s29 =	smax.u32 s29, $0x1;
	_ =	swait.ge [sflag:s16], $0x5400  }
0x40: {  	s29 =	sadd.s32 $0xFFFFFFFF, s29;
	[sflag:s16] =	ssyncset.done $0x0  }
0x41: {  	p1 =	sne.s32 s29, $0x0;
	[sflag:s16] =	ssyncadd.s32 $0xFFFFAC00  }
0x42: {  	[hbm4b:s28+s2] =	stream.linear.scatter [tilespmem:s15], [sflag:$0x4], $0x5400, $0x38;
	[tilespmem:$0x1EC10] =	vst v63  }
.Ltmp0:
0x43: {  	_ =	swait.ge [sflag:s18], $0x5400;
	(pc) =	sbr.rel @!p1 .LBB2_2-.Ltmp0, $4  }
0x44: {  	[sflag:s18] =	ssyncset.done $0x0  }
0x45: {  	[sflag:s18] =	ssyncadd.s32 $0xFFFFAC00  }
0x46: {  	_ =	swait.ge [sflag:s20], $0x5400  }
0x47: {  	[sflag:s20] =	ssyncset.done $0x0  }
.LBB2_1:
0x48: {  	s29 =	sadd.s32 $0xFFFFFFFF, s29;
	[sflag:s20] =	ssyncadd.s32 $0xFFFFAC00  }
0x49: {  	[spmem:s5], [sflag:s4] =	dma.local [hbm:s3], $0x2800  }
0x4a: {  	p1 =	sne.s32 s29, $0x0;
	_ =	swait.ge [sflag:s6], $0x2800  }
0x4b: {  	[sflag:s6] =	ssyncset.done $0x0  }
0x4c: {  	[sflag:s6] =	ssyncadd.s32 $0xFFFFD800  }
0x4d: {  	[spmem:s8], [sflag:s4] =	dma.local @!p0 [hbm:s7], $0x20  }
0x4e: {  	_ =	swait.ge @!p0 [sflag:s9], $0x20  }
0x4f: {  	[sflag:s9] =	ssyncset.done @!p0 $0x0  }
0x50: {  	[sflag:s9] =	ssyncadd.s32 @!p0 $0xFFFFFFE0  }
0x51: {  	[tilespmem:s2], [sflag:$0x5] =	stream.linear.gather [hbm4b:s10+s2], $0x3F0, $0x38;
	[tilespmem:$0x1EC10] =	vst v63  }
0x52: {  	_ =	swait.ge [sflag:s6], $0x3F0  }
0x53: {  	[sflag:s6] =	ssyncset.done $0x0  }
0x54: {  	[sflag:s6] =	ssyncadd.s32 $0xFFFFFC10  }
0x55: {  	[bflag:$0x0] =	sbarrier.arrive $0xFFFF  }
0x56: {  	[tilespmem:s12], [sflag:$0x1] =	stream.indirect.gather [spmem:s1], $0x80, s2, s11, $0xb8;
	[tilespmem:$0x1EC10] =	vst v63  }
0x57: {  	_ =	swait.ge [sflag:s13], $0x5400  }
0x58: {  	[sflag:s13] =	ssyncset.done $0x0  }
0x59: {  	[sflag:s13] =	ssyncadd.s32 $0xFFFFAC00  }
0x5a: {  	[hbm4b:s14+s2] =	stream.linear.scatter [tilespmem:s12], [sflag:$0x3], $0x5400, $0x38;
	[tilespmem:$0x1EC10] =	vst v63  }
0x5b: {  	_ = 	snop  }
0x5c: {  	[tilespmem:s15], [sflag:$0x2] =	stream.indirect.gather [spmem:s1], $0x80, s11, s11, $0xb8;
	[tilespmem:$0x1EC10] =	vst v63  }
0x5d: {  	_ =	swait.ge [sflag:s16], $0x5400  }
0x5e: {  	[sflag:s16] =	ssyncset.done $0x0  }
0x5f: {  	[sflag:s16] =	ssyncadd.s32 $0xFFFFAC00  }
0x60: {  	[hbm4b:s17+s2] =	stream.linear.scatter [tilespmem:s15], [sflag:$0x4], $0x5400, $0x38;
	[tilespmem:$0x1EC10] =	vst v63  }
0x61: {  	_ =	swait.ge [sflag:s18], $0x5400  }
0x62: {  	[sflag:s18] =	ssyncset.done $0x0  }
0x63: {  	[sflag:s18] =	ssyncadd.s32 $0xFFFFAC00  }
0x64: {  	[tilespmem:s12], [sflag:$0x1] =	stream.indirect.gather [spmem:s1], $0x80, s19, s11, $0xb8;
	[tilespmem:$0x1EC10] =	vst v63  }
0x65: {  	_ =	swait.ge [sflag:s13], $0x5400  }
0x66: {  	[sflag:s13] =	ssyncset.done $0x0  }
0x67: {  	[sflag:s13] =	ssyncadd.s32 $0xFFFFAC00  }
0x68: {  	[hbm4b:s21+s2] =	stream.linear.scatter [tilespmem:s12], [sflag:$0x3], $0x5400, $0x38;
	[tilespmem:$0x1EC10] =	vst v63  }
0x69: {  	_ =	swait.ge [sflag:s20], $0x5400  }
0x6a: {  	[sflag:s20] =	ssyncset.done $0x0  }
0x6b: {  	[sflag:s20] =	ssyncadd.s32 $0xFFFFAC00  }
0x6c: {  	[tilespmem:s15], [sflag:$0x2] =	stream.indirect.gather [spmem:s1], $0x80, s22, s11, $0xb8;
	[tilespmem:$0x1EC10] =	vst v63  }
0x6d: {  	_ =	swait.ge [sflag:s16], $0x5400  }
0x6e: {  	[sflag:s16] =	ssyncset.done $0x0  }
0x6f: {  	[sflag:s16] =	ssyncadd.s32 $0xFFFFAC00  }
0x70: {  	[hbm4b:s23+s2] =	stream.linear.scatter [tilespmem:s15], [sflag:$0x4], $0x5400, $0x38;
	[tilespmem:$0x1EC10] =	vst v63  }
0x71: {  	_ =	swait.ge [sflag:s18], $0x5400  }
0x72: {  	[sflag:s18] =	ssyncset.done $0x0  }
0x73: {  	[sflag:s18] =	ssyncadd.s32 $0xFFFFAC00  }
0x74: {  	[tilespmem:s12], [sflag:$0x1] =	stream.indirect.gather [spmem:s1], $0x80, s24, s11, $0xb8;
	[tilespmem:$0x1EC10] =	vst v63  }
0x75: {  	_ =	swait.ge [sflag:s13], $0x5400  }
0x76: {  	[sflag:s13] =	ssyncset.done $0x0  }
0x77: {  	[sflag:s13] =	ssyncadd.s32 $0xFFFFAC00  }
0x78: {  	[hbm4b:s25+s2] =	stream.linear.scatter [tilespmem:s12], [sflag:$0x3], $0x5400, $0x38;
	[tilespmem:$0x1EC10] =	vst v63  }
0x79: {  	_ =	swait.ge [sflag:s20], $0x5400  }
0x7a: {  	[sflag:s20] =	ssyncset.done $0x0  }
0x7b: {  	[sflag:s20] =	ssyncadd.s32 $0xFFFFAC00  }
0x7c: {  	[tilespmem:s15], [sflag:$0x2] =	stream.indirect.gather [spmem:s1], $0x80, s26, s11, $0xb8;
	[tilespmem:$0x1EC10] =	vst v63  }
0x7d: {  	_ =	swait.ge [sflag:s16], $0x5400  }
0x7e: {  	[sflag:s16] =	ssyncset.done $0x0  }
0x7f: {  	[sflag:s16] =	ssyncadd.s32 $0xFFFFAC00  }
0x80: {  	[hbm4b:s28+s2] =	stream.linear.scatter [tilespmem:s15], [sflag:$0x4], $0x5400, $0x38;
	[tilespmem:$0x1EC10] =	vst v63  }
.Ltmp1:
0x81: {  	_ =	swait.ge [sflag:s18], $0x5400;
	(pc) =	sbr.rel @p1 .LBB2_1-.Ltmp1, $4  }
0x82: {  	[sflag:s18] =	ssyncset.done $0x0  }
0x83: {  	[sflag:s18] =	ssyncadd.s32 $0xFFFFAC00  }
0x84: {  	_ =	swait.ge [sflag:s20], $0x5400  }
0x85: {  	[sflag:s20] =	ssyncset.done $0x0  }
.LBB2_2:
0x86: {  	[sflag:s20] =	ssyncadd.s32 $0xFFFFAC00  }
0x87: {  	_ =	sfence.sel $0x180000  }
0x88: {  	[bflag:$0x0] =	sbarrier.arrive $0xFFFF  }
0x89: {  	_ =	strace $0x90000047  }
0x8a: {  	s0 =	sadd.s32 @!p0 $0x100000, s0;
	[bflag:$0x2] =	sbarrier.arrive $0xFFFF  }
0x8b: {  	[sflag:s0] =	ssyncadd.tile.s32 @!p0 $0x1;
	_ =	shalt  }
.Lfunc_end2:
_tile_overlayer_lowered:
.L_overlay_start_2:
0x8c: {  	(tag) =	ssettag $0x2  }
0x8d: {  	s0 =	rddreg [dreg:$0x0];
	s2 =	stileid.u32  }
0x8e: {  	s1 =	rddreg [dreg:$0x1];
	p0 =	sne.s32 s2, $0x0  }
0x8f: {  	s3 =	rddreg [dreg:$0x2];
	[bflag:$0x3] =	sbarrier.arrive $0xFFFF;
	s2 =	simm.s32 @!p0 $0x1C05  }
0x90: {  	[timem:s3], [sflag:s2] =	dma.local @!p0 [hbm:s0], s1  }
0x91: {  	s0 =	simm.s32 @!p0 $0x5  }
0x92: {  	_ =	swait.ge @!p0 [sflag:s0], s1  }
0x93: {  	s1 =	ssub.s32 @!p0 $0x0, s1;
	[sflag:s0] =	ssyncset.done @!p0 $0x0  }
0x94: {  	[sflag:s0] =	ssyncadd.s32 @!p0 s1  }
0x95: {  	[bflag:$0x3] =	sbarrier.arrive $0xFFFF  }
0x96: {  	_ =	shalt  }

</sc_bundles>
